<compile_context>
chip_gen: v7x
topology: tpu7x:2x2x1
jax: 0.10.2.dev20260603
libtpu: 0.0.44.dev20260713+nightly
codegen_flags: <defaults>
</compile_context>

<pallas_src>
import functools

import jax
import jax.numpy as jnp
from jax import lax
from jax.experimental import pallas as pl
from jax.experimental.pallas import tpu as pltpu
from jax.experimental.pallas import tpu_sc as plsc

_N = 10000
_E = 10000
_G = 256
_NP = 10240
_EP = 10240
_NW = 32
_NCH = 4
_CH = 80
_SLICE = _NP // 16
_PR = 384
_PSL = _PR // 16



def _feat_body(x_ref, m1_ref, b1_ref, w2_ref, b2_ref, wfc_ref, bfc_ref,
               degt_ref, wg1_ref, z_ref, dis_ref):
    b = x_ref.shape[0]
    x1 = jnp.maximum(lax.dot_general(x_ref[...], m1_ref[...],
                                     (((1,), (0,)), ((), ())),
                                     preferred_element_type=jnp.float32)
                     + b1_ref[...], 0.0)
    acc = jnp.broadcast_to(bfc_ref[...], (b, 128))
    for g in range(15):
        xg = x1[:, 128 * g:128 * g + 192]
        y2 = jnp.maximum(lax.dot_general(xg, w2_ref[...],
                                         (((1,), (0,)), ((), ())),
                                         preferred_element_type=jnp.float32)
                         + b2_ref[...], 0.0)
        acc = acc + lax.dot_general(y2, wfc_ref[g],
                                    (((1,), (0,)), ((), ())),
                                    preferred_element_type=jnp.float32)
    dis = lax.rsqrt(degt_ref[:, 0:1] + degt_ref[:, 1:2] + 1.0)
    dis_ref[...] = dis
    z_ref[...] = dis * lax.dot_general(acc, wg1_ref[...], (((1,), (1,)), ((), ())),
                                       preferred_element_type=jnp.float32)


def _gcnmid_body(acc_ref, z1_ref, dis_ref, wg2_ref, bg1_ref, z2_ref):
    s = acc_ref[0] + acc_ref[1] + z1_ref[...]
    h = jnp.maximum(dis_ref[...] * s + bg1_ref[...], 0.0)
    z2_ref[...] = dis_ref[...] * lax.dot_general(
        h, wg2_ref[...], (((1,), (1,)), ((), ())),
        preferred_element_type=jnp.float32)


def _gcnout_body(acc_ref, z2_ref, dis_ref, bg2_ref, x2_ref):
    x2_ref[...] = dis_ref[...] * (acc_ref[0] + acc_ref[1] + z2_ref[...]) \
        + bg2_ref[...]


def _head_body(q_ref, wf1_ref, bf1_ref, wf2_ref, bf2_ref, o_ref):
    pooled = q_ref[0, 0:_G, :] + q_ref[1, 0:_G, :]
    h = jnp.maximum(lax.dot_general(pooled, wf1_ref[...], (((1,), (1,)), ((), ())),
                                    preferred_element_type=jnp.float32)
                    + bf1_ref[...], 0.0)
    o_ref[...] = lax.dot_general(h, wf2_ref[...], (((1,), (1,)), ((), ())),
                                 preferred_element_type=jnp.float32) + bf2_ref[...]



_MESH = plsc.VectorSubcoreMesh(core_axis_name="c", subcore_axis_name="s")


def _zero_ref(ref, nrows, ncols):
    z16 = jnp.zeros((16,), jnp.float32)

    def rowfn(i, _):
        def colfn(j, _):
            ref[i, pl.ds(j * 16, 16)] = z16
            return 0
        return lax.fori_loop(0, ncols // 16, colfn, 0)
    lax.fori_loop(0, nrows, rowfn, 0)


@functools.partial(
    pl.kernel,
    out_type=jax.ShapeDtypeStruct((2, _NP), jnp.float32),
    mesh=_MESH,
    scratch_types=[
        pltpu.VMEM((_NCH, _CH), jnp.int32),
        pltpu.VMEM((_CH,), jnp.float32),
        pltpu.VMEM((_SLICE,), jnp.float32),
        pltpu.VMEM_SHARED((_NP,), jnp.float32),
    ],
)
def _deg_kernel(col_hbm, out_hbm, col_v, ones_v, buf_v, acc_sh):
    cid = lax.axis_index("c")
    sid = lax.axis_index("s")
    wid = sid * 2 + cid

    z16 = jnp.zeros((16,), jnp.float32)
    o16 = jnp.ones((16,), jnp.float32)

    def zf(i, _):
        buf_v[pl.ds(i * 16, 16)] = z16
        return 0
    lax.fori_loop(0, _SLICE // 16, zf, 0)
    pltpu.sync_copy(buf_v, acc_sh.at[pl.ds(sid * _SLICE, _SLICE)])

    def of(i, _):
        ones_v[pl.ds(i * 16, 16)] = o16
        return 0
    lax.fori_loop(0, _CH // 16, of, 0)

    pltpu.sync_copy(col_hbm.at[wid], col_v)
    plsc.subcore_barrier()
    for j in range(_NCH):
        pltpu.sync_copy(ones_v, acc_sh.at[col_v.at[j]], add=True)
    plsc.subcore_barrier()
    pltpu.sync_copy(acc_sh.at[pl.ds(sid * _SLICE, _SLICE)], buf_v)
    pltpu.sync_copy(buf_v, out_hbm.at[cid, pl.ds(sid * _SLICE, _SLICE)])


@functools.partial(
    pl.kernel,
    out_type=jax.ShapeDtypeStruct((2, _NP, 128), jnp.float32),
    mesh=_MESH,
    scratch_types=[
        pltpu.VMEM((_NCH, _CH), jnp.int32),
        pltpu.VMEM((_NCH, _CH), jnp.int32),
        pltpu.VMEM((_CH, 128), jnp.float32),
        pltpu.VMEM((_CH, 128), jnp.float32),
        pltpu.VMEM_SHARED((_NP, 128), jnp.float32),
        pltpu.SemaphoreType.DMA,
        pltpu.SemaphoreType.DMA,
    ],
)
def _edge_scatter_kernel(z_hbm, row_hbm, col_hbm, out_hbm,
                         row_v, col_v, buf0, buf1, acc_sh, sem0, sem1):
    cid = lax.axis_index("c")
    sid = lax.axis_index("s")
    wid = sid * 2 + cid

    _zero_ref(buf0, _CH, 128)

    def zf(k, _):
        pltpu.sync_copy(buf0, acc_sh.at[pl.ds(sid * _SLICE + k * _CH, _CH)])
        return 0
    lax.fori_loop(0, _SLICE // _CH, zf, 0)

    pltpu.sync_copy(row_hbm.at[wid], row_v)
    pltpu.sync_copy(col_hbm.at[wid], col_v)
    plsc.subcore_barrier()

    bufs = (buf0, buf1)
    sems = (sem0, sem1)
    cps = [None] * _NCH
    cps[0] = pltpu.async_copy(z_hbm.at[row_v.at[0]], buf0, sem0)
    for j in range(_NCH):
        if j + 1 < _NCH:
            cps[j + 1] = pltpu.async_copy(z_hbm.at[row_v.at[j + 1]],
                                          bufs[(j + 1) % 2], sems[(j + 1) % 2])
        cps[j].wait()
        pltpu.sync_copy(bufs[j % 2], acc_sh.at[col_v.at[j]], add=True)
    plsc.subcore_barrier()

    def wf(k, _):
        pltpu.sync_copy(acc_sh.at[pl.ds(sid * _SLICE + k * _CH, _CH)], buf0)
        pltpu.sync_copy(buf0, out_hbm.at[cid, pl.ds(sid * _SLICE + k * _CH, _CH)])
        return 0
    lax.fori_loop(0, _SLICE // _CH, wf, 0)


@functools.partial(
    pl.kernel,
    out_type=jax.ShapeDtypeStruct((2, _PR, 128), jnp.float32),
    mesh=_MESH,
    scratch_types=[
        pltpu.VMEM((_NCH, _CH), jnp.int32),
        pltpu.VMEM((_NCH, _CH), jnp.int32),
        pltpu.VMEM((_CH, 128), jnp.float32),
        pltpu.VMEM((_PSL, 128), jnp.float32),
        pltpu.VMEM_SHARED((_PR, 128), jnp.float32),
        pltpu.SemaphoreType.DMA,
    ],
)
def _pool_kernel(x2_hbm, row_hbm, batch_hbm, out_hbm,
                 row_v, g_v, buf_v, stg_v, acc_sh, sem):
    cid = lax.axis_index("c")
    sid = lax.axis_index("s")
    wid = sid * 2 + cid

    _zero_ref(stg_v, _PSL, 128)
    pltpu.sync_copy(stg_v, acc_sh.at[pl.ds(sid * _PSL, _PSL)])

    pltpu.sync_copy(row_hbm.at[wid], row_v)
    for j in range(_NCH):
        pltpu.async_copy(batch_hbm.at[row_v.at[j]], g_v.at[j], sem).wait()
    plsc.subcore_barrier()

    for j in range(_NCH):
        @pl.when(wid * _NCH * _CH + j * _CH < _N)
        def _():
            pltpu.sync_copy(x2_hbm.at[pl.ds(wid * _NCH * _CH + j * _CH, _CH)],
                            buf_v)
            pltpu.sync_copy(buf_v, acc_sh.at[g_v.at[j]], add=True)
    plsc.subcore_barrier()

    pltpu.sync_copy(acc_sh.at[pl.ds(sid * _PSL, _PSL)], stg_v)
    pltpu.sync_copy(stg_v, out_hbm.at[cid, pl.ds(sid * _PSL, _PSL)])



def kernel(edge_attr, edge_index, batch, W1, b1, W2, b2, Wfc, bfc,
           Wg1, bg1, Wg2, bg2, Wf1, bf1, Wf2, bf2):
    f32 = jnp.float32
    xflat = edge_attr.reshape(_N, 720).astype(jnp.bfloat16)
    cols = jnp.arange(124)
    colmask = ((cols >= 2) & (cols < 122)).astype(f32)
    m1 = jnp.zeros((6, 120, 124, 16), f32)
    for k in range(5):
        ek = jnp.eye(120, 124, k=4 - k, dtype=f32) * colmask[None, :]
        m1 = m1 + jnp.einsum('hp,oi->ihpo', ek, W1[:, :, k])
    m1 = m1.reshape(720, 1984).astype(jnp.bfloat16)
    b1h = (jnp.tile(b1[None, :], (124, 1)) * colmask[:, None]).reshape(1, 1984)
    w2blk = jnp.zeros((12, 16, 8, 32), f32)
    for k in range(5):
        e2 = jnp.eye(8, 12, k=k, dtype=f32)
        w2blk = w2blk + jnp.einsum('hp,ci->pihc', e2, W2[:, :, k])
    w2blk = w2blk.reshape(192, 256)
    b2h = jnp.tile(b2[None, :], (8, 1)).reshape(1, 256)
    wfc_r = Wfc.reshape(128, 32, 120).transpose(2, 1, 0).reshape(15, 256, 128)
    row = edge_index[0]
    col = edge_index[1]
    row_p = jnp.concatenate([row, jnp.zeros((_EP - _E,), jnp.int32)]) \
        .reshape(_NW, _NCH, _CH)
    col_p = jnp.concatenate([col, jnp.full((_EP - _E,), _N, jnp.int32)]) \
        .reshape(_NW, _NCH, _CH)

    degs = _deg_kernel(col_p)
    degt = jnp.transpose(degs, (1, 0))

    bb = 2000
    z1, dis = pl.pallas_call(
        _feat_body,
        grid=(_N // bb,),
        in_specs=[
            pl.BlockSpec((bb, 720), lambda i: (i, 0)),
            pl.BlockSpec((720, 1984), lambda i: (0, 0)),
            pl.BlockSpec((1, 1984), lambda i: (0, 0)),
            pl.BlockSpec((192, 256), lambda i: (0, 0)),
            pl.BlockSpec((1, 256), lambda i: (0, 0)),
            pl.BlockSpec((15, 256, 128), lambda i: (0, 0, 0)),
            pl.BlockSpec((1, 128), lambda i: (0, 0)),
            pl.BlockSpec((bb, 2), lambda i: (i, 0)),
            pl.BlockSpec((128, 128), lambda i: (0, 0)),
        ],
        out_specs=[pl.BlockSpec((bb, 128), lambda i: (i, 0)),
                   pl.BlockSpec((bb, 1), lambda i: (i, 0))],
        out_shape=[jax.ShapeDtypeStruct((_N, 128), f32),
                   jax.ShapeDtypeStruct((_N, 1), f32)],
    )(xflat, m1, b1h, w2blk, b2h, wfc_r, bfc.reshape(1, 128), degt, Wg1)

    acc1 = _edge_scatter_kernel(z1, row_p, col_p)

    rb = 1000
    z2 = pl.pallas_call(
        _gcnmid_body,
        grid=(_N // rb,),
        in_specs=[
            pl.BlockSpec((2, rb, 128), lambda i: (0, i, 0)),
            pl.BlockSpec((rb, 128), lambda i: (i, 0)),
            pl.BlockSpec((rb, 1), lambda i: (i, 0)),
            pl.BlockSpec((128, 128), lambda i: (0, 0)),
            pl.BlockSpec((1, 128), lambda i: (0, 0)),
        ],
        out_specs=pl.BlockSpec((rb, 128), lambda i: (i, 0)),
        out_shape=jax.ShapeDtypeStruct((_N, 128), f32),
    )(acc1, z1, dis, Wg2, bg1.reshape(1, 128))

    acc2 = _edge_scatter_kernel(z2, row_p, col_p)

    x2 = pl.pallas_call(
        _gcnout_body,
        grid=(_N // rb,),
        in_specs=[
            pl.BlockSpec((2, rb, 128), lambda i: (0, i, 0)),
            pl.BlockSpec((rb, 128), lambda i: (i, 0)),
            pl.BlockSpec((rb, 1), lambda i: (i, 0)),
            pl.BlockSpec((1, 128), lambda i: (0, 0)),
        ],
        out_specs=pl.BlockSpec((rb, 128), lambda i: (i, 0)),
        out_shape=jax.ShapeDtypeStruct((_N, 128), f32),
    )(acc2, z2, dis, bg2.reshape(1, 128))

    q = _pool_kernel(x2, row_p, batch)

    out = pl.pallas_call(
        _head_body,
        in_specs=[
            pl.BlockSpec((2, _PR, 128), lambda: (0, 0, 0)),
            pl.BlockSpec((256, 128), lambda: (0, 0)),
            pl.BlockSpec((1, 256), lambda: (0, 0)),
            pl.BlockSpec((128, 256), lambda: (0, 0)),
            pl.BlockSpec((1, 128), lambda: (0, 0)),
        ],
        out_specs=pl.BlockSpec((_G, 128), lambda: (0, 0)),
        out_shape=jax.ShapeDtypeStruct((_G, 128), f32),
    )(q, Wf1, bf1.reshape(1, 256), Wf2, bf2.reshape(1, 128))
    return out

# --- scband reference (transcript-rebuilt; emitter-appended) ---
"""Pipeline reference for scband-edge-gcn-70128226009697 (READ-ONLY COPY).

The authoritative reference and input builder live on the scoring server;
editing this copy changes nothing except your own understanding.
"""

import jax, jax.numpy as jnp
import numpy as np

N = 10000
E = 10000
IN_C = 128
HID = 128
OUT_C = 128
FC_H = 256
NUM_GRAPHS = 256


def _conv1d(x, W, b, pad):
    out = jax.lax.conv_general_dilated(x, W, window_strides=(1,), padding=[(pad, pad)], dimension_numbers=('NCH', 'OIH', 'NCH'))
    return out + b[None, :, None]


def _gcn(x, row, col, W, b, n):
    # PyG GCNConv: add self loops, symmetric normalization, linear (no bias) + bias
    xw = x @ W.T
    sl = jnp.arange(n, dtype=row.dtype)
    r = jnp.concatenate([row, sl])
    c = jnp.concatenate([col, sl])
    deg = jnp.zeros((n,), x.dtype).at[c].add(1.0)
    dis = jnp.where(deg > 0, 1.0 / jnp.sqrt(deg), 0.0)
    norm = dis[r] * dis[c]
    out = jnp.zeros((n, W.shape[0]), x.dtype).at[c].add(xw[r] * norm[:, None])
    return out + b


def setup_inputs(seed: int = 0):
    key = jax.random.key(seed)
    ks = jax.random.split(key, 20)
    s = 0.05
    inp = {}
    inp['edge_attr'] = jax.random.normal(ks[0], (N, 6, 120), dtype=jnp.float32)
    inp['edge_index'] = jax.random.randint(ks[1], (2, E), 0, N, dtype=jnp.int32)
    inp['batch'] = jnp.sort(jax.random.randint(ks[2], (N,), 0, NUM_GRAPHS, dtype=jnp.int32))
    inp['W1'] = s * jax.random.normal(ks[3], (16, 6, 5), dtype=jnp.float32)
    inp['b1'] = jnp.zeros((16,), dtype=jnp.float32)
    inp['W2'] = s * jax.random.normal(ks[4], (32, 16, 5), dtype=jnp.float32)
    inp['b2'] = jnp.zeros((32,), dtype=jnp.float32)
    inp['Wfc'] = s * jax.random.normal(ks[5], (IN_C, 32 * 120), dtype=jnp.float32)
    inp['bfc'] = jnp.zeros((IN_C,), dtype=jnp.float32)
    inp['Wg1'] = s * jax.random.normal(ks[6], (HID, IN_C), dtype=jnp.float32)
    inp['bg1'] = jnp.zeros((HID,), dtype=jnp.float32)
    inp['Wg2'] = s * jax.random.normal(ks[7], (OUT_C, HID), dtype=jnp.float32)
    inp['bg2'] = jnp.zeros((OUT_C,), dtype=jnp.float32)
    inp['Wf1'] = s * jax.random.normal(ks[8], (FC_H, OUT_C), dtype=jnp.float32)
    inp['bf1'] = jnp.zeros((FC_H,), dtype=jnp.float32)
    inp['Wf2'] = s * jax.random.normal(ks[9], (OUT_C, FC_H), dtype=jnp.float32)
    inp['bf2'] = jnp.zeros((OUT_C,), dtype=jnp.float32)
    return inp


def reference(edge_attr, edge_index, batch, W1, b1, W2, b2, Wfc, bfc, Wg1, bg1, Wg2, bg2, Wf1, bf1, Wf2, bf2):
    x = jax.nn.relu(_conv1d(edge_attr, W1, b1, 2))
    x = jax.nn.relu(_conv1d(x, W2, b2, 2))
    x = x.reshape(x.shape[0], -1)
    x = x @ Wfc.T + bfc
    row = edge_index[0]
    col = edge_index[1]
    x = jax.nn.relu(_gcn(x, row, col, Wg1, bg1, N))
    x = _gcn(x, row, col, Wg2, bg2, N)
    num_graphs = NUM_GRAPHS
    out = jnp.zeros((num_graphs, x.shape[1]), x.dtype).at[batch[row]].add(x)
    x = jax.nn.relu(out @ Wf1.T + bf1)
    x = x @ Wf2.T + bf2
    return x

if __name__ == "__main__":
    import jax
    _d = setup_inputs()
    print(jax.jit(kernel)(*tuple(_d.values())))

</pallas_src>

<mosaic_0001>
#map = affine_map<(d0, d1) -> (0, 0)>
#map1 = affine_map<(d0, d1) -> (0, 0, 0)>
module attributes {stable_mosaic.version = 14 : i64} {
  func.func @_edge_scatter_kernel(%arg0: i32, %arg1: i32, %arg2: memref<10000x128xf32, #tpu.memory_space<hbm>>, %arg3: memref<32x4x80xi32, #tpu.memory_space<hbm>>, %arg4: memref<32x4x80xi32, #tpu.memory_space<hbm>>, %arg5: memref<2x10240x128xf32, #tpu.memory_space<hbm>>, %arg6: memref<4x80xi32, #tpu.memory_space<vmem>>, %arg7: memref<4x80xi32, #tpu.memory_space<vmem>>, %arg8: memref<80x128xf32, #tpu.memory_space<vmem>>, %arg9: memref<80x128xf32, #tpu.memory_space<vmem>>, %arg10: memref<10240x128xf32, #tpu.memory_space<vmem_shared>>, %arg11: memref<!tpu.dma_semaphore, #tpu.memory_space<semaphore_mem>>, %arg12: memref<!tpu.dma_semaphore, #tpu.memory_space<semaphore_mem>>) attributes {dimension_semantics = [#tpu.dimension_semantics<core_parallel>, #tpu.dimension_semantics<subcore_parallel>], iteration_bounds = array<i64: 2, 16>, scalar_prefetch = 0 : i64, scratch_operands = 7 : i64, tpu.core_type = #tpu.core_type<sc_vector_subcore>, window_params = [{transform_indices = #map}, {transform_indices = #map1}, {transform_indices = #map1}, {transform_indices = #map1}]} {
    %mul3A = arith.constant 2 : i32
    %mul3A_0 = arith.muli %arg1, %mul3A : i32
    %add3A = arith.addi %mul3A_0, %arg0 : i32
    %broadcast_in_dim3A = arith.constant 0.000000e+00 : f32
    %broadcast_in_dim3A_1 = vector.broadcast %broadcast_in_dim3A : f32 to vector<16xf32>
    %scan3A = arith.constant 0 : i32
    %scan3A_2 = arith.constant 0 : i32
    %scan3A_3 = arith.constant 80 : i32
    %scan3A_4 = arith.addi %scan3A_2, %scan3A_3 : i32
    %scan3A_5 = arith.constant 1 : i32
    %scan3A_6 = scf.for %scan3A_80 = %scan3A_2 to %scan3A_4 step %scan3A_5 iter_args(%scan3A_81 = %scan3A) -> (i32)  : i32 {
      %scan3A_82 = arith.constant 0 : i32
      %scan3A_83 = arith.constant 0 : i32
      %scan3A_84 = arith.constant 8 : i32
      %scan3A_85 = arith.addi %scan3A_83, %scan3A_84 : i32
      %scan3A_86 = arith.constant 1 : i32
      %scan3A_87 = scf.for %scan3A_89 = %scan3A_83 to %scan3A_85 step %scan3A_86 iter_args(%scan3A_90 = %scan3A_82) -> (i32)  : i32 {
        %mul3A_91 = arith.constant 16 : i32
        %mul3A_92 = arith.muli %scan3A_89, %mul3A_91 : i32
        %swap3A = arith.index_cast %scan3A_80 : i32 to index
        %swap3A_93 = arith.index_cast %mul3A_92 : i32 to index
        %swap3A_94 = tpu.vector_load %arg8[%swap3A, %swap3A_93] {strides = array<i32>} : memref<80x128xf32, #tpu.memory_space<vmem>>, vector<1x16xf32>,
        %swap3A_95 = vector.shape_cast %swap3A_94 : vector<1x16xf32> to vector<16xf32>
        %swap3A_96 = vector.shape_cast %broadcast_in_dim3A_1 : vector<16xf32> to vector<1x16xf32>
        tpu.vector_store %arg8[%swap3A, %swap3A_93], %swap3A_96 {strides = array<i32>} : memref<80x128xf32, #tpu.memory_space<vmem>>, vector<1x16xf32>,
        %scan3A_97 = arith.constant 0 : i32
        scf.yield %scan3A_97 : i32
      }
      %scan3A_88 = arith.constant 8 : i32
      scf.yield %scan3A_87 : i32
    }
    %scan3A_7 = arith.constant 80 : i32
    %scan3A_8 = arith.constant 0 : i32
    %scan3A_9 = arith.constant 0 : i32
    %scan3A_10 = arith.constant 8 : i32
    %scan3A_11 = arith.addi %scan3A_9, %scan3A_10 : i32
    %scan3A_12 = arith.constant 1 : i32
    %scan3A_13 = scf.for %scan3A_80 = %scan3A_9 to %scan3A_11 step %scan3A_12 iter_args(%scan3A_81 = %scan3A_8) -> (i32)  : i32 {
      %mul3A_82 = arith.constant 640 : i32
      %mul3A_83 = arith.muli %arg1, %mul3A_82 : i32
      %mul3A_84 = arith.constant 80 : i32
      %mul3A_85 = arith.muli %scan3A_80, %mul3A_84 : i32
      %add3A_86 = arith.addi %mul3A_83, %mul3A_85 : i32
      "tpu.region"() ({
        %run_scoped3A_88 = tpu.sem_alloc : memref<!tpu.dma_semaphore, #tpu.memory_space<semaphore_mem>>
        %dma_start3A_89 = arith.constant 0 : i32
        %dma_start3A_90 = tpu.memref_slice %arg10[%add3A_86, %dma_start3A_89] : memref<10240x128xf32, #tpu.memory_space<vmem_shared>> -> memref<80x128xf32, #tpu.memory_space<vmem_shared>>
        %dma_start3A_91 = arith.constant 0 : i32
        %dma_start3A_92 = tpu.memref_slice %arg10[%add3A_86, %dma_start3A_91] : memref<10240x128xf32, #tpu.memory_space<vmem_shared>> -> memref<80x128xf32, #tpu.memory_space<vmem_shared>>
        tpu.enqueue_dma source(%arg8 : memref<80x128xf32, #tpu.memory_space<vmem>>) target(%dma_start3A_92 : memref<80x128xf32, #tpu.memory_space<vmem_shared>>) target_semaphore(%run_scoped3A_88 : memref<!tpu.dma_semaphore, #tpu.memory_space<semaphore_mem>>)
        %dma_wait3A_93 = arith.constant 0 : i32
        %dma_wait3A_94 = tpu.memref_slice %arg10[%add3A_86, %dma_wait3A_93] : memref<10240x128xf32, #tpu.memory_space<vmem_shared>> -> memref<80x128xf32, #tpu.memory_space<vmem_shared>>
        %dma_wait3A_95 = arith.constant 0 : i32
        %dma_wait3A_96 = tpu.memref_slice %arg10[%add3A_86, %dma_wait3A_95] : memref<10240x128xf32, #tpu.memory_space<vmem_shared>> -> memref<80x128xf32, #tpu.memory_space<vmem_shared>>
        tpu.wait_dma2 semaphore(%run_scoped3A_88 : memref<!tpu.dma_semaphore, #tpu.memory_space<semaphore_mem>>) src(%arg8 : memref<80x128xf32, #tpu.memory_space<vmem>>) dst(%dma_wait3A_96 : memref<80x128xf32, #tpu.memory_space<vmem_shared>>)
        tpu.yield
      }) : () -> ()
      %scan3A_87 = arith.constant 0 : i32
      scf.yield %scan3A_87 : i32
    }
    %scan3A_14 = arith.constant 8 : i32
    "tpu.region"() ({
      %run_scoped3A_80 = tpu.sem_alloc : memref<!tpu.dma_semaphore, #tpu.memory_space<semaphore_mem>>
      %dma_start3A_81 = arith.constant 0 : i32
      %dma_start3A_82 = arith.constant 0 : i32
      %dma_start3A_83 = tpu.memref_slice %arg3[%add3A, %dma_start3A_81, %dma_start3A_82] : memref<32x4x80xi32, #tpu.memory_space<hbm>> -> memref<1x4x80xi32, #tpu.memory_space<hbm>>
      %dma_start3A_84 = tpu.memref_squeeze %dma_start3A_83 : memref<1x4x80xi32, #tpu.memory_space<hbm>> -> memref<4x80xi32, #tpu.memory_space<hbm>>
      %dma_start3A_85 = arith.constant 0 : i32
      %dma_start3A_86 = arith.constant 0 : i32
      %dma_start3A_87 = tpu.memref_slice %arg3[%add3A, %dma_start3A_85, %dma_start3A_86] : memref<32x4x80xi32, #tpu.memory_space<hbm>> -> memref<1x4x80xi32, #tpu.memory_space<hbm>>
      %dma_start3A_88 = tpu.memref_squeeze %dma_start3A_87 : memref<1x4x80xi32, #tpu.memory_space<hbm>> -> memref<4x80xi32, #tpu.memory_space<hbm>>
      tpu.enqueue_dma source(%dma_start3A_88 : memref<4x80xi32, #tpu.memory_space<hbm>>) target(%arg6 : memref<4x80xi32, #tpu.memory_space<vmem>>) target_semaphore(%run_scoped3A_80 : memref<!tpu.dma_semaphore, #tpu.memory_space<semaphore_mem>>)
      %dma_wait3A_89 = arith.constant 0 : i32
      %dma_wait3A_90 = arith.constant 0 : i32
      %dma_wait3A_91 = tpu.memref_slice %arg3[%add3A, %dma_wait3A_89, %dma_wait3A_90] : memref<32x4x80xi32, #tpu.memory_space<hbm>> -> memref<1x4x80xi32, #tpu.memory_space<hbm>>
      %dma_wait3A_92 = tpu.memref_squeeze %dma_wait3A_91 : memref<1x4x80xi32, #tpu.memory_space<hbm>> -> memref<4x80xi32, #tpu.memory_space<hbm>>
      %dma_wait3A_93 = arith.constant 0 : i32
      %dma_wait3A_94 = arith.constant 0 : i32
      %dma_wait3A_95 = tpu.memref_slice %arg3[%add3A, %dma_wait3A_93, %dma_wait3A_94] : memref<32x4x80xi32, #tpu.memory_space<hbm>> -> memref<1x4x80xi32, #tpu.memory_space<hbm>>
      %dma_wait3A_96 = tpu.memref_squeeze %dma_wait3A_95 : memref<1x4x80xi32, #tpu.memory_space<hbm>> -> memref<4x80xi32, #tpu.memory_space<hbm>>
      tpu.wait_dma2 semaphore(%run_scoped3A_80 : memref<!tpu.dma_semaphore, #tpu.memory_space<semaphore_mem>>) src(%dma_wait3A_96 : memref<4x80xi32, #tpu.memory_space<hbm>>) dst(%arg6 : memref<4x80xi32, #tpu.memory_space<vmem>>)
      tpu.yield
    }) : () -> ()
    "tpu.region"() ({
      %run_scoped3A_80 = tpu.sem_alloc : memref<!tpu.dma_semaphore, #tpu.memory_space<semaphore_mem>>
      %dma_start3A_81 = arith.constant 0 : i32
      %dma_start3A_82 = arith.constant 0 : i32
      %dma_start3A_83 = tpu.memref_slice %arg4[%add3A, %dma_start3A_81, %dma_start3A_82] : memref<32x4x80xi32, #tpu.memory_space<hbm>> -> memref<1x4x80xi32, #tpu.memory_space<hbm>>
      %dma_start3A_84 = tpu.memref_squeeze %dma_start3A_83 : memref<1x4x80xi32, #tpu.memory_space<hbm>> -> memref<4x80xi32, #tpu.memory_space<hbm>>
      %dma_start3A_85 = arith.constant 0 : i32
      %dma_start3A_86 = arith.constant 0 : i32
      %dma_start3A_87 = tpu.memref_slice %arg4[%add3A, %dma_start3A_85, %dma_start3A_86] : memref<32x4x80xi32, #tpu.memory_space<hbm>> -> memref<1x4x80xi32, #tpu.memory_space<hbm>>
      %dma_start3A_88 = tpu.memref_squeeze %dma_start3A_87 : memref<1x4x80xi32, #tpu.memory_space<hbm>> -> memref<4x80xi32, #tpu.memory_space<hbm>>
      tpu.enqueue_dma source(%dma_start3A_88 : memref<4x80xi32, #tpu.memory_space<hbm>>) target(%arg7 : memref<4x80xi32, #tpu.memory_space<vmem>>) target_semaphore(%run_scoped3A_80 : memref<!tpu.dma_semaphore, #tpu.memory_space<semaphore_mem>>)
      %dma_wait3A_89 = arith.constant 0 : i32
      %dma_wait3A_90 = arith.constant 0 : i32
      %dma_wait3A_91 = tpu.memref_slice %arg4[%add3A, %dma_wait3A_89, %dma_wait3A_90] : memref<32x4x80xi32, #tpu.memory_space<hbm>> -> memref<1x4x80xi32, #tpu.memory_space<hbm>>
      %dma_wait3A_92 = tpu.memref_squeeze %dma_wait3A_91 : memref<1x4x80xi32, #tpu.memory_space<hbm>> -> memref<4x80xi32, #tpu.memory_space<hbm>>
      %dma_wait3A_93 = arith.constant 0 : i32
      %dma_wait3A_94 = arith.constant 0 : i32
      %dma_wait3A_95 = tpu.memref_slice %arg4[%add3A, %dma_wait3A_93, %dma_wait3A_94] : memref<32x4x80xi32, #tpu.memory_space<hbm>> -> memref<1x4x80xi32, #tpu.memory_space<hbm>>
      %dma_wait3A_96 = tpu.memref_squeeze %dma_wait3A_95 : memref<1x4x80xi32, #tpu.memory_space<hbm>> -> memref<4x80xi32, #tpu.memory_space<hbm>>
      tpu.wait_dma2 semaphore(%run_scoped3A_80 : memref<!tpu.dma_semaphore, #tpu.memory_space<semaphore_mem>>) src(%dma_wait3A_96 : memref<4x80xi32, #tpu.memory_space<hbm>>) dst(%arg7 : memref<4x80xi32, #tpu.memory_space<vmem>>)
      tpu.yield
    }) : () -> ()
    %barrier3A = arith.constant 0 : index
    tpu.barrier barrier_id(%barrier3A)
    %dma_start3A = arith.constant 0 : i32
    %dma_start3A_15 = arith.constant 0 : i32
    %dma_start3A_16 = tpu.memref_slice %arg6[%dma_start3A, %dma_start3A_15] : memref<4x80xi32, #tpu.memory_space<vmem>> -> memref<1x80xi32, #tpu.memory_space<vmem>>
    %dma_start3A_17 = tpu.memref_squeeze %dma_start3A_16 : memref<1x80xi32, #tpu.memory_space<vmem>> -> memref<80xi32, #tpu.memory_space<vmem>>
    %dma_start3A_18 = arith.constant 0 : i32
    %dma_start3A_19 = arith.constant 0 : i32
    %dma_start3A_20 = tpu.memref_slice %arg2[%dma_start3A_18, %dma_start3A_19] : memref<10000x128xf32, #tpu.memory_space<hbm>> -> memref<10000x128xf32, #tpu.memory_space<hbm>>
    tpu.enqueue_indirect_dma source(%dma_start3A_20 : memref<10000x128xf32, #tpu.memory_space<hbm>>) target(%arg8 : memref<80x128xf32, #tpu.memory_space<vmem>>) offsets(%dma_start3A_17 : memref<80xi32, #tpu.memory_space<vmem>>) semaphore(%arg11 : memref<!tpu.dma_semaphore, #tpu.memory_space<semaphore_mem>>)
    %dma_start3A_21 = arith.constant 1 : i32
    %dma_start3A_22 = arith.constant 0 : i32
    %dma_start3A_23 = tpu.memref_slice %arg6[%dma_start3A_21, %dma_start3A_22] : memref<4x80xi32, #tpu.memory_space<vmem>> -> memref<1x80xi32, #tpu.memory_space<vmem>>
    %dma_start3A_24 = tpu.memref_squeeze %dma_start3A_23 : memref<1x80xi32, #tpu.memory_space<vmem>> -> memref<80xi32, #tpu.memory_space<vmem>>
    %dma_start3A_25 = arith.constant 0 : i32
    %dma_start3A_26 = arith.constant 0 : i32
    %dma_start3A_27 = tpu.memref_slice %arg2[%dma_start3A_25, %dma_start3A_26] : memref<10000x128xf32, #tpu.memory_space<hbm>> -> memref<10000x128xf32, #tpu.memory_space<hbm>>
    tpu.enqueue_indirect_dma source(%dma_start3A_27 : memref<10000x128xf32, #tpu.memory_space<hbm>>) target(%arg9 : memref<80x128xf32, #tpu.memory_space<vmem>>) offsets(%dma_start3A_24 : memref<80xi32, #tpu.memory_space<vmem>>) semaphore(%arg12 : memref<!tpu.dma_semaphore, #tpu.memory_space<semaphore_mem>>)
    %dma_wait3A = arith.constant 0 : i32
    %dma_wait3A_28 = arith.constant 0 : i32
    %dma_wait3A_29 = tpu.memref_slice %arg6[%dma_wait3A, %dma_wait3A_28] : memref<4x80xi32, #tpu.memory_space<vmem>> -> memref<1x80xi32, #tpu.memory_space<vmem>>
    %dma_wait3A_30 = tpu.memref_squeeze %dma_wait3A_29 : memref<1x80xi32, #tpu.memory_space<vmem>> -> memref<80xi32, #tpu.memory_space<vmem>>
    %dma_wait3A_31 = arith.constant 0 : i32
    %dma_wait3A_32 = arith.constant 0 : i32
    %dma_wait3A_33 = tpu.memref_slice %arg2[%dma_wait3A_31, %dma_wait3A_32] : memref<10000x128xf32, #tpu.memory_space<hbm>> -> memref<10000x128xf32, #tpu.memory_space<hbm>>
    tpu.wait_indirect_dma semaphore(%arg11 : memref<!tpu.dma_semaphore, #tpu.memory_space<semaphore_mem>>) src(%dma_wait3A_33 : memref<10000x128xf32, #tpu.memory_space<hbm>>) dst(%arg8 : memref<80x128xf32, #tpu.memory_space<vmem>>)
    %run_scoped3A = arith.constant 0 : i32
    "tpu.region"() ({
      %run_scoped3A_80 = tpu.sem_alloc : memref<!tpu.dma_semaphore, #tpu.memory_space<semaphore_mem>>
      %dma_start3A_81 = arith.constant 0 : i32
      %dma_start3A_82 = tpu.memref_slice %arg7[%run_scoped3A, %dma_start3A_81] : memref<4x80xi32, #tpu.memory_space<vmem>> -> memref<1x80xi32, #tpu.memory_space<vmem>>
      %dma_start3A_83 = tpu.memref_squeeze %dma_start3A_82 : memref<1x80xi32, #tpu.memory_space<vmem>> -> memref<80xi32, #tpu.memory_space<vmem>>
      %dma_start3A_84 = arith.constant 0 : i32
      %dma_start3A_85 = arith.constant 0 : i32
      %dma_start3A_86 = tpu.memref_slice %arg10[%dma_start3A_84, %dma_start3A_85] : memref<10240x128xf32, #tpu.memory_space<vmem_shared>> -> memref<10240x128xf32, #tpu.memory_space<vmem_shared>>
      tpu.enqueue_indirect_dma source(%arg8 : memref<80x128xf32, #tpu.memory_space<vmem>>) target(%dma_start3A_86 : memref<10240x128xf32, #tpu.memory_space<vmem_shared>>) offsets(%dma_start3A_83 : memref<80xi32, #tpu.memory_space<vmem>>) semaphore(%run_scoped3A_80 : memref<!tpu.dma_semaphore, #tpu.memory_space<semaphore_mem>>) {add = true}
      %dma_wait3A_87 = arith.constant 0 : i32
      %dma_wait3A_88 = tpu.memref_slice %arg7[%run_scoped3A, %dma_wait3A_87] : memref<4x80xi32, #tpu.memory_space<vmem>> -> memref<1x80xi32, #tpu.memory_space<vmem>>
      %dma_wait3A_89 = tpu.memref_squeeze %dma_wait3A_88 : memref<1x80xi32, #tpu.memory_space<vmem>> -> memref<80xi32, #tpu.memory_space<vmem>>
      %dma_wait3A_90 = arith.constant 0 : i32
      %dma_wait3A_91 = arith.constant 0 : i32
      %dma_wait3A_92 = tpu.memref_slice %arg10[%dma_wait3A_90, %dma_wait3A_91] : memref<10240x128xf32, #tpu.memory_space<vmem_shared>> -> memref<10240x128xf32, #tpu.memory_space<vmem_shared>>
      tpu.wait_indirect_dma semaphore(%run_scoped3A_80 : memref<!tpu.dma_semaphore, #tpu.memory_space<semaphore_mem>>) src(%arg8 : memref<80x128xf32, #tpu.memory_space<vmem>>) dst(%dma_wait3A_92 : memref<10240x128xf32, #tpu.memory_space<vmem_shared>>)
      tpu.yield
    }) : () -> ()
    %dma_start3A_34 = arith.constant 2 : i32
    %dma_start3A_35 = arith.constant 0 : i32
    %dma_start3A_36 = tpu.memref_slice %arg6[%dma_start3A_34, %dma_start3A_35] : memref<4x80xi32, #tpu.memory_space<vmem>> -> memref<1x80xi32, #tpu.memory_space<vmem>>
    %dma_start3A_37 = tpu.memref_squeeze %dma_start3A_36 : memref<1x80xi32, #tpu.memory_space<vmem>> -> memref<80xi32, #tpu.memory_space<vmem>>
    %dma_start3A_38 = arith.constant 0 : i32
    %dma_start3A_39 = arith.constant 0 : i32
    %dma_start3A_40 = tpu.memref_slice %arg2[%dma_start3A_38, %dma_start3A_39] : memref<10000x128xf32, #tpu.memory_space<hbm>> -> memref<10000x128xf32, #tpu.memory_space<hbm>>
    tpu.enqueue_indirect_dma source(%dma_start3A_40 : memref<10000x128xf32, #tpu.memory_space<hbm>>) target(%arg8 : memref<80x128xf32, #tpu.memory_space<vmem>>) offsets(%dma_start3A_37 : memref<80xi32, #tpu.memory_space<vmem>>) semaphore(%arg11 : memref<!tpu.dma_semaphore, #tpu.memory_space<semaphore_mem>>)
    %dma_wait3A_41 = arith.constant 1 : i32
    %dma_wait3A_42 = arith.constant 0 : i32
    %dma_wait3A_43 = tpu.memref_slice %arg6[%dma_wait3A_41, %dma_wait3A_42] : memref<4x80xi32, #tpu.memory_space<vmem>> -> memref<1x80xi32, #tpu.memory_space<vmem>>
    %dma_wait3A_44 = tpu.memref_squeeze %dma_wait3A_43 : memref<1x80xi32, #tpu.memory_space<vmem>> -> memref<80xi32, #tpu.memory_space<vmem>>
    %dma_wait3A_45 = arith.constant 0 : i32
    %dma_wait3A_46 = arith.constant 0 : i32
    %dma_wait3A_47 = tpu.memref_slice %arg2[%dma_wait3A_45, %dma_wait3A_46] : memref<10000x128xf32, #tpu.memory_space<hbm>> -> memref<10000x128xf32, #tpu.memory_space<hbm>>
    tpu.wait_indirect_dma semaphore(%arg12 : memref<!tpu.dma_semaphore, #tpu.memory_space<semaphore_mem>>) src(%dma_wait3A_47 : memref<10000x128xf32, #tpu.memory_space<hbm>>) dst(%arg9 : memref<80x128xf32, #tpu.memory_space<vmem>>)
    %run_scoped3A_48 = arith.constant 1 : i32
    "tpu.region"() ({
      %run_scoped3A_80 = tpu.sem_alloc : memref<!tpu.dma_semaphore, #tpu.memory_space<semaphore_mem>>
      %dma_start3A_81 = arith.constant 0 : i32
      %dma_start3A_82 = tpu.memref_slice %arg7[%run_scoped3A_48, %dma_start3A_81] : memref<4x80xi32, #tpu.memory_space<vmem>> -> memref<1x80xi32, #tpu.memory_space<vmem>>
      %dma_start3A_83 = tpu.memref_squeeze %dma_start3A_82 : memref<1x80xi32, #tpu.memory_space<vmem>> -> memref<80xi32, #tpu.memory_space<vmem>>
      %dma_start3A_84 = arith.constant 0 : i32
      %dma_start3A_85 = arith.constant 0 : i32
      %dma_start3A_86 = tpu.memref_slice %arg10[%dma_start3A_84, %dma_start3A_85] : memref<10240x128xf32, #tpu.memory_space<vmem_shared>> -> memref<10240x128xf32, #tpu.memory_space<vmem_shared>>
      tpu.enqueue_indirect_dma source(%arg9 : memref<80x128xf32, #tpu.memory_space<vmem>>) target(%dma_start3A_86 : memref<10240x128xf32, #tpu.memory_space<vmem_shared>>) offsets(%dma_start3A_83 : memref<80xi32, #tpu.memory_space<vmem>>) semaphore(%run_scoped3A_80 : memref<!tpu.dma_semaphore, #tpu.memory_space<semaphore_mem>>) {add = true}
      %dma_wait3A_87 = arith.constant 0 : i32
      %dma_wait3A_88 = tpu.memref_slice %arg7[%run_scoped3A_48, %dma_wait3A_87] : memref<4x80xi32, #tpu.memory_space<vmem>> -> memref<1x80xi32, #tpu.memory_space<vmem>>
      %dma_wait3A_89 = tpu.memref_squeeze %dma_wait3A_88 : memref<1x80xi32, #tpu.memory_space<vmem>> -> memref<80xi32, #tpu.memory_space<vmem>>
      %dma_wait3A_90 = arith.constant 0 : i32
      %dma_wait3A_91 = arith.constant 0 : i32
      %dma_wait3A_92 = tpu.memref_slice %arg10[%dma_wait3A_90, %dma_wait3A_91] : memref<10240x128xf32, #tpu.memory_space<vmem_shared>> -> memref<10240x128xf32, #tpu.memory_space<vmem_shared>>
      tpu.wait_indirect_dma semaphore(%run_scoped3A_80 : memref<!tpu.dma_semaphore, #tpu.memory_space<semaphore_mem>>) src(%arg9 : memref<80x128xf32, #tpu.memory_space<vmem>>) dst(%dma_wait3A_92 : memref<10240x128xf32, #tpu.memory_space<vmem_shared>>)
      tpu.yield
    }) : () -> ()
    %dma_start3A_49 = arith.constant 3 : i32
    %dma_start3A_50 = arith.constant 0 : i32
    %dma_start3A_51 = tpu.memref_slice %arg6[%dma_start3A_49, %dma_start3A_50] : memref<4x80xi32, #tpu.memory_space<vmem>> -> memref<1x80xi32, #tpu.memory_space<vmem>>
    %dma_start3A_52 = tpu.memref_squeeze %dma_start3A_51 : memref<1x80xi32, #tpu.memory_space<vmem>> -> memref<80xi32, #tpu.memory_space<vmem>>
    %dma_start3A_53 = arith.constant 0 : i32
    %dma_start3A_54 = arith.constant 0 : i32
    %dma_start3A_55 = tpu.memref_slice %arg2[%dma_start3A_53, %dma_start3A_54] : memref<10000x128xf32, #tpu.memory_space<hbm>> -> memref<10000x128xf32, #tpu.memory_space<hbm>>
    tpu.enqueue_indirect_dma source(%dma_start3A_55 : memref<10000x128xf32, #tpu.memory_space<hbm>>) target(%arg9 : memref<80x128xf32, #tpu.memory_space<vmem>>) offsets(%dma_start3A_52 : memref<80xi32, #tpu.memory_space<vmem>>) semaphore(%arg12 : memref<!tpu.dma_semaphore, #tpu.memory_space<semaphore_mem>>)
    %dma_wait3A_56 = arith.constant 2 : i32
    %dma_wait3A_57 = arith.constant 0 : i32
    %dma_wait3A_58 = tpu.memref_slice %arg6[%dma_wait3A_56, %dma_wait3A_57] : memref<4x80xi32, #tpu.memory_space<vmem>> -> memref<1x80xi32, #tpu.memory_space<vmem>>
    %dma_wait3A_59 = tpu.memref_squeeze %dma_wait3A_58 : memref<1x80xi32, #tpu.memory_space<vmem>> -> memref<80xi32, #tpu.memory_space<vmem>>
    %dma_wait3A_60 = arith.constant 0 : i32
    %dma_wait3A_61 = arith.constant 0 : i32
    %dma_wait3A_62 = tpu.memref_slice %arg2[%dma_wait3A_60, %dma_wait3A_61] : memref<10000x128xf32, #tpu.memory_space<hbm>> -> memref<10000x128xf32, #tpu.memory_space<hbm>>
    tpu.wait_indirect_dma semaphore(%arg11 : memref<!tpu.dma_semaphore, #tpu.memory_space<semaphore_mem>>) src(%dma_wait3A_62 : memref<10000x128xf32, #tpu.memory_space<hbm>>) dst(%arg8 : memref<80x128xf32, #tpu.memory_space<vmem>>)
    %run_scoped3A_63 = arith.constant 2 : i32
    "tpu.region"() ({
      %run_scoped3A_80 = tpu.sem_alloc : memref<!tpu.dma_semaphore, #tpu.memory_space<semaphore_mem>>
      %dma_start3A_81 = arith.constant 0 : i32
      %dma_start3A_82 = tpu.memref_slice %arg7[%run_scoped3A_63, %dma_start3A_81] : memref<4x80xi32, #tpu.memory_space<vmem>> -> memref<1x80xi32, #tpu.memory_space<vmem>>
      %dma_start3A_83 = tpu.memref_squeeze %dma_start3A_82 : memref<1x80xi32, #tpu.memory_space<vmem>> -> memref<80xi32, #tpu.memory_space<vmem>>
      %dma_start3A_84 = arith.constant 0 : i32
      %dma_start3A_85 = arith.constant 0 : i32
      %dma_start3A_86 = tpu.memref_slice %arg10[%dma_start3A_84, %dma_start3A_85] : memref<10240x128xf32, #tpu.memory_space<vmem_shared>> -> memref<10240x128xf32, #tpu.memory_space<vmem_shared>>
      tpu.enqueue_indirect_dma source(%arg8 : memref<80x128xf32, #tpu.memory_space<vmem>>) target(%dma_start3A_86 : memref<10240x128xf32, #tpu.memory_space<vmem_shared>>) offsets(%dma_start3A_83 : memref<80xi32, #tpu.memory_space<vmem>>) semaphore(%run_scoped3A_80 : memref<!tpu.dma_semaphore, #tpu.memory_space<semaphore_mem>>) {add = true}
      %dma_wait3A_87 = arith.constant 0 : i32
      %dma_wait3A_88 = tpu.memref_slice %arg7[%run_scoped3A_63, %dma_wait3A_87] : memref<4x80xi32, #tpu.memory_space<vmem>> -> memref<1x80xi32, #tpu.memory_space<vmem>>
      %dma_wait3A_89 = tpu.memref_squeeze %dma_wait3A_88 : memref<1x80xi32, #tpu.memory_space<vmem>> -> memref<80xi32, #tpu.memory_space<vmem>>
      %dma_wait3A_90 = arith.constant 0 : i32
      %dma_wait3A_91 = arith.constant 0 : i32
      %dma_wait3A_92 = tpu.memref_slice %arg10[%dma_wait3A_90, %dma_wait3A_91] : memref<10240x128xf32, #tpu.memory_space<vmem_shared>> -> memref<10240x128xf32, #tpu.memory_space<vmem_shared>>
      tpu.wait_indirect_dma semaphore(%run_scoped3A_80 : memref<!tpu.dma_semaphore, #tpu.memory_space<semaphore_mem>>) src(%arg8 : memref<80x128xf32, #tpu.memory_space<vmem>>) dst(%dma_wait3A_92 : memref<10240x128xf32, #tpu.memory_space<vmem_shared>>)
      tpu.yield
    }) : () -> ()
    %dma_wait3A_64 = arith.constant 3 : i32
    %dma_wait3A_65 = arith.constant 0 : i32
    %dma_wait3A_66 = tpu.memref_slice %arg6[%dma_wait3A_64, %dma_wait3A_65] : memref<4x80xi32, #tpu.memory_space<vmem>> -> memref<1x80xi32, #tpu.memory_space<vmem>>
    %dma_wait3A_67 = tpu.memref_squeeze %dma_wait3A_66 : memref<1x80xi32, #tpu.memory_space<vmem>> -> memref<80xi32, #tpu.memory_space<vmem>>
    %dma_wait3A_68 = arith.constant 0 : i32
    %dma_wait3A_69 = arith.constant 0 : i32
    %dma_wait3A_70 = tpu.memref_slice %arg2[%dma_wait3A_68, %dma_wait3A_69] : memref<10000x128xf32, #tpu.memory_space<hbm>> -> memref<10000x128xf32, #tpu.memory_space<hbm>>
    tpu.wait_indirect_dma semaphore(%arg12 : memref<!tpu.dma_semaphore, #tpu.memory_space<semaphore_mem>>) src(%dma_wait3A_70 : memref<10000x128xf32, #tpu.memory_space<hbm>>) dst(%arg9 : memref<80x128xf32, #tpu.memory_space<vmem>>)
    %run_scoped3A_71 = arith.constant 3 : i32
    "tpu.region"() ({
      %run_scoped3A_80 = tpu.sem_alloc : memref<!tpu.dma_semaphore, #tpu.memory_space<semaphore_mem>>
      %dma_start3A_81 = arith.constant 0 : i32
      %dma_start3A_82 = tpu.memref_slice %arg7[%run_scoped3A_71, %dma_start3A_81] : memref<4x80xi32, #tpu.memory_space<vmem>> -> memref<1x80xi32, #tpu.memory_space<vmem>>
      %dma_start3A_83 = tpu.memref_squeeze %dma_start3A_82 : memref<1x80xi32, #tpu.memory_space<vmem>> -> memref<80xi32, #tpu.memory_space<vmem>>
      %dma_start3A_84 = arith.constant 0 : i32
      %dma_start3A_85 = arith.constant 0 : i32
      %dma_start3A_86 = tpu.memref_slice %arg10[%dma_start3A_84, %dma_start3A_85] : memref<10240x128xf32, #tpu.memory_space<vmem_shared>> -> memref<10240x128xf32, #tpu.memory_space<vmem_shared>>
      tpu.enqueue_indirect_dma source(%arg9 : memref<80x128xf32, #tpu.memory_space<vmem>>) target(%dma_start3A_86 : memref<10240x128xf32, #tpu.memory_space<vmem_shared>>) offsets(%dma_start3A_83 : memref<80xi32, #tpu.memory_space<vmem>>) semaphore(%run_scoped3A_80 : memref<!tpu.dma_semaphore, #tpu.memory_space<semaphore_mem>>) {add = true}
      %dma_wait3A_87 = arith.constant 0 : i32
      %dma_wait3A_88 = tpu.memref_slice %arg7[%run_scoped3A_71, %dma_wait3A_87] : memref<4x80xi32, #tpu.memory_space<vmem>> -> memref<1x80xi32, #tpu.memory_space<vmem>>
      %dma_wait3A_89 = tpu.memref_squeeze %dma_wait3A_88 : memref<1x80xi32, #tpu.memory_space<vmem>> -> memref<80xi32, #tpu.memory_space<vmem>>
      %dma_wait3A_90 = arith.constant 0 : i32
      %dma_wait3A_91 = arith.constant 0 : i32
      %dma_wait3A_92 = tpu.memref_slice %arg10[%dma_wait3A_90, %dma_wait3A_91] : memref<10240x128xf32, #tpu.memory_space<vmem_shared>> -> memref<10240x128xf32, #tpu.memory_space<vmem_shared>>
      tpu.wait_indirect_dma semaphore(%run_scoped3A_80 : memref<!tpu.dma_semaphore, #tpu.memory_space<semaphore_mem>>) src(%arg9 : memref<80x128xf32, #tpu.memory_space<vmem>>) dst(%dma_wait3A_92 : memref<10240x128xf32, #tpu.memory_space<vmem_shared>>)
      tpu.yield
    }) : () -> ()
    %barrier3A_72 = arith.constant 0 : index
    tpu.barrier barrier_id(%barrier3A_72)
    %scan3A_73 = arith.constant 0 : i32
    %scan3A_74 = arith.constant 0 : i32
    %scan3A_75 = arith.constant 8 : i32
    %scan3A_76 = arith.addi %scan3A_74, %scan3A_75 : i32
    %scan3A_77 = arith.constant 1 : i32
    %scan3A_78 = scf.for %scan3A_80 = %scan3A_74 to %scan3A_76 step %scan3A_77 iter_args(%scan3A_81 = %scan3A_73) -> (i32)  : i32 {
      %mul3A_82 = arith.constant 640 : i32
      %mul3A_83 = arith.muli %arg1, %mul3A_82 : i32
      %mul3A_84 = arith.constant 80 : i32
      %mul3A_85 = arith.muli %scan3A_80, %mul3A_84 : i32
      %add3A_86 = arith.addi %mul3A_83, %mul3A_85 : i32
      "tpu.region"() ({
        %run_scoped3A_93 = tpu.sem_alloc : memref<!tpu.dma_semaphore, #tpu.memory_space<semaphore_mem>>
        %dma_start3A_94 = arith.constant 0 : i32
        %dma_start3A_95 = tpu.memref_slice %arg10[%add3A_86, %dma_start3A_94] : memref<10240x128xf32, #tpu.memory_space<vmem_shared>> -> memref<80x128xf32, #tpu.memory_space<vmem_shared>>
        %dma_start3A_96 = arith.constant 0 : i32
        %dma_start3A_97 = tpu.memref_slice %arg10[%add3A_86, %dma_start3A_96] : memref<10240x128xf32, #tpu.memory_space<vmem_shared>> -> memref<80x128xf32, #tpu.memory_space<vmem_shared>>
        tpu.enqueue_dma source(%dma_start3A_97 : memref<80x128xf32, #tpu.memory_space<vmem_shared>>) target(%arg8 : memref<80x128xf32, #tpu.memory_space<vmem>>) target_semaphore(%run_scoped3A_93 : memref<!tpu.dma_semaphore, #tpu.memory_space<semaphore_mem>>)
        %dma_wait3A_98 = arith.constant 0 : i32
        %dma_wait3A_99 = tpu.memref_slice %arg10[%add3A_86, %dma_wait3A_98] : memref<10240x128xf32, #tpu.memory_space<vmem_shared>> -> memref<80x128xf32, #tpu.memory_space<vmem_shared>>
        %dma_wait3A_100 = arith.constant 0 : i32
        %dma_wait3A_101 = tpu.memref_slice %arg10[%add3A_86, %dma_wait3A_100] : memref<10240x128xf32, #tpu.memory_space<vmem_shared>> -> memref<80x128xf32, #tpu.memory_space<vmem_shared>>
        tpu.wait_dma2 semaphore(%run_scoped3A_93 : memref<!tpu.dma_semaphore, #tpu.memory_space<semaphore_mem>>) src(%dma_wait3A_101 : memref<80x128xf32, #tpu.memory_space<vmem_shared>>) dst(%arg8 : memref<80x128xf32, #tpu.memory_space<vmem>>)
        tpu.yield
      }) : () -> ()
      %mul3A_87 = arith.constant 640 : i32
      %mul3A_88 = arith.muli %arg1, %mul3A_87 : i32
      %mul3A_89 = arith.constant 80 : i32
      %mul3A_90 = arith.muli %scan3A_80, %mul3A_89 : i32
      %add3A_91 = arith.addi %mul3A_88, %mul3A_90 : i32
      "tpu.region"() ({
        %run_scoped3A_93 = tpu.sem_alloc : memref<!tpu.dma_semaphore, #tpu.memory_space<semaphore_mem>>
        %dma_start3A_94 = arith.constant 0 : i32
        %dma_start3A_95 = tpu.memref_slice %arg5[%arg0, %add3A_91, %dma_start3A_94] : memref<2x10240x128xf32, #tpu.memory_space<hbm>> -> memref<1x80x128xf32, #tpu.memory_space<hbm>>
        %dma_start3A_96 = tpu.memref_squeeze %dma_start3A_95 : memref<1x80x128xf32, #tpu.memory_space<hbm>> -> memref<80x128xf32, #tpu.memory_space<hbm>>
        %dma_start3A_97 = arith.constant 0 : i32
        %dma_start3A_98 = tpu.memref_slice %arg5[%arg0, %add3A_91, %dma_start3A_97] : memref<2x10240x128xf32, #tpu.memory_space<hbm>> -> memref<1x80x128xf32, #tpu.memory_space<hbm>>
        %dma_start3A_99 = tpu.memref_squeeze %dma_start3A_98 : memref<1x80x128xf32, #tpu.memory_space<hbm>> -> memref<80x128xf32, #tpu.memory_space<hbm>>
        tpu.enqueue_dma source(%arg8 : memref<80x128xf32, #tpu.memory_space<vmem>>) target(%dma_start3A_99 : memref<80x128xf32, #tpu.memory_space<hbm>>) target_semaphore(%run_scoped3A_93 : memref<!tpu.dma_semaphore, #tpu.memory_space<semaphore_mem>>)
        %dma_wait3A_100 = arith.constant 0 : i32
        %dma_wait3A_101 = tpu.memref_slice %arg5[%arg0, %add3A_91, %dma_wait3A_100] : memref<2x10240x128xf32, #tpu.memory_space<hbm>> -> memref<1x80x128xf32, #tpu.memory_space<hbm>>
        %dma_wait3A_102 = tpu.memref_squeeze %dma_wait3A_101 : memref<1x80x128xf32, #tpu.memory_space<hbm>> -> memref<80x128xf32, #tpu.memory_space<hbm>>
        %dma_wait3A_103 = arith.constant 0 : i32
        %dma_wait3A_104 = tpu.memref_slice %arg5[%arg0, %add3A_91, %dma_wait3A_103] : memref<2x10240x128xf32, #tpu.memory_space<hbm>> -> memref<1x80x128xf32, #tpu.memory_space<hbm>>
        %dma_wait3A_105 = tpu.memref_squeeze %dma_wait3A_104 : memref<1x80x128xf32, #tpu.memory_space<hbm>> -> memref<80x128xf32, #tpu.memory_space<hbm>>
        tpu.wait_dma2 semaphore(%run_scoped3A_93 : memref<!tpu.dma_semaphore, #tpu.memory_space<semaphore_mem>>) src(%arg8 : memref<80x128xf32, #tpu.memory_space<vmem>>) dst(%dma_wait3A_105 : memref<80x128xf32, #tpu.memory_space<hbm>>)
        tpu.yield
      }) : () -> ()
      %scan3A_92 = arith.constant 0 : i32
      scf.yield %scan3A_92 : i32
    }
    %scan3A_79 = arith.constant 8 : i32
    return
  }
}

#map = affine_map<(d0, d1) -> (0, 0, 0)>
#map1 = affine_map<(d0, d1) -> (0, 0)>
module attributes {stable_mosaic.version = 14 : i64} {
  func.func @_deg_kernel(%arg0: i32, %arg1: i32, %arg2: memref<32x4x80xi32, #tpu.memory_space<hbm>>, %arg3: memref<2x10240xf32, #tpu.memory_space<hbm>>, %arg4: memref<4x80xi32, #tpu.memory_space<vmem>>, %arg5: memref<80xf32, #tpu.memory_space<vmem>>, %arg6: memref<640xf32, #tpu.memory_space<vmem>>, %arg7: memref<10240xf32, #tpu.memory_space<vmem_shared>>) attributes {dimension_semantics = [#tpu.dimension_semantics<core_parallel>, #tpu.dimension_semantics<subcore_parallel>], iteration_bounds = array<i64: 2, 16>, scalar_prefetch = 0 : i64, scratch_operands = 4 : i64, tpu.core_type = #tpu.core_type<sc_vector_subcore>, window_params = [{transform_indices = #map}, {transform_indices = #map1}]} {
    %mul3A = arith.constant 2 : i32
    %mul3A_0 = arith.muli %arg1, %mul3A : i32
    %add3A = arith.addi %mul3A_0, %arg0 : i32
    %broadcast_in_dim3A = arith.constant 0.000000e+00 : f32
    %broadcast_in_dim3A_1 = vector.broadcast %broadcast_in_dim3A : f32 to vector<16xf32>
    %broadcast_in_dim3A_2 = arith.constant 1.000000e+00 : f32
    %broadcast_in_dim3A_3 = vector.broadcast %broadcast_in_dim3A_2 : f32 to vector<16xf32>
    %scan3A = arith.constant 0 : i32
    %scan3A_4 = arith.constant 0 : i32
    %scan3A_5 = arith.constant 40 : i32
    %scan3A_6 = arith.addi %scan3A_4, %scan3A_5 : i32
    %scan3A_7 = arith.constant 1 : i32
    %scan3A_8 = scf.for %scan3A_27 = %scan3A_4 to %scan3A_6 step %scan3A_7 iter_args(%scan3A_28 = %scan3A) -> (i32)  : i32 {
      %mul3A_29 = arith.constant 16 : i32
      %mul3A_30 = arith.muli %scan3A_27, %mul3A_29 : i32
      %swap3A = arith.index_cast %mul3A_30 : i32 to index
      %swap3A_31 = tpu.vector_load %arg6[%swap3A] {strides = array<i32>} : memref<640xf32, #tpu.memory_space<vmem>>, vector<16xf32>,
      %swap3A_32 = vector.shape_cast %swap3A_31 : vector<16xf32> to vector<16xf32>
      %swap3A_33 = vector.shape_cast %broadcast_in_dim3A_1 : vector<16xf32> to vector<16xf32>
      tpu.vector_store %arg6[%swap3A], %swap3A_33 {strides = array<i32>} : memref<640xf32, #tpu.memory_space<vmem>>, vector<16xf32>,
      %scan3A_34 = arith.constant 0 : i32
      scf.yield %scan3A_34 : i32
    }
    %scan3A_9 = arith.constant 40 : i32
    %mul3A_10 = arith.constant 640 : i32
    %mul3A_11 = arith.muli %arg1, %mul3A_10 : i32
    "tpu.region"() ({
      %run_scoped3A_27 = tpu.sem_alloc : memref<!tpu.dma_semaphore, #tpu.memory_space<semaphore_mem>>
      %dma_start3A = tpu.memref_slice %arg7[%mul3A_11] : memref<10240xf32, #tpu.memory_space<vmem_shared>> -> memref<640xf32, #tpu.memory_space<vmem_shared>>
      %dma_start3A_28 = tpu.memref_slice %arg7[%mul3A_11] : memref<10240xf32, #tpu.memory_space<vmem_shared>> -> memref<640xf32, #tpu.memory_space<vmem_shared>>
      tpu.enqueue_dma source(%arg6 : memref<640xf32, #tpu.memory_space<vmem>>) target(%dma_start3A_28 : memref<640xf32, #tpu.memory_space<vmem_shared>>) target_semaphore(%run_scoped3A_27 : memref<!tpu.dma_semaphore, #tpu.memory_space<semaphore_mem>>)
      %dma_wait3A = tpu.memref_slice %arg7[%mul3A_11] : memref<10240xf32, #tpu.memory_space<vmem_shared>> -> memref<640xf32, #tpu.memory_space<vmem_shared>>
      %dma_wait3A_29 = tpu.memref_slice %arg7[%mul3A_11] : memref<10240xf32, #tpu.memory_space<vmem_shared>> -> memref<640xf32, #tpu.memory_space<vmem_shared>>
      tpu.wait_dma2 semaphore(%run_scoped3A_27 : memref<!tpu.dma_semaphore, #tpu.memory_space<semaphore_mem>>) src(%arg6 : memref<640xf32, #tpu.memory_space<vmem>>) dst(%dma_wait3A_29 : memref<640xf32, #tpu.memory_space<vmem_shared>>)
      tpu.yield
    }) : () -> ()
    %scan3A_12 = arith.constant 0 : i32
    %scan3A_13 = arith.constant 0 : i32
    %scan3A_14 = arith.constant 5 : i32
    %scan3A_15 = arith.addi %scan3A_13, %scan3A_14 : i32
    %scan3A_16 = arith.constant 1 : i32
    %scan3A_17 = scf.for %scan3A_27 = %scan3A_13 to %scan3A_15 step %scan3A_16 iter_args(%scan3A_28 = %scan3A_12) -> (i32)  : i32 {
      %mul3A_29 = arith.constant 16 : i32
      %mul3A_30 = arith.muli %scan3A_27, %mul3A_29 : i32
      %swap3A = arith.index_cast %mul3A_30 : i32 to index
      %swap3A_31 = tpu.vector_load %arg5[%swap3A] {strides = array<i32>} : memref<80xf32, #tpu.memory_space<vmem>>, vector<16xf32>,
      %swap3A_32 = vector.shape_cast %swap3A_31 : vector<16xf32> to vector<16xf32>
      %swap3A_33 = vector.shape_cast %broadcast_in_dim3A_3 : vector<16xf32> to vector<16xf32>
      tpu.vector_store %arg5[%swap3A], %swap3A_33 {strides = array<i32>} : memref<80xf32, #tpu.memory_space<vmem>>, vector<16xf32>,
      %scan3A_34 = arith.constant 0 : i32
      scf.yield %scan3A_34 : i32
    }
    %scan3A_18 = arith.constant 5 : i32
    "tpu.region"() ({
      %run_scoped3A_27 = tpu.sem_alloc : memref<!tpu.dma_semaphore, #tpu.memory_space<semaphore_mem>>
      %dma_start3A = arith.constant 0 : i32
      %dma_start3A_28 = arith.constant 0 : i32
      %dma_start3A_29 = tpu.memref_slice %arg2[%add3A, %dma_start3A, %dma_start3A_28] : memref<32x4x80xi32, #tpu.memory_space<hbm>> -> memref<1x4x80xi32, #tpu.memory_space<hbm>>
      %dma_start3A_30 = tpu.memref_squeeze %dma_start3A_29 : memref<1x4x80xi32, #tpu.memory_space<hbm>> -> memref<4x80xi32, #tpu.memory_space<hbm>>
      %dma_start3A_31 = arith.constant 0 : i32
      %dma_start3A_32 = arith.constant 0 : i32
      %dma_start3A_33 = tpu.memref_slice %arg2[%add3A, %dma_start3A_31, %dma_start3A_32] : memref<32x4x80xi32, #tpu.memory_space<hbm>> -> memref<1x4x80xi32, #tpu.memory_space<hbm>>
      %dma_start3A_34 = tpu.memref_squeeze %dma_start3A_33 : memref<1x4x80xi32, #tpu.memory_space<hbm>> -> memref<4x80xi32, #tpu.memory_space<hbm>>
      tpu.enqueue_dma source(%dma_start3A_34 : memref<4x80xi32, #tpu.memory_space<hbm>>) target(%arg4 : memref<4x80xi32, #tpu.memory_space<vmem>>) target_semaphore(%run_scoped3A_27 : memref<!tpu.dma_semaphore, #tpu.memory_space<semaphore_mem>>)
      %dma_wait3A = arith.constant 0 : i32
      %dma_wait3A_35 = arith.constant 0 : i32
      %dma_wait3A_36 = tpu.memref_slice %arg2[%add3A, %dma_wait3A, %dma_wait3A_35] : memref<32x4x80xi32, #tpu.memory_space<hbm>> -> memref<1x4x80xi32, #tpu.memory_space<hbm>>
      %dma_wait3A_37 = tpu.memref_squeeze %dma_wait3A_36 : memref<1x4x80xi32, #tpu.memory_space<hbm>> -> memref<4x80xi32, #tpu.memory_space<hbm>>
      %dma_wait3A_38 = arith.constant 0 : i32
      %dma_wait3A_39 = arith.constant 0 : i32
      %dma_wait3A_40 = tpu.memref_slice %arg2[%add3A, %dma_wait3A_38, %dma_wait3A_39] : memref<32x4x80xi32, #tpu.memory_space<hbm>> -> memref<1x4x80xi32, #tpu.memory_space<hbm>>
      %dma_wait3A_41 = tpu.memref_squeeze %dma_wait3A_40 : memref<1x4x80xi32, #tpu.memory_space<hbm>> -> memref<4x80xi32, #tpu.memory_space<hbm>>
      tpu.wait_dma2 semaphore(%run_scoped3A_27 : memref<!tpu.dma_semaphore, #tpu.memory_space<semaphore_mem>>) src(%dma_wait3A_41 : memref<4x80xi32, #tpu.memory_space<hbm>>) dst(%arg4 : memref<4x80xi32, #tpu.memory_space<vmem>>)
      tpu.yield
    }) : () -> ()
    %barrier3A = arith.constant 0 : index
    tpu.barrier barrier_id(%barrier3A)
    %run_scoped3A = arith.constant 0 : i32
    "tpu.region"() ({
      %run_scoped3A_27 = tpu.sem_alloc : memref<!tpu.dma_semaphore, #tpu.memory_space<semaphore_mem>>
      %dma_start3A = arith.constant 0 : i32
      %dma_start3A_28 = tpu.memref_slice %arg4[%run_scoped3A, %dma_start3A] : memref<4x80xi32, #tpu.memory_space<vmem>> -> memref<1x80xi32, #tpu.memory_space<vmem>>
      %dma_start3A_29 = tpu.memref_squeeze %dma_start3A_28 : memref<1x80xi32, #tpu.memory_space<vmem>> -> memref<80xi32, #tpu.memory_space<vmem>>
      %dma_start3A_30 = arith.constant 0 : i32
      %dma_start3A_31 = tpu.memref_slice %arg7[%dma_start3A_30] : memref<10240xf32, #tpu.memory_space<vmem_shared>> -> memref<10240xf32, #tpu.memory_space<vmem_shared>>
      tpu.enqueue_indirect_dma source(%arg5 : memref<80xf32, #tpu.memory_space<vmem>>) target(%dma_start3A_31 : memref<10240xf32, #tpu.memory_space<vmem_shared>>) offsets(%dma_start3A_29 : memref<80xi32, #tpu.memory_space<vmem>>) semaphore(%run_scoped3A_27 : memref<!tpu.dma_semaphore, #tpu.memory_space<semaphore_mem>>) {add = true}
      %dma_wait3A = arith.constant 0 : i32
      %dma_wait3A_32 = tpu.memref_slice %arg4[%run_scoped3A, %dma_wait3A] : memref<4x80xi32, #tpu.memory_space<vmem>> -> memref<1x80xi32, #tpu.memory_space<vmem>>
      %dma_wait3A_33 = tpu.memref_squeeze %dma_wait3A_32 : memref<1x80xi32, #tpu.memory_space<vmem>> -> memref<80xi32, #tpu.memory_space<vmem>>
      %dma_wait3A_34 = arith.constant 0 : i32
      %dma_wait3A_35 = tpu.memref_slice %arg7[%dma_wait3A_34] : memref<10240xf32, #tpu.memory_space<vmem_shared>> -> memref<10240xf32, #tpu.memory_space<vmem_shared>>
      tpu.wait_indirect_dma semaphore(%run_scoped3A_27 : memref<!tpu.dma_semaphore, #tpu.memory_space<semaphore_mem>>) src(%arg5 : memref<80xf32, #tpu.memory_space<vmem>>) dst(%dma_wait3A_35 : memref<10240xf32, #tpu.memory_space<vmem_shared>>)
      tpu.yield
    }) : () -> ()
    %run_scoped3A_19 = arith.constant 1 : i32
    "tpu.region"() ({
      %run_scoped3A_27 = tpu.sem_alloc : memref<!tpu.dma_semaphore, #tpu.memory_space<semaphore_mem>>
      %dma_start3A = arith.constant 0 : i32
      %dma_start3A_28 = tpu.memref_slice %arg4[%run_scoped3A_19, %dma_start3A] : memref<4x80xi32, #tpu.memory_space<vmem>> -> memref<1x80xi32, #tpu.memory_space<vmem>>
      %dma_start3A_29 = tpu.memref_squeeze %dma_start3A_28 : memref<1x80xi32, #tpu.memory_space<vmem>> -> memref<80xi32, #tpu.memory_space<vmem>>
      %dma_start3A_30 = arith.constant 0 : i32
      %dma_start3A_31 = tpu.memref_slice %arg7[%dma_start3A_30] : memref<10240xf32, #tpu.memory_space<vmem_shared>> -> memref<10240xf32, #tpu.memory_space<vmem_shared>>
      tpu.enqueue_indirect_dma source(%arg5 : memref<80xf32, #tpu.memory_space<vmem>>) target(%dma_start3A_31 : memref<10240xf32, #tpu.memory_space<vmem_shared>>) offsets(%dma_start3A_29 : memref<80xi32, #tpu.memory_space<vmem>>) semaphore(%run_scoped3A_27 : memref<!tpu.dma_semaphore, #tpu.memory_space<semaphore_mem>>) {add = true}
      %dma_wait3A = arith.constant 0 : i32
      %dma_wait3A_32 = tpu.memref_slice %arg4[%run_scoped3A_19, %dma_wait3A] : memref<4x80xi32, #tpu.memory_space<vmem>> -> memref<1x80xi32, #tpu.memory_space<vmem>>
      %dma_wait3A_33 = tpu.memref_squeeze %dma_wait3A_32 : memref<1x80xi32, #tpu.memory_space<vmem>> -> memref<80xi32, #tpu.memory_space<vmem>>
      %dma_wait3A_34 = arith.constant 0 : i32
      %dma_wait3A_35 = tpu.memref_slice %arg7[%dma_wait3A_34] : memref<10240xf32, #tpu.memory_space<vmem_shared>> -> memref<10240xf32, #tpu.memory_space<vmem_shared>>
      tpu.wait_indirect_dma semaphore(%run_scoped3A_27 : memref<!tpu.dma_semaphore, #tpu.memory_space<semaphore_mem>>) src(%arg5 : memref<80xf32, #tpu.memory_space<vmem>>) dst(%dma_wait3A_35 : memref<10240xf32, #tpu.memory_space<vmem_shared>>)
      tpu.yield
    }) : () -> ()
    %run_scoped3A_20 = arith.constant 2 : i32
    "tpu.region"() ({
      %run_scoped3A_27 = tpu.sem_alloc : memref<!tpu.dma_semaphore, #tpu.memory_space<semaphore_mem>>
      %dma_start3A = arith.constant 0 : i32
      %dma_start3A_28 = tpu.memref_slice %arg4[%run_scoped3A_20, %dma_start3A] : memref<4x80xi32, #tpu.memory_space<vmem>> -> memref<1x80xi32, #tpu.memory_space<vmem>>
      %dma_start3A_29 = tpu.memref_squeeze %dma_start3A_28 : memref<1x80xi32, #tpu.memory_space<vmem>> -> memref<80xi32, #tpu.memory_space<vmem>>
      %dma_start3A_30 = arith.constant 0 : i32
      %dma_start3A_31 = tpu.memref_slice %arg7[%dma_start3A_30] : memref<10240xf32, #tpu.memory_space<vmem_shared>> -> memref<10240xf32, #tpu.memory_space<vmem_shared>>
      tpu.enqueue_indirect_dma source(%arg5 : memref<80xf32, #tpu.memory_space<vmem>>) target(%dma_start3A_31 : memref<10240xf32, #tpu.memory_space<vmem_shared>>) offsets(%dma_start3A_29 : memref<80xi32, #tpu.memory_space<vmem>>) semaphore(%run_scoped3A_27 : memref<!tpu.dma_semaphore, #tpu.memory_space<semaphore_mem>>) {add = true}
      %dma_wait3A = arith.constant 0 : i32
      %dma_wait3A_32 = tpu.memref_slice %arg4[%run_scoped3A_20, %dma_wait3A] : memref<4x80xi32, #tpu.memory_space<vmem>> -> memref<1x80xi32, #tpu.memory_space<vmem>>
      %dma_wait3A_33 = tpu.memref_squeeze %dma_wait3A_32 : memref<1x80xi32, #tpu.memory_space<vmem>> -> memref<80xi32, #tpu.memory_space<vmem>>
      %dma_wait3A_34 = arith.constant 0 : i32
      %dma_wait3A_35 = tpu.memref_slice %arg7[%dma_wait3A_34] : memref<10240xf32, #tpu.memory_space<vmem_shared>> -> memref<10240xf32, #tpu.memory_space<vmem_shared>>
      tpu.wait_indirect_dma semaphore(%run_scoped3A_27 : memref<!tpu.dma_semaphore, #tpu.memory_space<semaphore_mem>>) src(%arg5 : memref<80xf32, #tpu.memory_space<vmem>>) dst(%dma_wait3A_35 : memref<10240xf32, #tpu.memory_space<vmem_shared>>)
      tpu.yield
    }) : () -> ()
    %run_scoped3A_21 = arith.constant 3 : i32
    "tpu.region"() ({
      %run_scoped3A_27 = tpu.sem_alloc : memref<!tpu.dma_semaphore, #tpu.memory_space<semaphore_mem>>
      %dma_start3A = arith.constant 0 : i32
      %dma_start3A_28 = tpu.memref_slice %arg4[%run_scoped3A_21, %dma_start3A] : memref<4x80xi32, #tpu.memory_space<vmem>> -> memref<1x80xi32, #tpu.memory_space<vmem>>
      %dma_start3A_29 = tpu.memref_squeeze %dma_start3A_28 : memref<1x80xi32, #tpu.memory_space<vmem>> -> memref<80xi32, #tpu.memory_space<vmem>>
      %dma_start3A_30 = arith.constant 0 : i32
      %dma_start3A_31 = tpu.memref_slice %arg7[%dma_start3A_30] : memref<10240xf32, #tpu.memory_space<vmem_shared>> -> memref<10240xf32, #tpu.memory_space<vmem_shared>>
      tpu.enqueue_indirect_dma source(%arg5 : memref<80xf32, #tpu.memory_space<vmem>>) target(%dma_start3A_31 : memref<10240xf32, #tpu.memory_space<vmem_shared>>) offsets(%dma_start3A_29 : memref<80xi32, #tpu.memory_space<vmem>>) semaphore(%run_scoped3A_27 : memref<!tpu.dma_semaphore, #tpu.memory_space<semaphore_mem>>) {add = true}
      %dma_wait3A = arith.constant 0 : i32
      %dma_wait3A_32 = tpu.memref_slice %arg4[%run_scoped3A_21, %dma_wait3A] : memref<4x80xi32, #tpu.memory_space<vmem>> -> memref<1x80xi32, #tpu.memory_space<vmem>>
      %dma_wait3A_33 = tpu.memref_squeeze %dma_wait3A_32 : memref<1x80xi32, #tpu.memory_space<vmem>> -> memref<80xi32, #tpu.memory_space<vmem>>
      %dma_wait3A_34 = arith.constant 0 : i32
      %dma_wait3A_35 = tpu.memref_slice %arg7[%dma_wait3A_34] : memref<10240xf32, #tpu.memory_space<vmem_shared>> -> memref<10240xf32, #tpu.memory_space<vmem_shared>>
      tpu.wait_indirect_dma semaphore(%run_scoped3A_27 : memref<!tpu.dma_semaphore, #tpu.memory_space<semaphore_mem>>) src(%arg5 : memref<80xf32, #tpu.memory_space<vmem>>) dst(%dma_wait3A_35 : memref<10240xf32, #tpu.memory_space<vmem_shared>>)
      tpu.yield
    }) : () -> ()
    %barrier3A_22 = arith.constant 0 : index
    tpu.barrier barrier_id(%barrier3A_22)
    %mul3A_23 = arith.constant 640 : i32
    %mul3A_24 = arith.muli %arg1, %mul3A_23 : i32
    "tpu.region"() ({
      %run_scoped3A_27 = tpu.sem_alloc : memref<!tpu.dma_semaphore, #tpu.memory_space<semaphore_mem>>
      %dma_start3A = tpu.memref_slice %arg7[%mul3A_24] : memref<10240xf32, #tpu.memory_space<vmem_shared>> -> memref<640xf32, #tpu.memory_space<vmem_shared>>
      %dma_start3A_28 = tpu.memref_slice %arg7[%mul3A_24] : memref<10240xf32, #tpu.memory_space<vmem_shared>> -> memref<640xf32, #tpu.memory_space<vmem_shared>>
      tpu.enqueue_dma source(%dma_start3A_28 : memref<640xf32, #tpu.memory_space<vmem_shared>>) target(%arg6 : memref<640xf32, #tpu.memory_space<vmem>>) target_semaphore(%run_scoped3A_27 : memref<!tpu.dma_semaphore, #tpu.memory_space<semaphore_mem>>)
      %dma_wait3A = tpu.memref_slice %arg7[%mul3A_24] : memref<10240xf32, #tpu.memory_space<vmem_shared>> -> memref<640xf32, #tpu.memory_space<vmem_shared>>
      %dma_wait3A_29 = tpu.memref_slice %arg7[%mul3A_24] : memref<10240xf32, #tpu.memory_space<vmem_shared>> -> memref<640xf32, #tpu.memory_space<vmem_shared>>
      tpu.wait_dma2 semaphore(%run_scoped3A_27 : memref<!tpu.dma_semaphore, #tpu.memory_space<semaphore_mem>>) src(%dma_wait3A_29 : memref<640xf32, #tpu.memory_space<vmem_shared>>) dst(%arg6 : memref<640xf32, #tpu.memory_space<vmem>>)
      tpu.yield
    }) : () -> ()
    %mul3A_25 = arith.constant 640 : i32
    %mul3A_26 = arith.muli %arg1, %mul3A_25 : i32
    "tpu.region"() ({
      %run_scoped3A_27 = tpu.sem_alloc : memref<!tpu.dma_semaphore, #tpu.memory_space<semaphore_mem>>
      %dma_start3A = tpu.memref_slice %arg3[%arg0, %mul3A_26] : memref<2x10240xf32, #tpu.memory_space<hbm>> -> memref<1x640xf32, #tpu.memory_space<hbm>>
      %dma_start3A_28 = tpu.memref_squeeze %dma_start3A : memref<1x640xf32, #tpu.memory_space<hbm>> -> memref<640xf32, #tpu.memory_space<hbm>>
      %dma_start3A_29 = tpu.memref_slice %arg3[%arg0, %mul3A_26] : memref<2x10240xf32, #tpu.memory_space<hbm>> -> memref<1x640xf32, #tpu.memory_space<hbm>>
      %dma_start3A_30 = tpu.memref_squeeze %dma_start3A_29 : memref<1x640xf32, #tpu.memory_space<hbm>> -> memref<640xf32, #tpu.memory_space<hbm>>
      tpu.enqueue_dma source(%arg6 : memref<640xf32, #tpu.memory_space<vmem>>) target(%dma_start3A_30 : memref<640xf32, #tpu.memory_space<hbm>>) target_semaphore(%run_scoped3A_27 : memref<!tpu.dma_semaphore, #tpu.memory_space<semaphore_mem>>)
      %dma_wait3A = tpu.memref_slice %arg3[%arg0, %mul3A_26] : memref<2x10240xf32, #tpu.memory_space<hbm>> -> memref<1x640xf32, #tpu.memory_space<hbm>>
      %dma_wait3A_31 = tpu.memref_squeeze %dma_wait3A : memref<1x640xf32, #tpu.memory_space<hbm>> -> memref<640xf32, #tpu.memory_space<hbm>>
      %dma_wait3A_32 = tpu.memref_slice %arg3[%arg0, %mul3A_26] : memref<2x10240xf32, #tpu.memory_space<hbm>> -> memref<1x640xf32, #tpu.memory_space<hbm>>
      %dma_wait3A_33 = tpu.memref_squeeze %dma_wait3A_32 : memref<1x640xf32, #tpu.memory_space<hbm>> -> memref<640xf32, #tpu.memory_space<hbm>>
      tpu.wait_dma2 semaphore(%run_scoped3A_27 : memref<!tpu.dma_semaphore, #tpu.memory_space<semaphore_mem>>) src(%arg6 : memref<640xf32, #tpu.memory_space<vmem>>) dst(%dma_wait3A_33 : memref<640xf32, #tpu.memory_space<hbm>>)
      tpu.yield
    }) : () -> ()
    return
  }
}

#map = affine_map<(d0, d1) -> (0, 0)>
#map1 = affine_map<(d0, d1) -> (0, 0, 0)>
module attributes {stable_mosaic.version = 14 : i64} {
  func.func @_edge_scatter_kernel(%arg0: i32, %arg1: i32, %arg2: memref<10000x128xf32, #tpu.memory_space<hbm>>, %arg3: memref<32x4x80xi32, #tpu.memory_space<hbm>>, %arg4: memref<32x4x80xi32, #tpu.memory_space<hbm>>, %arg5: memref<2x10240x128xf32, #tpu.memory_space<hbm>>, %arg6: memref<4x80xi32, #tpu.memory_space<vmem>>, %arg7: memref<4x80xi32, #tpu.memory_space<vmem>>, %arg8: memref<80x128xf32, #tpu.memory_space<vmem>>, %arg9: memref<80x128xf32, #tpu.memory_space<vmem>>, %arg10: memref<10240x128xf32, #tpu.memory_space<vmem_shared>>, %arg11: memref<!tpu.dma_semaphore, #tpu.memory_space<semaphore_mem>>, %arg12: memref<!tpu.dma_semaphore, #tpu.memory_space<semaphore_mem>>) attributes {dimension_semantics = [#tpu.dimension_semantics<core_parallel>, #tpu.dimension_semantics<subcore_parallel>], iteration_bounds = array<i64: 2, 16>, scalar_prefetch = 0 : i64, scratch_operands = 7 : i64, tpu.core_type = #tpu.core_type<sc_vector_subcore>, window_params = [{transform_indices = #map}, {transform_indices = #map1}, {transform_indices = #map1}, {transform_indices = #map1}]} {
    %mul3A = arith.constant 2 : i32
    %mul3A_0 = arith.muli %arg1, %mul3A : i32
    %add3A = arith.addi %mul3A_0, %arg0 : i32
    %broadcast_in_dim3A = arith.constant 0.000000e+00 : f32
    %broadcast_in_dim3A_1 = vector.broadcast %broadcast_in_dim3A : f32 to vector<16xf32>
    %scan3A = arith.constant 0 : i32
    %scan3A_2 = arith.constant 0 : i32
    %scan3A_3 = arith.constant 80 : i32
    %scan3A_4 = arith.addi %scan3A_2, %scan3A_3 : i32
    %scan3A_5 = arith.constant 1 : i32
    %scan3A_6 = scf.for %scan3A_80 = %scan3A_2 to %scan3A_4 step %scan3A_5 iter_args(%scan3A_81 = %scan3A) -> (i32)  : i32 {
      %scan3A_82 = arith.constant 0 : i32
      %scan3A_83 = arith.constant 0 : i32
      %scan3A_84 = arith.constant 8 : i32
      %scan3A_85 = arith.addi %scan3A_83, %scan3A_84 : i32
      %scan3A_86 = arith.constant 1 : i32
      %scan3A_87 = scf.for %scan3A_89 = %scan3A_83 to %scan3A_85 step %scan3A_86 iter_args(%scan3A_90 = %scan3A_82) -> (i32)  : i32 {
        %mul3A_91 = arith.constant 16 : i32
        %mul3A_92 = arith.muli %scan3A_89, %mul3A_91 : i32
        %swap3A = arith.index_cast %scan3A_80 : i32 to index
        %swap3A_93 = arith.index_cast %mul3A_92 : i32 to index
        %swap3A_94 = tpu.vector_load %arg8[%swap3A, %swap3A_93] {strides = array<i32>} : memref<80x128xf32, #tpu.memory_space<vmem>>, vector<1x16xf32>,
        %swap3A_95 = vector.shape_cast %swap3A_94 : vector<1x16xf32> to vector<16xf32>
        %swap3A_96 = vector.shape_cast %broadcast_in_dim3A_1 : vector<16xf32> to vector<1x16xf32>
        tpu.vector_store %arg8[%swap3A, %swap3A_93], %swap3A_96 {strides = array<i32>} : memref<80x128xf32, #tpu.memory_space<vmem>>, vector<1x16xf32>,
        %scan3A_97 = arith.constant 0 : i32
        scf.yield %scan3A_97 : i32
      }
      %scan3A_88 = arith.constant 8 : i32
      scf.yield %scan3A_87 : i32
    }
    %scan3A_7 = arith.constant 80 : i32
    %scan3A_8 = arith.constant 0 : i32
    %scan3A_9 = arith.constant 0 : i32
    %scan3A_10 = arith.constant 8 : i32
    %scan3A_11 = arith.addi %scan3A_9, %scan3A_10 : i32
    %scan3A_12 = arith.constant 1 : i32
    %scan3A_13 = scf.for %scan3A_80 = %scan3A_9 to %scan3A_11 step %scan3A_12 iter_args(%scan3A_81 = %scan3A_8) -> (i32)  : i32 {
      %mul3A_82 = arith.constant 640 : i32
      %mul3A_83 = arith.muli %arg1, %mul3A_82 : i32
      %mul3A_84 = arith.constant 80 : i32
      %mul3A_85 = arith.muli %scan3A_80, %mul3A_84 : i32
      %add3A_86 = arith.addi %mul3A_83, %mul3A_85 : i32
      "tpu.region"() ({
        %run_scoped3A_88 = tpu.sem_alloc : memref<!tpu.dma_semaphore, #tpu.memory_space<semaphore_mem>>
        %dma_start3A_89 = arith.constant 0 : i32
        %dma_start3A_90 = tpu.memref_slice %arg10[%add3A_86, %dma_start3A_89] : memref<10240x128xf32, #tpu.memory_space<vmem_shared>> -> memref<80x128xf32, #tpu.memory_space<vmem_shared>>
        %dma_start3A_91 = arith.constant 0 : i32
        %dma_start3A_92 = tpu.memref_slice %arg10[%add3A_86, %dma_start3A_91] : memref<10240x128xf32, #tpu.memory_space<vmem_shared>> -> memref<80x128xf32, #tpu.memory_space<vmem_shared>>
        tpu.enqueue_dma source(%arg8 : memref<80x128xf32, #tpu.memory_space<vmem>>) target(%dma_start3A_92 : memref<80x128xf32, #tpu.memory_space<vmem_shared>>) target_semaphore(%run_scoped3A_88 : memref<!tpu.dma_semaphore, #tpu.memory_space<semaphore_mem>>)
        %dma_wait3A_93 = arith.constant 0 : i32
        %dma_wait3A_94 = tpu.memref_slice %arg10[%add3A_86, %dma_wait3A_93] : memref<10240x128xf32, #tpu.memory_space<vmem_shared>> -> memref<80x128xf32, #tpu.memory_space<vmem_shared>>
        %dma_wait3A_95 = arith.constant 0 : i32
        %dma_wait3A_96 = tpu.memref_slice %arg10[%add3A_86, %dma_wait3A_95] : memref<10240x128xf32, #tpu.memory_space<vmem_shared>> -> memref<80x128xf32, #tpu.memory_space<vmem_shared>>
        tpu.wait_dma2 semaphore(%run_scoped3A_88 : memref<!tpu.dma_semaphore, #tpu.memory_space<semaphore_mem>>) src(%arg8 : memref<80x128xf32, #tpu.memory_space<vmem>>) dst(%dma_wait3A_96 : memref<80x128xf32, #tpu.memory_space<vmem_shared>>)
        tpu.yield
      }) : () -> ()
      %scan3A_87 = arith.constant 0 : i32
      scf.yield %scan3A_87 : i32
    }
    %scan3A_14 = arith.constant 8 : i32
    "tpu.region"() ({
      %run_scoped3A_80 = tpu.sem_alloc : memref<!tpu.dma_semaphore, #tpu.memory_space<semaphore_mem>>
      %dma_start3A_81 = arith.constant 0 : i32
      %dma_start3A_82 = arith.constant 0 : i32
      %dma_start3A_83 = tpu.memref_slice %arg3[%add3A, %dma_start3A_81, %dma_start3A_82] : memref<32x4x80xi32, #tpu.memory_space<hbm>> -> memref<1x4x80xi32, #tpu.memory_space<hbm>>
      %dma_start3A_84 = tpu.memref_squeeze %dma_start3A_83 : memref<1x4x80xi32, #tpu.memory_space<hbm>> -> memref<4x80xi32, #tpu.memory_space<hbm>>
      %dma_start3A_85 = arith.constant 0 : i32
      %dma_start3A_86 = arith.constant 0 : i32
      %dma_start3A_87 = tpu.memref_slice %arg3[%add3A, %dma_start3A_85, %dma_start3A_86] : memref<32x4x80xi32, #tpu.memory_space<hbm>> -> memref<1x4x80xi32, #tpu.memory_space<hbm>>
      %dma_start3A_88 = tpu.memref_squeeze %dma_start3A_87 : memref<1x4x80xi32, #tpu.memory_space<hbm>> -> memref<4x80xi32, #tpu.memory_space<hbm>>
      tpu.enqueue_dma source(%dma_start3A_88 : memref<4x80xi32, #tpu.memory_space<hbm>>) target(%arg6 : memref<4x80xi32, #tpu.memory_space<vmem>>) target_semaphore(%run_scoped3A_80 : memref<!tpu.dma_semaphore, #tpu.memory_space<semaphore_mem>>)
      %dma_wait3A_89 = arith.constant 0 : i32
      %dma_wait3A_90 = arith.constant 0 : i32
      %dma_wait3A_91 = tpu.memref_slice %arg3[%add3A, %dma_wait3A_89, %dma_wait3A_90] : memref<32x4x80xi32, #tpu.memory_space<hbm>> -> memref<1x4x80xi32, #tpu.memory_space<hbm>>
      %dma_wait3A_92 = tpu.memref_squeeze %dma_wait3A_91 : memref<1x4x80xi32, #tpu.memory_space<hbm>> -> memref<4x80xi32, #tpu.memory_space<hbm>>
      %dma_wait3A_93 = arith.constant 0 : i32
      %dma_wait3A_94 = arith.constant 0 : i32
      %dma_wait3A_95 = tpu.memref_slice %arg3[%add3A, %dma_wait3A_93, %dma_wait3A_94] : memref<32x4x80xi32, #tpu.memory_space<hbm>> -> memref<1x4x80xi32, #tpu.memory_space<hbm>>
      %dma_wait3A_96 = tpu.memref_squeeze %dma_wait3A_95 : memref<1x4x80xi32, #tpu.memory_space<hbm>> -> memref<4x80xi32, #tpu.memory_space<hbm>>
      tpu.wait_dma2 semaphore(%run_scoped3A_80 : memref<!tpu.dma_semaphore, #tpu.memory_space<semaphore_mem>>) src(%dma_wait3A_96 : memref<4x80xi32, #tpu.memory_space<hbm>>) dst(%arg6 : memref<4x80xi32, #tpu.memory_space<vmem>>)
      tpu.yield
    }) : () -> ()
    "tpu.region"() ({
      %run_scoped3A_80 = tpu.sem_alloc : memref<!tpu.dma_semaphore, #tpu.memory_space<semaphore_mem>>
      %dma_start3A_81 = arith.constant 0 : i32
      %dma_start3A_82 = arith.constant 0 : i32
      %dma_start3A_83 = tpu.memref_slice %arg4[%add3A, %dma_start3A_81, %dma_start3A_82] : memref<32x4x80xi32, #tpu.memory_space<hbm>> -> memref<1x4x80xi32, #tpu.memory_space<hbm>>
      %dma_start3A_84 = tpu.memref_squeeze %dma_start3A_83 : memref<1x4x80xi32, #tpu.memory_space<hbm>> -> memref<4x80xi32, #tpu.memory_space<hbm>>
      %dma_start3A_85 = arith.constant 0 : i32
      %dma_start3A_86 = arith.constant 0 : i32
      %dma_start3A_87 = tpu.memref_slice %arg4[%add3A, %dma_start3A_85, %dma_start3A_86] : memref<32x4x80xi32, #tpu.memory_space<hbm>> -> memref<1x4x80xi32, #tpu.memory_space<hbm>>
      %dma_start3A_88 = tpu.memref_squeeze %dma_start3A_87 : memref<1x4x80xi32, #tpu.memory_space<hbm>> -> memref<4x80xi32, #tpu.memory_space<hbm>>
      tpu.enqueue_dma source(%dma_start3A_88 : memref<4x80xi32, #tpu.memory_space<hbm>>) target(%arg7 : memref<4x80xi32, #tpu.memory_space<vmem>>) target_semaphore(%run_scoped3A_80 : memref<!tpu.dma_semaphore, #tpu.memory_space<semaphore_mem>>)
      %dma_wait3A_89 = arith.constant 0 : i32
      %dma_wait3A_90 = arith.constant 0 : i32
      %dma_wait3A_91 = tpu.memref_slice %arg4[%add3A, %dma_wait3A_89, %dma_wait3A_90] : memref<32x4x80xi32, #tpu.memory_space<hbm>> -> memref<1x4x80xi32, #tpu.memory_space<hbm>>
      %dma_wait3A_92 = tpu.memref_squeeze %dma_wait3A_91 : memref<1x4x80xi32, #tpu.memory_space<hbm>> -> memref<4x80xi32, #tpu.memory_space<hbm>>
      %dma_wait3A_93 = arith.constant 0 : i32
      %dma_wait3A_94 = arith.constant 0 : i32
      %dma_wait3A_95 = tpu.memref_slice %arg4[%add3A, %dma_wait3A_93, %dma_wait3A_94] : memref<32x4x80xi32, #tpu.memory_space<hbm>> -> memref<1x4x80xi32, #tpu.memory_space<hbm>>
      %dma_wait3A_96 = tpu.memref_squeeze %dma_wait3A_95 : memref<1x4x80xi32, #tpu.memory_space<hbm>> -> memref<4x80xi32, #tpu.memory_space<hbm>>
      tpu.wait_dma2 semaphore(%run_scoped3A_80 : memref<!tpu.dma_semaphore, #tpu.memory_space<semaphore_mem>>) src(%dma_wait3A_96 : memref<4x80xi32, #tpu.memory_space<hbm>>) dst(%arg7 : memref<4x80xi32, #tpu.memory_space<vmem>>)
      tpu.yield
    }) : () -> ()
    %barrier3A = arith.constant 0 : index
    tpu.barrier barrier_id(%barrier3A)
    %dma_start3A = arith.constant 0 : i32
    %dma_start3A_15 = arith.constant 0 : i32
    %dma_start3A_16 = tpu.memref_slice %arg6[%dma_start3A, %dma_start3A_15] : memref<4x80xi32, #tpu.memory_space<vmem>> -> memref<1x80xi32, #tpu.memory_space<vmem>>
    %dma_start3A_17 = tpu.memref_squeeze %dma_start3A_16 : memref<1x80xi32, #tpu.memory_space<vmem>> -> memref<80xi32, #tpu.memory_space<vmem>>
    %dma_start3A_18 = arith.constant 0 : i32
    %dma_start3A_19 = arith.constant 0 : i32
    %dma_start3A_20 = tpu.memref_slice %arg2[%dma_start3A_18, %dma_start3A_19] : memref<10000x128xf32, #tpu.memory_space<hbm>> -> memref<10000x128xf32, #tpu.memory_space<hbm>>
    tpu.enqueue_indirect_dma source(%dma_start3A_20 : memref<10000x128xf32, #tpu.memory_space<hbm>>) target(%arg8 : memref<80x128xf32, #tpu.memory_space<vmem>>) offsets(%dma_start3A_17 : memref<80xi32, #tpu.memory_space<vmem>>) semaphore(%arg11 : memref<!tpu.dma_semaphore, #tpu.memory_space<semaphore_mem>>)
    %dma_start3A_21 = arith.constant 1 : i32
    %dma_start3A_22 = arith.constant 0 : i32
    %dma_start3A_23 = tpu.memref_slice %arg6[%dma_start3A_21, %dma_start3A_22] : memref<4x80xi32, #tpu.memory_space<vmem>> -> memref<1x80xi32, #tpu.memory_space<vmem>>
    %dma_start3A_24 = tpu.memref_squeeze %dma_start3A_23 : memref<1x80xi32, #tpu.memory_space<vmem>> -> memref<80xi32, #tpu.memory_space<vmem>>
    %dma_start3A_25 = arith.constant 0 : i32
    %dma_start3A_26 = arith.constant 0 : i32
    %dma_start3A_27 = tpu.memref_slice %arg2[%dma_start3A_25, %dma_start3A_26] : memref<10000x128xf32, #tpu.memory_space<hbm>> -> memref<10000x128xf32, #tpu.memory_space<hbm>>
    tpu.enqueue_indirect_dma source(%dma_start3A_27 : memref<10000x128xf32, #tpu.memory_space<hbm>>) target(%arg9 : memref<80x128xf32, #tpu.memory_space<vmem>>) offsets(%dma_start3A_24 : memref<80xi32, #tpu.memory_space<vmem>>) semaphore(%arg12 : memref<!tpu.dma_semaphore, #tpu.memory_space<semaphore_mem>>)
    %dma_wait3A = arith.constant 0 : i32
    %dma_wait3A_28 = arith.constant 0 : i32
    %dma_wait3A_29 = tpu.memref_slice %arg6[%dma_wait3A, %dma_wait3A_28] : memref<4x80xi32, #tpu.memory_space<vmem>> -> memref<1x80xi32, #tpu.memory_space<vmem>>
    %dma_wait3A_30 = tpu.memref_squeeze %dma_wait3A_29 : memref<1x80xi32, #tpu.memory_space<vmem>> -> memref<80xi32, #tpu.memory_space<vmem>>
    %dma_wait3A_31 = arith.constant 0 : i32
    %dma_wait3A_32 = arith.constant 0 : i32
    %dma_wait3A_33 = tpu.memref_slice %arg2[%dma_wait3A_31, %dma_wait3A_32] : memref<10000x128xf32, #tpu.memory_space<hbm>> -> memref<10000x128xf32, #tpu.memory_space<hbm>>
    tpu.wait_indirect_dma semaphore(%arg11 : memref<!tpu.dma_semaphore, #tpu.memory_space<semaphore_mem>>) src(%dma_wait3A_33 : memref<10000x128xf32, #tpu.memory_space<hbm>>) dst(%arg8 : memref<80x128xf32, #tpu.memory_space<vmem>>)
    %run_scoped3A = arith.constant 0 : i32
    "tpu.region"() ({
      %run_scoped3A_80 = tpu.sem_alloc : memref<!tpu.dma_semaphore, #tpu.memory_space<semaphore_mem>>
      %dma_start3A_81 = arith.constant 0 : i32
      %dma_start3A_82 = tpu.memref_slice %arg7[%run_scoped3A, %dma_start3A_81] : memref<4x80xi32, #tpu.memory_space<vmem>> -> memref<1x80xi32, #tpu.memory_space<vmem>>
      %dma_start3A_83 = tpu.memref_squeeze %dma_start3A_82 : memref<1x80xi32, #tpu.memory_space<vmem>> -> memref<80xi32, #tpu.memory_space<vmem>>
      %dma_start3A_84 = arith.constant 0 : i32
      %dma_start3A_85 = arith.constant 0 : i32
      %dma_start3A_86 = tpu.memref_slice %arg10[%dma_start3A_84, %dma_start3A_85] : memref<10240x128xf32, #tpu.memory_space<vmem_shared>> -> memref<10240x128xf32, #tpu.memory_space<vmem_shared>>
      tpu.enqueue_indirect_dma source(%arg8 : memref<80x128xf32, #tpu.memory_space<vmem>>) target(%dma_start3A_86 : memref<10240x128xf32, #tpu.memory_space<vmem_shared>>) offsets(%dma_start3A_83 : memref<80xi32, #tpu.memory_space<vmem>>) semaphore(%run_scoped3A_80 : memref<!tpu.dma_semaphore, #tpu.memory_space<semaphore_mem>>) {add = true}
      %dma_wait3A_87 = arith.constant 0 : i32
      %dma_wait3A_88 = tpu.memref_slice %arg7[%run_scoped3A, %dma_wait3A_87] : memref<4x80xi32, #tpu.memory_space<vmem>> -> memref<1x80xi32, #tpu.memory_space<vmem>>
      %dma_wait3A_89 = tpu.memref_squeeze %dma_wait3A_88 : memref<1x80xi32, #tpu.memory_space<vmem>> -> memref<80xi32, #tpu.memory_space<vmem>>
      %dma_wait3A_90 = arith.constant 0 : i32
      %dma_wait3A_91 = arith.constant 0 : i32
      %dma_wait3A_92 = tpu.memref_slice %arg10[%dma_wait3A_90, %dma_wait3A_91] : memref<10240x128xf32, #tpu.memory_space<vmem_shared>> -> memref<10240x128xf32, #tpu.memory_space<vmem_shared>>
      tpu.wait_indirect_dma semaphore(%run_scoped3A_80 : memref<!tpu.dma_semaphore, #tpu.memory_space<semaphore_mem>>) src(%arg8 : memref<80x128xf32, #tpu.memory_space<vmem>>) dst(%dma_wait3A_92 : memref<10240x128xf32, #tpu.memory_space<vmem_shared>>)
      tpu.yield
    }) : () -> ()
    %dma_start3A_34 = arith.constant 2 : i32
    %dma_start3A_35 = arith.constant 0 : i32
    %dma_start3A_36 = tpu.memref_slice %arg6[%dma_start3A_34, %dma_start3A_35] : memref<4x80xi32, #tpu.memory_space<vmem>> -> memref<1x80xi32, #tpu.memory_space<vmem>>
    %dma_start3A_37 = tpu.memref_squeeze %dma_start3A_36 : memref<1x80xi32, #tpu.memory_space<vmem>> -> memref<80xi32, #tpu.memory_space<vmem>>
    %dma_start3A_38 = arith.constant 0 : i32
    %dma_start3A_39 = arith.constant 0 : i32
    %dma_start3A_40 = tpu.memref_slice %arg2[%dma_start3A_38, %dma_start3A_39] : memref<10000x128xf32, #tpu.memory_space<hbm>> -> memref<10000x128xf32, #tpu.memory_space<hbm>>
    tpu.enqueue_indirect_dma source(%dma_start3A_40 : memref<10000x128xf32, #tpu.memory_space<hbm>>) target(%arg8 : memref<80x128xf32, #tpu.memory_space<vmem>>) offsets(%dma_start3A_37 : memref<80xi32, #tpu.memory_space<vmem>>) semaphore(%arg11 : memref<!tpu.dma_semaphore, #tpu.memory_space<semaphore_mem>>)
    %dma_wait3A_41 = arith.constant 1 : i32
    %dma_wait3A_42 = arith.constant 0 : i32
    %dma_wait3A_43 = tpu.memref_slice %arg6[%dma_wait3A_41, %dma_wait3A_42] : memref<4x80xi32, #tpu.memory_space<vmem>> -> memref<1x80xi32, #tpu.memory_space<vmem>>
    %dma_wait3A_44 = tpu.memref_squeeze %dma_wait3A_43 : memref<1x80xi32, #tpu.memory_space<vmem>> -> memref<80xi32, #tpu.memory_space<vmem>>
    %dma_wait3A_45 = arith.constant 0 : i32
    %dma_wait3A_46 = arith.constant 0 : i32
    %dma_wait3A_47 = tpu.memref_slice %arg2[%dma_wait3A_45, %dma_wait3A_46] : memref<10000x128xf32, #tpu.memory_space<hbm>> -> memref<10000x128xf32, #tpu.memory_space<hbm>>
    tpu.wait_indirect_dma semaphore(%arg12 : memref<!tpu.dma_semaphore, #tpu.memory_space<semaphore_mem>>) src(%dma_wait3A_47 : memref<10000x128xf32, #tpu.memory_space<hbm>>) dst(%arg9 : memref<80x128xf32, #tpu.memory_space<vmem>>)
    %run_scoped3A_48 = arith.constant 1 : i32
    "tpu.region"() ({
      %run_scoped3A_80 = tpu.sem_alloc : memref<!tpu.dma_semaphore, #tpu.memory_space<semaphore_mem>>
      %dma_start3A_81 = arith.constant 0 : i32
      %dma_start3A_82 = tpu.memref_slice %arg7[%run_scoped3A_48, %dma_start3A_81] : memref<4x80xi32, #tpu.memory_space<vmem>> -> memref<1x80xi32, #tpu.memory_space<vmem>>
      %dma_start3A_83 = tpu.memref_squeeze %dma_start3A_82 : memref<1x80xi32, #tpu.memory_space<vmem>> -> memref<80xi32, #tpu.memory_space<vmem>>
      %dma_start3A_84 = arith.constant 0 : i32
      %dma_start3A_85 = arith.constant 0 : i32
      %dma_start3A_86 = tpu.memref_slice %arg10[%dma_start3A_84, %dma_start3A_85] : memref<10240x128xf32, #tpu.memory_space<vmem_shared>> -> memref<10240x128xf32, #tpu.memory_space<vmem_shared>>
      tpu.enqueue_indirect_dma source(%arg9 : memref<80x128xf32, #tpu.memory_space<vmem>>) target(%dma_start3A_86 : memref<10240x128xf32, #tpu.memory_space<vmem_shared>>) offsets(%dma_start3A_83 : memref<80xi32, #tpu.memory_space<vmem>>) semaphore(%run_scoped3A_80 : memref<!tpu.dma_semaphore, #tpu.memory_space<semaphore_mem>>) {add = true}
      %dma_wait3A_87 = arith.constant 0 : i32
      %dma_wait3A_88 = tpu.memref_slice %arg7[%run_scoped3A_48, %dma_wait3A_87] : memref<4x80xi32, #tpu.memory_space<vmem>> -> memref<1x80xi32, #tpu.memory_space<vmem>>
      %dma_wait3A_89 = tpu.memref_squeeze %dma_wait3A_88 : memref<1x80xi32, #tpu.memory_space<vmem>> -> memref<80xi32, #tpu.memory_space<vmem>>
      %dma_wait3A_90 = arith.constant 0 : i32
      %dma_wait3A_91 = arith.constant 0 : i32
      %dma_wait3A_92 = tpu.memref_slice %arg10[%dma_wait3A_90, %dma_wait3A_91] : memref<10240x128xf32, #tpu.memory_space<vmem_shared>> -> memref<10240x128xf32, #tpu.memory_space<vmem_shared>>
      tpu.wait_indirect_dma semaphore(%run_scoped3A_80 : memref<!tpu.dma_semaphore, #tpu.memory_space<semaphore_mem>>) src(%arg9 : memref<80x128xf32, #tpu.memory_space<vmem>>) dst(%dma_wait3A_92 : memref<10240x128xf32, #tpu.memory_space<vmem_shared>>)
      tpu.yield
    }) : () -> ()
    %dma_start3A_49 = arith.constant 3 : i32
    %dma_start3A_50 = arith.constant 0 : i32
    %dma_start3A_51 = tpu.memref_slice %arg6[%dma_start3A_49, %dma_start3A_50] : memref<4x80xi32, #tpu.memory_space<vmem>> -> memref<1x80xi32, #tpu.memory_space<vmem>>
    %dma_start3A_52 = tpu.memref_squeeze %dma_start3A_51 : memref<1x80xi32, #tpu.memory_space<vmem>> -> memref<80xi32, #tpu.memory_space<vmem>>
    %dma_start3A_53 = arith.constant 0 : i32
    %dma_start3A_54 = arith.constant 0 : i32
    %dma_start3A_55 = tpu.memref_slice %arg2[%dma_start3A_53, %dma_start3A_54] : memref<10000x128xf32, #tpu.memory_space<hbm>> -> memref<10000x128xf32, #tpu.memory_space<hbm>>
    tpu.enqueue_indirect_dma source(%dma_start3A_55 : memref<10000x128xf32, #tpu.memory_space<hbm>>) target(%arg9 : memref<80x128xf32, #tpu.memory_space<vmem>>) offsets(%dma_start3A_52 : memref<80xi32, #tpu.memory_space<vmem>>) semaphore(%arg12 : memref<!tpu.dma_semaphore, #tpu.memory_space<semaphore_mem>>)
    %dma_wait3A_56 = arith.constant 2 : i32
    %dma_wait3A_57 = arith.constant 0 : i32
    %dma_wait3A_58 = tpu.memref_slice %arg6[%dma_wait3A_56, %dma_wait3A_57] : memref<4x80xi32, #tpu.memory_space<vmem>> -> memref<1x80xi32, #tpu.memory_space<vmem>>
    %dma_wait3A_59 = tpu.memref_squeeze %dma_wait3A_58 : memref<1x80xi32, #tpu.memory_space<vmem>> -> memref<80xi32, #tpu.memory_space<vmem>>
    %dma_wait3A_60 = arith.constant 0 : i32
    %dma_wait3A_61 = arith.constant 0 : i32
    %dma_wait3A_62 = tpu.memref_slice %arg2[%dma_wait3A_60, %dma_wait3A_61] : memref<10000x128xf32, #tpu.memory_space<hbm>> -> memref<10000x128xf32, #tpu.memory_space<hbm>>
    tpu.wait_indirect_dma semaphore(%arg11 : memref<!tpu.dma_semaphore, #tpu.memory_space<semaphore_mem>>) src(%dma_wait3A_62 : memref<10000x128xf32, #tpu.memory_space<hbm>>) dst(%arg8 : memref<80x128xf32, #tpu.memory_space<vmem>>)
    %run_scoped3A_63 = arith.constant 2 : i32
    "tpu.region"() ({
      %run_scoped3A_80 = tpu.sem_alloc : memref<!tpu.dma_semaphore, #tpu.memory_space<semaphore_mem>>
      %dma_start3A_81 = arith.constant 0 : i32
      %dma_start3A_82 = tpu.memref_slice %arg7[%run_scoped3A_63, %dma_start3A_81] : memref<4x80xi32, #tpu.memory_space<vmem>> -> memref<1x80xi32, #tpu.memory_space<vmem>>
      %dma_start3A_83 = tpu.memref_squeeze %dma_start3A_82 : memref<1x80xi32, #tpu.memory_space<vmem>> -> memref<80xi32, #tpu.memory_space<vmem>>
      %dma_start3A_84 = arith.constant 0 : i32
      %dma_start3A_85 = arith.constant 0 : i32
      %dma_start3A_86 = tpu.memref_slice %arg10[%dma_start3A_84, %dma_start3A_85] : memref<10240x128xf32, #tpu.memory_space<vmem_shared>> -> memref<10240x128xf32, #tpu.memory_space<vmem_shared>>
      tpu.enqueue_indirect_dma source(%arg8 : memref<80x128xf32, #tpu.memory_space<vmem>>) target(%dma_start3A_86 : memref<10240x128xf32, #tpu.memory_space<vmem_shared>>) offsets(%dma_start3A_83 : memref<80xi32, #tpu.memory_space<vmem>>) semaphore(%run_scoped3A_80 : memref<!tpu.dma_semaphore, #tpu.memory_space<semaphore_mem>>) {add = true}
      %dma_wait3A_87 = arith.constant 0 : i32
      %dma_wait3A_88 = tpu.memref_slice %arg7[%run_scoped3A_63, %dma_wait3A_87] : memref<4x80xi32, #tpu.memory_space<vmem>> -> memref<1x80xi32, #tpu.memory_space<vmem>>
      %dma_wait3A_89 = tpu.memref_squeeze %dma_wait3A_88 : memref<1x80xi32, #tpu.memory_space<vmem>> -> memref<80xi32, #tpu.memory_space<vmem>>
      %dma_wait3A_90 = arith.constant 0 : i32
      %dma_wait3A_91 = arith.constant 0 : i32
      %dma_wait3A_92 = tpu.memref_slice %arg10[%dma_wait3A_90, %dma_wait3A_91] : memref<10240x128xf32, #tpu.memory_space<vmem_shared>> -> memref<10240x128xf32, #tpu.memory_space<vmem_shared>>
      tpu.wait_indirect_dma semaphore(%run_scoped3A_80 : memref<!tpu.dma_semaphore, #tpu.memory_space<semaphore_mem>>) src(%arg8 : memref<80x128xf32, #tpu.memory_space<vmem>>) dst(%dma_wait3A_92 : memref<10240x128xf32, #tpu.memory_space<vmem_shared>>)
      tpu.yield
    }) : () -> ()
    %dma_wait3A_64 = arith.constant 3 : i32
    %dma_wait3A_65 = arith.constant 0 : i32
    %dma_wait3A_66 = tpu.memref_slice %arg6[%dma_wait3A_64, %dma_wait3A_65] : memref<4x80xi32, #tpu.memory_space<vmem>> -> memref<1x80xi32, #tpu.memory_space<vmem>>
    %dma_wait3A_67 = tpu.memref_squeeze %dma_wait3A_66 : memref<1x80xi32, #tpu.memory_space<vmem>> -> memref<80xi32, #tpu.memory_space<vmem>>
    %dma_wait3A_68 = arith.constant 0 : i32
    %dma_wait3A_69 = arith.constant 0 : i32
    %dma_wait3A_70 = tpu.memref_slice %arg2[%dma_wait3A_68, %dma_wait3A_69] : memref<10000x128xf32, #tpu.memory_space<hbm>> -> memref<10000x128xf32, #tpu.memory_space<hbm>>
    tpu.wait_indirect_dma semaphore(%arg12 : memref<!tpu.dma_semaphore, #tpu.memory_space<semaphore_mem>>) src(%dma_wait3A_70 : memref<10000x128xf32, #tpu.memory_space<hbm>>) dst(%arg9 : memref<80x128xf32, #tpu.memory_space<vmem>>)
    %run_scoped3A_71 = arith.constant 3 : i32
    "tpu.region"() ({
      %run_scoped3A_80 = tpu.sem_alloc : memref<!tpu.dma_semaphore, #tpu.memory_space<semaphore_mem>>
      %dma_start3A_81 = arith.constant 0 : i32
      %dma_start3A_82 = tpu.memref_slice %arg7[%run_scoped3A_71, %dma_start3A_81] : memref<4x80xi32, #tpu.memory_space<vmem>> -> memref<1x80xi32, #tpu.memory_space<vmem>>
      %dma_start3A_83 = tpu.memref_squeeze %dma_start3A_82 : memref<1x80xi32, #tpu.memory_space<vmem>> -> memref<80xi32, #tpu.memory_space<vmem>>
      %dma_start3A_84 = arith.constant 0 : i32
      %dma_start3A_85 = arith.constant 0 : i32
      %dma_start3A_86 = tpu.memref_slice %arg10[%dma_start3A_84, %dma_start3A_85] : memref<10240x128xf32, #tpu.memory_space<vmem_shared>> -> memref<10240x128xf32, #tpu.memory_space<vmem_shared>>
      tpu.enqueue_indirect_dma source(%arg9 : memref<80x128xf32, #tpu.memory_space<vmem>>) target(%dma_start3A_86 : memref<10240x128xf32, #tpu.memory_space<vmem_shared>>) offsets(%dma_start3A_83 : memref<80xi32, #tpu.memory_space<vmem>>) semaphore(%run_scoped3A_80 : memref<!tpu.dma_semaphore, #tpu.memory_space<semaphore_mem>>) {add = true}
      %dma_wait3A_87 = arith.constant 0 : i32
      %dma_wait3A_88 = tpu.memref_slice %arg7[%run_scoped3A_71, %dma_wait3A_87] : memref<4x80xi32, #tpu.memory_space<vmem>> -> memref<1x80xi32, #tpu.memory_space<vmem>>
      %dma_wait3A_89 = tpu.memref_squeeze %dma_wait3A_88 : memref<1x80xi32, #tpu.memory_space<vmem>> -> memref<80xi32, #tpu.memory_space<vmem>>
      %dma_wait3A_90 = arith.constant 0 : i32
      %dma_wait3A_91 = arith.constant 0 : i32
      %dma_wait3A_92 = tpu.memref_slice %arg10[%dma_wait3A_90, %dma_wait3A_91] : memref<10240x128xf32, #tpu.memory_space<vmem_shared>> -> memref<10240x128xf32, #tpu.memory_space<vmem_shared>>
      tpu.wait_indirect_dma semaphore(%run_scoped3A_80 : memref<!tpu.dma_semaphore, #tpu.memory_space<semaphore_mem>>) src(%arg9 : memref<80x128xf32, #tpu.memory_space<vmem>>) dst(%dma_wait3A_92 : memref<10240x128xf32, #tpu.memory_space<vmem_shared>>)
      tpu.yield
    }) : () -> ()
    %barrier3A_72 = arith.constant 0 : index
    tpu.barrier barrier_id(%barrier3A_72)
    %scan3A_73 = arith.constant 0 : i32
    %scan3A_74 = arith.constant 0 : i32
    %scan3A_75 = arith.constant 8 : i32
    %scan3A_76 = arith.addi %scan3A_74, %scan3A_75 : i32
    %scan3A_77 = arith.constant 1 : i32
    %scan3A_78 = scf.for %scan3A_80 = %scan3A_74 to %scan3A_76 step %scan3A_77 iter_args(%scan3A_81 = %scan3A_73) -> (i32)  : i32 {
      %mul3A_82 = arith.constant 640 : i32
      %mul3A_83 = arith.muli %arg1, %mul3A_82 : i32
      %mul3A_84 = arith.constant 80 : i32
      %mul3A_85 = arith.muli %scan3A_80, %mul3A_84 : i32
      %add3A_86 = arith.addi %mul3A_83, %mul3A_85 : i32
      "tpu.region"() ({
        %run_scoped3A_93 = tpu.sem_alloc : memref<!tpu.dma_semaphore, #tpu.memory_space<semaphore_mem>>
        %dma_start3A_94 = arith.constant 0 : i32
        %dma_start3A_95 = tpu.memref_slice %arg10[%add3A_86, %dma_start3A_94] : memref<10240x128xf32, #tpu.memory_space<vmem_shared>> -> memref<80x128xf32, #tpu.memory_space<vmem_shared>>
        %dma_start3A_96 = arith.constant 0 : i32
        %dma_start3A_97 = tpu.memref_slice %arg10[%add3A_86, %dma_start3A_96] : memref<10240x128xf32, #tpu.memory_space<vmem_shared>> -> memref<80x128xf32, #tpu.memory_space<vmem_shared>>
        tpu.enqueue_dma source(%dma_start3A_97 : memref<80x128xf32, #tpu.memory_space<vmem_shared>>) target(%arg8 : memref<80x128xf32, #tpu.memory_space<vmem>>) target_semaphore(%run_scoped3A_93 : memref<!tpu.dma_semaphore, #tpu.memory_space<semaphore_mem>>)
        %dma_wait3A_98 = arith.constant 0 : i32
        %dma_wait3A_99 = tpu.memref_slice %arg10[%add3A_86, %dma_wait3A_98] : memref<10240x128xf32, #tpu.memory_space<vmem_shared>> -> memref<80x128xf32, #tpu.memory_space<vmem_shared>>
        %dma_wait3A_100 = arith.constant 0 : i32
        %dma_wait3A_101 = tpu.memref_slice %arg10[%add3A_86, %dma_wait3A_100] : memref<10240x128xf32, #tpu.memory_space<vmem_shared>> -> memref<80x128xf32, #tpu.memory_space<vmem_shared>>
        tpu.wait_dma2 semaphore(%run_scoped3A_93 : memref<!tpu.dma_semaphore, #tpu.memory_space<semaphore_mem>>) src(%dma_wait3A_101 : memref<80x128xf32, #tpu.memory_space<vmem_shared>>) dst(%arg8 : memref<80x128xf32, #tpu.memory_space<vmem>>)
        tpu.yield
      }) : () -> ()
      %mul3A_87 = arith.constant 640 : i32
      %mul3A_88 = arith.muli %arg1, %mul3A_87 : i32
      %mul3A_89 = arith.constant 80 : i32
      %mul3A_90 = arith.muli %scan3A_80, %mul3A_89 : i32
      %add3A_91 = arith.addi %mul3A_88, %mul3A_90 : i32
      "tpu.region"() ({
        %run_scoped3A_93 = tpu.sem_alloc : memref<!tpu.dma_semaphore, #tpu.memory_space<semaphore_mem>>
        %dma_start3A_94 = arith.constant 0 : i32
        %dma_start3A_95 = tpu.memref_slice %arg5[%arg0, %add3A_91, %dma_start3A_94] : memref<2x10240x128xf32, #tpu.memory_space<hbm>> -> memref<1x80x128xf32, #tpu.memory_space<hbm>>
        %dma_start3A_96 = tpu.memref_squeeze %dma_start3A_95 : memref<1x80x128xf32, #tpu.memory_space<hbm>> -> memref<80x128xf32, #tpu.memory_space<hbm>>
        %dma_start3A_97 = arith.constant 0 : i32
        %dma_start3A_98 = tpu.memref_slice %arg5[%arg0, %add3A_91, %dma_start3A_97] : memref<2x10240x128xf32, #tpu.memory_space<hbm>> -> memref<1x80x128xf32, #tpu.memory_space<hbm>>
        %dma_start3A_99 = tpu.memref_squeeze %dma_start3A_98 : memref<1x80x128xf32, #tpu.memory_space<hbm>> -> memref<80x128xf32, #tpu.memory_space<hbm>>
        tpu.enqueue_dma source(%arg8 : memref<80x128xf32, #tpu.memory_space<vmem>>) target(%dma_start3A_99 : memref<80x128xf32, #tpu.memory_space<hbm>>) target_semaphore(%run_scoped3A_93 : memref<!tpu.dma_semaphore, #tpu.memory_space<semaphore_mem>>)
        %dma_wait3A_100 = arith.constant 0 : i32
        %dma_wait3A_101 = tpu.memref_slice %arg5[%arg0, %add3A_91, %dma_wait3A_100] : memref<2x10240x128xf32, #tpu.memory_space<hbm>> -> memref<1x80x128xf32, #tpu.memory_space<hbm>>
        %dma_wait3A_102 = tpu.memref_squeeze %dma_wait3A_101 : memref<1x80x128xf32, #tpu.memory_space<hbm>> -> memref<80x128xf32, #tpu.memory_space<hbm>>
        %dma_wait3A_103 = arith.constant 0 : i32
        %dma_wait3A_104 = tpu.memref_slice %arg5[%arg0, %add3A_91, %dma_wait3A_103] : memref<2x10240x128xf32, #tpu.memory_space<hbm>> -> memref<1x80x128xf32, #tpu.memory_space<hbm>>
        %dma_wait3A_105 = tpu.memref_squeeze %dma_wait3A_104 : memref<1x80x128xf32, #tpu.memory_space<hbm>> -> memref<80x128xf32, #tpu.memory_space<hbm>>
        tpu.wait_dma2 semaphore(%run_scoped3A_93 : memref<!tpu.dma_semaphore, #tpu.memory_space<semaphore_mem>>) src(%arg8 : memref<80x128xf32, #tpu.memory_space<vmem>>) dst(%dma_wait3A_105 : memref<80x128xf32, #tpu.memory_space<hbm>>)
        tpu.yield
      }) : () -> ()
      %scan3A_92 = arith.constant 0 : i32
      scf.yield %scan3A_92 : i32
    }
    %scan3A_79 = arith.constant 8 : i32
    return
  }
}

#map = affine_map<(d0, d1) -> (0, 0)>
#map1 = affine_map<(d0, d1) -> (0, 0, 0)>
#map2 = affine_map<(d0, d1) -> (0)>
module attributes {stable_mosaic.version = 14 : i64} {
  func.func @_pool_kernel(%arg0: i32, %arg1: i32, %arg2: memref<10000x128xf32, #tpu.memory_space<hbm>>, %arg3: memref<32x4x80xi32, #tpu.memory_space<hbm>>, %arg4: memref<10000xi32, #tpu.memory_space<hbm>>, %arg5: memref<2x384x128xf32, #tpu.memory_space<hbm>>, %arg6: memref<4x80xi32, #tpu.memory_space<vmem>>, %arg7: memref<4x80xi32, #tpu.memory_space<vmem>>, %arg8: memref<80x128xf32, #tpu.memory_space<vmem>>, %arg9: memref<24x128xf32, #tpu.memory_space<vmem>>, %arg10: memref<384x128xf32, #tpu.memory_space<vmem_shared>>, %arg11: memref<!tpu.dma_semaphore, #tpu.memory_space<semaphore_mem>>) attributes {dimension_semantics = [#tpu.dimension_semantics<core_parallel>, #tpu.dimension_semantics<subcore_parallel>], iteration_bounds = array<i64: 2, 16>, scalar_prefetch = 0 : i64, scratch_operands = 6 : i64, tpu.core_type = #tpu.core_type<sc_vector_subcore>, window_params = [{transform_indices = #map}, {transform_indices = #map1}, {transform_indices = #map2}, {transform_indices = #map1}]} {
    %mul3A = arith.constant 2 : i32
    %mul3A_0 = arith.muli %arg1, %mul3A : i32
    %add3A = arith.addi %mul3A_0, %arg0 : i32
    %broadcast_in_dim3A = arith.constant 0.000000e+00 : f32
    %broadcast_in_dim3A_1 = vector.broadcast %broadcast_in_dim3A : f32 to vector<16xf32>
    %scan3A = arith.constant 0 : i32
    %scan3A_2 = arith.constant 0 : i32
    %scan3A_3 = arith.constant 24 : i32
    %scan3A_4 = arith.addi %scan3A_2, %scan3A_3 : i32
    %scan3A_5 = arith.constant 1 : i32
    %scan3A_6 = scf.for %scan3A_134 = %scan3A_2 to %scan3A_4 step %scan3A_5 iter_args(%scan3A_135 = %scan3A) -> (i32)  : i32 {
      %scan3A_136 = arith.constant 0 : i32
      %scan3A_137 = arith.constant 0 : i32
      %scan3A_138 = arith.constant 8 : i32
      %scan3A_139 = arith.addi %scan3A_137, %scan3A_138 : i32
      %scan3A_140 = arith.constant 1 : i32
      %scan3A_141 = scf.for %scan3A_143 = %scan3A_137 to %scan3A_139 step %scan3A_140 iter_args(%scan3A_144 = %scan3A_136) -> (i32)  : i32 {
        %mul3A_145 = arith.constant 16 : i32
        %mul3A_146 = arith.muli %scan3A_143, %mul3A_145 : i32
        %swap3A = arith.index_cast %scan3A_134 : i32 to index
        %swap3A_147 = arith.index_cast %mul3A_146 : i32 to index
        %swap3A_148 = tpu.vector_load %arg9[%swap3A, %swap3A_147] {strides = array<i32>} : memref<24x128xf32, #tpu.memory_space<vmem>>, vector<1x16xf32>,
        %swap3A_149 = vector.shape_cast %swap3A_148 : vector<1x16xf32> to vector<16xf32>
        %swap3A_150 = vector.shape_cast %broadcast_in_dim3A_1 : vector<16xf32> to vector<1x16xf32>
        tpu.vector_store %arg9[%swap3A, %swap3A_147], %swap3A_150 {strides = array<i32>} : memref<24x128xf32, #tpu.memory_space<vmem>>, vector<1x16xf32>,
        %scan3A_151 = arith.constant 0 : i32
        scf.yield %scan3A_151 : i32
      }
      %scan3A_142 = arith.constant 8 : i32
      scf.yield %scan3A_141 : i32
    }
    %scan3A_7 = arith.constant 24 : i32
    %mul3A_8 = arith.constant 24 : i32
    %mul3A_9 = arith.muli %arg1, %mul3A_8 : i32
    "tpu.region"() ({
      %run_scoped3A = tpu.sem_alloc : memref<!tpu.dma_semaphore, #tpu.memory_space<semaphore_mem>>
      %dma_start3A_134 = arith.constant 0 : i32
      %dma_start3A_135 = tpu.memref_slice %arg10[%mul3A_9, %dma_start3A_134] : memref<384x128xf32, #tpu.memory_space<vmem_shared>> -> memref<24x128xf32, #tpu.memory_space<vmem_shared>>
      %dma_start3A_136 = arith.constant 0 : i32
      %dma_start3A_137 = tpu.memref_slice %arg10[%mul3A_9, %dma_start3A_136] : memref<384x128xf32, #tpu.memory_space<vmem_shared>> -> memref<24x128xf32, #tpu.memory_space<vmem_shared>>
      tpu.enqueue_dma source(%arg9 : memref<24x128xf32, #tpu.memory_space<vmem>>) target(%dma_start3A_137 : memref<24x128xf32, #tpu.memory_space<vmem_shared>>) target_semaphore(%run_scoped3A : memref<!tpu.dma_semaphore, #tpu.memory_space<semaphore_mem>>)
      %dma_wait3A_138 = arith.constant 0 : i32
      %dma_wait3A_139 = tpu.memref_slice %arg10[%mul3A_9, %dma_wait3A_138] : memref<384x128xf32, #tpu.memory_space<vmem_shared>> -> memref<24x128xf32, #tpu.memory_space<vmem_shared>>
      %dma_wait3A_140 = arith.constant 0 : i32
      %dma_wait3A_141 = tpu.memref_slice %arg10[%mul3A_9, %dma_wait3A_140] : memref<384x128xf32, #tpu.memory_space<vmem_shared>> -> memref<24x128xf32, #tpu.memory_space<vmem_shared>>
      tpu.wait_dma2 semaphore(%run_scoped3A : memref<!tpu.dma_semaphore, #tpu.memory_space<semaphore_mem>>) src(%arg9 : memref<24x128xf32, #tpu.memory_space<vmem>>) dst(%dma_wait3A_141 : memref<24x128xf32, #tpu.memory_space<vmem_shared>>)
      tpu.yield
    }) : () -> ()
    "tpu.region"() ({
      %run_scoped3A = tpu.sem_alloc : memref<!tpu.dma_semaphore, #tpu.memory_space<semaphore_mem>>
      %dma_start3A_134 = arith.constant 0 : i32
      %dma_start3A_135 = arith.constant 0 : i32
      %dma_start3A_136 = tpu.memref_slice %arg3[%add3A, %dma_start3A_134, %dma_start3A_135] : memref<32x4x80xi32, #tpu.memory_space<hbm>> -> memref<1x4x80xi32, #tpu.memory_space<hbm>>
      %dma_start3A_137 = tpu.memref_squeeze %dma_start3A_136 : memref<1x4x80xi32, #tpu.memory_space<hbm>> -> memref<4x80xi32, #tpu.memory_space<hbm>>
      %dma_start3A_138 = arith.constant 0 : i32
      %dma_start3A_139 = arith.constant 0 : i32
      %dma_start3A_140 = tpu.memref_slice %arg3[%add3A, %dma_start3A_138, %dma_start3A_139] : memref<32x4x80xi32, #tpu.memory_space<hbm>> -> memref<1x4x80xi32, #tpu.memory_space<hbm>>
      %dma_start3A_141 = tpu.memref_squeeze %dma_start3A_140 : memref<1x4x80xi32, #tpu.memory_space<hbm>> -> memref<4x80xi32, #tpu.memory_space<hbm>>
      tpu.enqueue_dma source(%dma_start3A_141 : memref<4x80xi32, #tpu.memory_space<hbm>>) target(%arg6 : memref<4x80xi32, #tpu.memory_space<vmem>>) target_semaphore(%run_scoped3A : memref<!tpu.dma_semaphore, #tpu.memory_space<semaphore_mem>>)
      %dma_wait3A_142 = arith.constant 0 : i32
      %dma_wait3A_143 = arith.constant 0 : i32
      %dma_wait3A_144 = tpu.memref_slice %arg3[%add3A, %dma_wait3A_142, %dma_wait3A_143] : memref<32x4x80xi32, #tpu.memory_space<hbm>> -> memref<1x4x80xi32, #tpu.memory_space<hbm>>
      %dma_wait3A_145 = tpu.memref_squeeze %dma_wait3A_144 : memref<1x4x80xi32, #tpu.memory_space<hbm>> -> memref<4x80xi32, #tpu.memory_space<hbm>>
      %dma_wait3A_146 = arith.constant 0 : i32
      %dma_wait3A_147 = arith.constant 0 : i32
      %dma_wait3A_148 = tpu.memref_slice %arg3[%add3A, %dma_wait3A_146, %dma_wait3A_147] : memref<32x4x80xi32, #tpu.memory_space<hbm>> -> memref<1x4x80xi32, #tpu.memory_space<hbm>>
      %dma_wait3A_149 = tpu.memref_squeeze %dma_wait3A_148 : memref<1x4x80xi32, #tpu.memory_space<hbm>> -> memref<4x80xi32, #tpu.memory_space<hbm>>
      tpu.wait_dma2 semaphore(%run_scoped3A : memref<!tpu.dma_semaphore, #tpu.memory_space<semaphore_mem>>) src(%dma_wait3A_149 : memref<4x80xi32, #tpu.memory_space<hbm>>) dst(%arg6 : memref<4x80xi32, #tpu.memory_space<vmem>>)
      tpu.yield
    }) : () -> ()
    %dma_start3A = arith.constant 0 : i32
    %dma_start3A_10 = arith.constant 0 : i32
    %dma_start3A_11 = arith.constant 0 : i32
    %dma_start3A_12 = tpu.memref_slice %arg7[%dma_start3A_10, %dma_start3A_11] : memref<4x80xi32, #tpu.memory_space<vmem>> -> memref<1x80xi32, #tpu.memory_space<vmem>>
    %dma_start3A_13 = tpu.memref_squeeze %dma_start3A_12 : memref<1x80xi32, #tpu.memory_space<vmem>> -> memref<80xi32, #tpu.memory_space<vmem>>
    %dma_start3A_14 = arith.constant 0 : i32
    %dma_start3A_15 = tpu.memref_slice %arg6[%dma_start3A, %dma_start3A_14] : memref<4x80xi32, #tpu.memory_space<vmem>> -> memref<1x80xi32, #tpu.memory_space<vmem>>
    %dma_start3A_16 = tpu.memref_squeeze %dma_start3A_15 : memref<1x80xi32, #tpu.memory_space<vmem>> -> memref<80xi32, #tpu.memory_space<vmem>>
    %dma_start3A_17 = arith.constant 0 : i32
    %dma_start3A_18 = tpu.memref_slice %arg4[%dma_start3A_17] : memref<10000xi32, #tpu.memory_space<hbm>> -> memref<10000xi32, #tpu.memory_space<hbm>>
    tpu.enqueue_indirect_dma source(%dma_start3A_18 : memref<10000xi32, #tpu.memory_space<hbm>>) target(%dma_start3A_13 : memref<80xi32, #tpu.memory_space<vmem>>) offsets(%dma_start3A_16 : memref<80xi32, #tpu.memory_space<vmem>>) semaphore(%arg11 : memref<!tpu.dma_semaphore, #tpu.memory_space<semaphore_mem>>)
    %dma_wait3A = arith.constant 0 : i32
    %dma_wait3A_19 = arith.constant 0 : i32
    %dma_wait3A_20 = arith.constant 0 : i32
    %dma_wait3A_21 = tpu.memref_slice %arg7[%dma_wait3A_19, %dma_wait3A_20] : memref<4x80xi32, #tpu.memory_space<vmem>> -> memref<1x80xi32, #tpu.memory_space<vmem>>
    %dma_wait3A_22 = tpu.memref_squeeze %dma_wait3A_21 : memref<1x80xi32, #tpu.memory_space<vmem>> -> memref<80xi32, #tpu.memory_space<vmem>>
    %dma_wait3A_23 = arith.constant 0 : i32
    %dma_wait3A_24 = tpu.memref_slice %arg6[%dma_wait3A, %dma_wait3A_23] : memref<4x80xi32, #tpu.memory_space<vmem>> -> memref<1x80xi32, #tpu.memory_space<vmem>>
    %dma_wait3A_25 = tpu.memref_squeeze %dma_wait3A_24 : memref<1x80xi32, #tpu.memory_space<vmem>> -> memref<80xi32, #tpu.memory_space<vmem>>
    %dma_wait3A_26 = arith.constant 0 : i32
    %dma_wait3A_27 = tpu.memref_slice %arg4[%dma_wait3A_26] : memref<10000xi32, #tpu.memory_space<hbm>> -> memref<10000xi32, #tpu.memory_space<hbm>>
    tpu.wait_indirect_dma semaphore(%arg11 : memref<!tpu.dma_semaphore, #tpu.memory_space<semaphore_mem>>) src(%dma_wait3A_27 : memref<10000xi32, #tpu.memory_space<hbm>>) dst(%dma_wait3A_22 : memref<80xi32, #tpu.memory_space<vmem>>)
    %dma_start3A_28 = arith.constant 1 : i32
    %dma_start3A_29 = arith.constant 1 : i32
    %dma_start3A_30 = arith.constant 0 : i32
    %dma_start3A_31 = tpu.memref_slice %arg7[%dma_start3A_29, %dma_start3A_30] : memref<4x80xi32, #tpu.memory_space<vmem>> -> memref<1x80xi32, #tpu.memory_space<vmem>>
    %dma_start3A_32 = tpu.memref_squeeze %dma_start3A_31 : memref<1x80xi32, #tpu.memory_space<vmem>> -> memref<80xi32, #tpu.memory_space<vmem>>
    %dma_start3A_33 = arith.constant 0 : i32
    %dma_start3A_34 = tpu.memref_slice %arg6[%dma_start3A_28, %dma_start3A_33] : memref<4x80xi32, #tpu.memory_space<vmem>> -> memref<1x80xi32, #tpu.memory_space<vmem>>
    %dma_start3A_35 = tpu.memref_squeeze %dma_start3A_34 : memref<1x80xi32, #tpu.memory_space<vmem>> -> memref<80xi32, #tpu.memory_space<vmem>>
    %dma_start3A_36 = arith.constant 0 : i32
    %dma_start3A_37 = tpu.memref_slice %arg4[%dma_start3A_36] : memref<10000xi32, #tpu.memory_space<hbm>> -> memref<10000xi32, #tpu.memory_space<hbm>>
    tpu.enqueue_indirect_dma source(%dma_start3A_37 : memref<10000xi32, #tpu.memory_space<hbm>>) target(%dma_start3A_32 : memref<80xi32, #tpu.memory_space<vmem>>) offsets(%dma_start3A_35 : memref<80xi32, #tpu.memory_space<vmem>>) semaphore(%arg11 : memref<!tpu.dma_semaphore, #tpu.memory_space<semaphore_mem>>)
    %dma_wait3A_38 = arith.constant 1 : i32
    %dma_wait3A_39 = arith.constant 1 : i32
    %dma_wait3A_40 = arith.constant 0 : i32
    %dma_wait3A_41 = tpu.memref_slice %arg7[%dma_wait3A_39, %dma_wait3A_40] : memref<4x80xi32, #tpu.memory_space<vmem>> -> memref<1x80xi32, #tpu.memory_space<vmem>>
    %dma_wait3A_42 = tpu.memref_squeeze %dma_wait3A_41 : memref<1x80xi32, #tpu.memory_space<vmem>> -> memref<80xi32, #tpu.memory_space<vmem>>
    %dma_wait3A_43 = arith.constant 0 : i32
    %dma_wait3A_44 = tpu.memref_slice %arg6[%dma_wait3A_38, %dma_wait3A_43] : memref<4x80xi32, #tpu.memory_space<vmem>> -> memref<1x80xi32, #tpu.memory_space<vmem>>
    %dma_wait3A_45 = tpu.memref_squeeze %dma_wait3A_44 : memref<1x80xi32, #tpu.memory_space<vmem>> -> memref<80xi32, #tpu.memory_space<vmem>>
    %dma_wait3A_46 = arith.constant 0 : i32
    %dma_wait3A_47 = tpu.memref_slice %arg4[%dma_wait3A_46] : memref<10000xi32, #tpu.memory_space<hbm>> -> memref<10000xi32, #tpu.memory_space<hbm>>
    tpu.wait_indirect_dma semaphore(%arg11 : memref<!tpu.dma_semaphore, #tpu.memory_space<semaphore_mem>>) src(%dma_wait3A_47 : memref<10000xi32, #tpu.memory_space<hbm>>) dst(%dma_wait3A_42 : memref<80xi32, #tpu.memory_space<vmem>>)
    %dma_start3A_48 = arith.constant 2 : i32
    %dma_start3A_49 = arith.constant 2 : i32
    %dma_start3A_50 = arith.constant 0 : i32
    %dma_start3A_51 = tpu.memref_slice %arg7[%dma_start3A_49, %dma_start3A_50] : memref<4x80xi32, #tpu.memory_space<vmem>> -> memref<1x80xi32, #tpu.memory_space<vmem>>
    %dma_start3A_52 = tpu.memref_squeeze %dma_start3A_51 : memref<1x80xi32, #tpu.memory_space<vmem>> -> memref<80xi32, #tpu.memory_space<vmem>>
    %dma_start3A_53 = arith.constant 0 : i32
    %dma_start3A_54 = tpu.memref_slice %arg6[%dma_start3A_48, %dma_start3A_53] : memref<4x80xi32, #tpu.memory_space<vmem>> -> memref<1x80xi32, #tpu.memory_space<vmem>>
    %dma_start3A_55 = tpu.memref_squeeze %dma_start3A_54 : memref<1x80xi32, #tpu.memory_space<vmem>> -> memref<80xi32, #tpu.memory_space<vmem>>
    %dma_start3A_56 = arith.constant 0 : i32
    %dma_start3A_57 = tpu.memref_slice %arg4[%dma_start3A_56] : memref<10000xi32, #tpu.memory_space<hbm>> -> memref<10000xi32, #tpu.memory_space<hbm>>
    tpu.enqueue_indirect_dma source(%dma_start3A_57 : memref<10000xi32, #tpu.memory_space<hbm>>) target(%dma_start3A_52 : memref<80xi32, #tpu.memory_space<vmem>>) offsets(%dma_start3A_55 : memref<80xi32, #tpu.memory_space<vmem>>) semaphore(%arg11 : memref<!tpu.dma_semaphore, #tpu.memory_space<semaphore_mem>>)
    %dma_wait3A_58 = arith.constant 2 : i32
    %dma_wait3A_59 = arith.constant 2 : i32
    %dma_wait3A_60 = arith.constant 0 : i32
    %dma_wait3A_61 = tpu.memref_slice %arg7[%dma_wait3A_59, %dma_wait3A_60] : memref<4x80xi32, #tpu.memory_space<vmem>> -> memref<1x80xi32, #tpu.memory_space<vmem>>
    %dma_wait3A_62 = tpu.memref_squeeze %dma_wait3A_61 : memref<1x80xi32, #tpu.memory_space<vmem>> -> memref<80xi32, #tpu.memory_space<vmem>>
    %dma_wait3A_63 = arith.constant 0 : i32
    %dma_wait3A_64 = tpu.memref_slice %arg6[%dma_wait3A_58, %dma_wait3A_63] : memref<4x80xi32, #tpu.memory_space<vmem>> -> memref<1x80xi32, #tpu.memory_space<vmem>>
    %dma_wait3A_65 = tpu.memref_squeeze %dma_wait3A_64 : memref<1x80xi32, #tpu.memory_space<vmem>> -> memref<80xi32, #tpu.memory_space<vmem>>
    %dma_wait3A_66 = arith.constant 0 : i32
    %dma_wait3A_67 = tpu.memref_slice %arg4[%dma_wait3A_66] : memref<10000xi32, #tpu.memory_space<hbm>> -> memref<10000xi32, #tpu.memory_space<hbm>>
    tpu.wait_indirect_dma semaphore(%arg11 : memref<!tpu.dma_semaphore, #tpu.memory_space<semaphore_mem>>) src(%dma_wait3A_67 : memref<10000xi32, #tpu.memory_space<hbm>>) dst(%dma_wait3A_62 : memref<80xi32, #tpu.memory_space<vmem>>)
    %dma_start3A_68 = arith.constant 3 : i32
    %dma_start3A_69 = arith.constant 3 : i32
    %dma_start3A_70 = arith.constant 0 : i32
    %dma_start3A_71 = tpu.memref_slice %arg7[%dma_start3A_69, %dma_start3A_70] : memref<4x80xi32, #tpu.memory_space<vmem>> -> memref<1x80xi32, #tpu.memory_space<vmem>>
    %dma_start3A_72 = tpu.memref_squeeze %dma_start3A_71 : memref<1x80xi32, #tpu.memory_space<vmem>> -> memref<80xi32, #tpu.memory_space<vmem>>
    %dma_start3A_73 = arith.constant 0 : i32
    %dma_start3A_74 = tpu.memref_slice %arg6[%dma_start3A_68, %dma_start3A_73] : memref<4x80xi32, #tpu.memory_space<vmem>> -> memref<1x80xi32, #tpu.memory_space<vmem>>
    %dma_start3A_75 = tpu.memref_squeeze %dma_start3A_74 : memref<1x80xi32, #tpu.memory_space<vmem>> -> memref<80xi32, #tpu.memory_space<vmem>>
    %dma_start3A_76 = arith.constant 0 : i32
    %dma_start3A_77 = tpu.memref_slice %arg4[%dma_start3A_76] : memref<10000xi32, #tpu.memory_space<hbm>> -> memref<10000xi32, #tpu.memory_space<hbm>>
    tpu.enqueue_indirect_dma source(%dma_start3A_77 : memref<10000xi32, #tpu.memory_space<hbm>>) target(%dma_start3A_72 : memref<80xi32, #tpu.memory_space<vmem>>) offsets(%dma_start3A_75 : memref<80xi32, #tpu.memory_space<vmem>>) semaphore(%arg11 : memref<!tpu.dma_semaphore, #tpu.memory_space<semaphore_mem>>)
    %dma_wait3A_78 = arith.constant 3 : i32
    %dma_wait3A_79 = arith.constant 3 : i32
    %dma_wait3A_80 = arith.constant 0 : i32
    %dma_wait3A_81 = tpu.memref_slice %arg7[%dma_wait3A_79, %dma_wait3A_80] : memref<4x80xi32, #tpu.memory_space<vmem>> -> memref<1x80xi32, #tpu.memory_space<vmem>>
    %dma_wait3A_82 = tpu.memref_squeeze %dma_wait3A_81 : memref<1x80xi32, #tpu.memory_space<vmem>> -> memref<80xi32, #tpu.memory_space<vmem>>
    %dma_wait3A_83 = arith.constant 0 : i32
    %dma_wait3A_84 = tpu.memref_slice %arg6[%dma_wait3A_78, %dma_wait3A_83] : memref<4x80xi32, #tpu.memory_space<vmem>> -> memref<1x80xi32, #tpu.memory_space<vmem>>
    %dma_wait3A_85 = tpu.memref_squeeze %dma_wait3A_84 : memref<1x80xi32, #tpu.memory_space<vmem>> -> memref<80xi32, #tpu.memory_space<vmem>>
    %dma_wait3A_86 = arith.constant 0 : i32
    %dma_wait3A_87 = tpu.memref_slice %arg4[%dma_wait3A_86] : memref<10000xi32, #tpu.memory_space<hbm>> -> memref<10000xi32, #tpu.memory_space<hbm>>
    tpu.wait_indirect_dma semaphore(%arg11 : memref<!tpu.dma_semaphore, #tpu.memory_space<semaphore_mem>>) src(%dma_wait3A_87 : memref<10000xi32, #tpu.memory_space<hbm>>) dst(%dma_wait3A_82 : memref<80xi32, #tpu.memory_space<vmem>>)
    %barrier3A = arith.constant 0 : index
    tpu.barrier barrier_id(%barrier3A)
    %mul3A_88 = arith.constant 4 : i32
    %mul3A_89 = arith.muli %add3A, %mul3A_88 : i32
    %mul3A_90 = arith.constant 80 : i32
    %mul3A_91 = arith.muli %mul3A_89, %mul3A_90 : i32
    %add3A_92 = arith.constant 0 : i32
    %add3A_93 = arith.addi %mul3A_91, %add3A_92 : i32
    %lt3A = arith.constant 10000 : i32
    %lt3A_94 = arith.cmpi slt, %add3A_93, %lt3A : i32
    %convert_element_type3A = arith.extui %lt3A_94 : i1 to i32
    %cond3A = arith.constant 0 : i32
    %cond3A_95 = arith.cmpi ne, %convert_element_type3A, %cond3A : i32
    scf.if %cond3A_95 {
      %mul3A_134 = arith.constant 4 : i32
      %mul3A_135 = arith.muli %add3A, %mul3A_134 : i32
      %mul3A_136 = arith.constant 80 : i32
      %mul3A_137 = arith.muli %mul3A_135, %mul3A_136 : i32
      %add3A_138 = arith.constant 0 : i32
      %add3A_139 = arith.addi %mul3A_137, %add3A_138 : i32
      "tpu.region"() ({
        %run_scoped3A_140 = tpu.sem_alloc : memref<!tpu.dma_semaphore, #tpu.memory_space<semaphore_mem>>
        %dma_start3A_141 = arith.constant 0 : i32
        %dma_start3A_142 = tpu.memref_slice %arg2[%add3A_139, %dma_start3A_141] : memref<10000x128xf32, #tpu.memory_space<hbm>> -> memref<80x128xf32, #tpu.memory_space<hbm>>
        %dma_start3A_143 = arith.constant 0 : i32
        %dma_start3A_144 = tpu.memref_slice %arg2[%add3A_139, %dma_start3A_143] : memref<10000x128xf32, #tpu.memory_space<hbm>> -> memref<80x128xf32, #tpu.memory_space<hbm>>
        tpu.enqueue_dma source(%dma_start3A_144 : memref<80x128xf32, #tpu.memory_space<hbm>>) target(%arg8 : memref<80x128xf32, #tpu.memory_space<vmem>>) target_semaphore(%run_scoped3A_140 : memref<!tpu.dma_semaphore, #tpu.memory_space<semaphore_mem>>)
        %dma_wait3A_145 = arith.constant 0 : i32
        %dma_wait3A_146 = tpu.memref_slice %arg2[%add3A_139, %dma_wait3A_145] : memref<10000x128xf32, #tpu.memory_space<hbm>> -> memref<80x128xf32, #tpu.memory_space<hbm>>
        %dma_wait3A_147 = arith.constant 0 : i32
        %dma_wait3A_148 = tpu.memref_slice %arg2[%add3A_139, %dma_wait3A_147] : memref<10000x128xf32, #tpu.memory_space<hbm>> -> memref<80x128xf32, #tpu.memory_space<hbm>>
        tpu.wait_dma2 semaphore(%run_scoped3A_140 : memref<!tpu.dma_semaphore, #tpu.memory_space<semaphore_mem>>) src(%dma_wait3A_148 : memref<80x128xf32, #tpu.memory_space<hbm>>) dst(%arg8 : memref<80x128xf32, #tpu.memory_space<vmem>>)
        tpu.yield
      }) : () -> ()
      %run_scoped3A = arith.constant 0 : i32
      "tpu.region"() ({
        %run_scoped3A_140 = tpu.sem_alloc : memref<!tpu.dma_semaphore, #tpu.memory_space<semaphore_mem>>
        %dma_start3A_141 = arith.constant 0 : i32
        %dma_start3A_142 = tpu.memref_slice %arg7[%run_scoped3A, %dma_start3A_141] : memref<4x80xi32, #tpu.memory_space<vmem>> -> memref<1x80xi32, #tpu.memory_space<vmem>>
        %dma_start3A_143 = tpu.memref_squeeze %dma_start3A_142 : memref<1x80xi32, #tpu.memory_space<vmem>> -> memref<80xi32, #tpu.memory_space<vmem>>
        %dma_start3A_144 = arith.constant 0 : i32
        %dma_start3A_145 = arith.constant 0 : i32
        %dma_start3A_146 = tpu.memref_slice %arg10[%dma_start3A_144, %dma_start3A_145] : memref<384x128xf32, #tpu.memory_space<vmem_shared>> -> memref<384x128xf32, #tpu.memory_space<vmem_shared>>
        tpu.enqueue_indirect_dma source(%arg8 : memref<80x128xf32, #tpu.memory_space<vmem>>) target(%dma_start3A_146 : memref<384x128xf32, #tpu.memory_space<vmem_shared>>) offsets(%dma_start3A_143 : memref<80xi32, #tpu.memory_space<vmem>>) semaphore(%run_scoped3A_140 : memref<!tpu.dma_semaphore, #tpu.memory_space<semaphore_mem>>) {add = true}
        %dma_wait3A_147 = arith.constant 0 : i32
        %dma_wait3A_148 = tpu.memref_slice %arg7[%run_scoped3A, %dma_wait3A_147] : memref<4x80xi32, #tpu.memory_space<vmem>> -> memref<1x80xi32, #tpu.memory_space<vmem>>
        %dma_wait3A_149 = tpu.memref_squeeze %dma_wait3A_148 : memref<1x80xi32, #tpu.memory_space<vmem>> -> memref<80xi32, #tpu.memory_space<vmem>>
        %dma_wait3A_150 = arith.constant 0 : i32
        %dma_wait3A_151 = arith.constant 0 : i32
        %dma_wait3A_152 = tpu.memref_slice %arg10[%dma_wait3A_150, %dma_wait3A_151] : memref<384x128xf32, #tpu.memory_space<vmem_shared>> -> memref<384x128xf32, #tpu.memory_space<vmem_shared>>
        tpu.wait_indirect_dma semaphore(%run_scoped3A_140 : memref<!tpu.dma_semaphore, #tpu.memory_space<semaphore_mem>>) src(%arg8 : memref<80x128xf32, #tpu.memory_space<vmem>>) dst(%dma_wait3A_152 : memref<384x128xf32, #tpu.memory_space<vmem_shared>>)
        tpu.yield
      }) : () -> ()
    } else {
    }
    %mul3A_96 = arith.constant 4 : i32
    %mul3A_97 = arith.muli %add3A, %mul3A_96 : i32
    %mul3A_98 = arith.constant 80 : i32
    %mul3A_99 = arith.muli %mul3A_97, %mul3A_98 : i32
    %add3A_100 = arith.constant 80 : i32
    %add3A_101 = arith.addi %mul3A_99, %add3A_100 : i32
    %lt3A_102 = arith.constant 10000 : i32
    %lt3A_103 = arith.cmpi slt, %add3A_101, %lt3A_102 : i32
    %convert_element_type3A_104 = arith.extui %lt3A_103 : i1 to i32
    %cond3A_105 = arith.constant 0 : i32
    %cond3A_106 = arith.cmpi ne, %convert_element_type3A_104, %cond3A_105 : i32
    scf.if %cond3A_106 {
      %mul3A_134 = arith.constant 4 : i32
      %mul3A_135 = arith.muli %add3A, %mul3A_134 : i32
      %mul3A_136 = arith.constant 80 : i32
      %mul3A_137 = arith.muli %mul3A_135, %mul3A_136 : i32
      %add3A_138 = arith.constant 80 : i32
      %add3A_139 = arith.addi %mul3A_137, %add3A_138 : i32
      "tpu.region"() ({
        %run_scoped3A_140 = tpu.sem_alloc : memref<!tpu.dma_semaphore, #tpu.memory_space<semaphore_mem>>
        %dma_start3A_141 = arith.constant 0 : i32
        %dma_start3A_142 = tpu.memref_slice %arg2[%add3A_139, %dma_start3A_141] : memref<10000x128xf32, #tpu.memory_space<hbm>> -> memref<80x128xf32, #tpu.memory_space<hbm>>
        %dma_start3A_143 = arith.constant 0 : i32
        %dma_start3A_144 = tpu.memref_slice %arg2[%add3A_139, %dma_start3A_143] : memref<10000x128xf32, #tpu.memory_space<hbm>> -> memref<80x128xf32, #tpu.memory_space<hbm>>
        tpu.enqueue_dma source(%dma_start3A_144 : memref<80x128xf32, #tpu.memory_space<hbm>>) target(%arg8 : memref<80x128xf32, #tpu.memory_space<vmem>>) target_semaphore(%run_scoped3A_140 : memref<!tpu.dma_semaphore, #tpu.memory_space<semaphore_mem>>)
        %dma_wait3A_145 = arith.constant 0 : i32
        %dma_wait3A_146 = tpu.memref_slice %arg2[%add3A_139, %dma_wait3A_145] : memref<10000x128xf32, #tpu.memory_space<hbm>> -> memref<80x128xf32, #tpu.memory_space<hbm>>
        %dma_wait3A_147 = arith.constant 0 : i32
        %dma_wait3A_148 = tpu.memref_slice %arg2[%add3A_139, %dma_wait3A_147] : memref<10000x128xf32, #tpu.memory_space<hbm>> -> memref<80x128xf32, #tpu.memory_space<hbm>>
        tpu.wait_dma2 semaphore(%run_scoped3A_140 : memref<!tpu.dma_semaphore, #tpu.memory_space<semaphore_mem>>) src(%dma_wait3A_148 : memref<80x128xf32, #tpu.memory_space<hbm>>) dst(%arg8 : memref<80x128xf32, #tpu.memory_space<vmem>>)
        tpu.yield
      }) : () -> ()
      %run_scoped3A = arith.constant 1 : i32
      "tpu.region"() ({
        %run_scoped3A_140 = tpu.sem_alloc : memref<!tpu.dma_semaphore, #tpu.memory_space<semaphore_mem>>
        %dma_start3A_141 = arith.constant 0 : i32
        %dma_start3A_142 = tpu.memref_slice %arg7[%run_scoped3A, %dma_start3A_141] : memref<4x80xi32, #tpu.memory_space<vmem>> -> memref<1x80xi32, #tpu.memory_space<vmem>>
        %dma_start3A_143 = tpu.memref_squeeze %dma_start3A_142 : memref<1x80xi32, #tpu.memory_space<vmem>> -> memref<80xi32, #tpu.memory_space<vmem>>
        %dma_start3A_144 = arith.constant 0 : i32
        %dma_start3A_145 = arith.constant 0 : i32
        %dma_start3A_146 = tpu.memref_slice %arg10[%dma_start3A_144, %dma_start3A_145] : memref<384x128xf32, #tpu.memory_space<vmem_shared>> -> memref<384x128xf32, #tpu.memory_space<vmem_shared>>
        tpu.enqueue_indirect_dma source(%arg8 : memref<80x128xf32, #tpu.memory_space<vmem>>) target(%dma_start3A_146 : memref<384x128xf32, #tpu.memory_space<vmem_shared>>) offsets(%dma_start3A_143 : memref<80xi32, #tpu.memory_space<vmem>>) semaphore(%run_scoped3A_140 : memref<!tpu.dma_semaphore, #tpu.memory_space<semaphore_mem>>) {add = true}
        %dma_wait3A_147 = arith.constant 0 : i32
        %dma_wait3A_148 = tpu.memref_slice %arg7[%run_scoped3A, %dma_wait3A_147] : memref<4x80xi32, #tpu.memory_space<vmem>> -> memref<1x80xi32, #tpu.memory_space<vmem>>
        %dma_wait3A_149 = tpu.memref_squeeze %dma_wait3A_148 : memref<1x80xi32, #tpu.memory_space<vmem>> -> memref<80xi32, #tpu.memory_space<vmem>>
        %dma_wait3A_150 = arith.constant 0 : i32
        %dma_wait3A_151 = arith.constant 0 : i32
        %dma_wait3A_152 = tpu.memref_slice %arg10[%dma_wait3A_150, %dma_wait3A_151] : memref<384x128xf32, #tpu.memory_space<vmem_shared>> -> memref<384x128xf32, #tpu.memory_space<vmem_shared>>
        tpu.wait_indirect_dma semaphore(%run_scoped3A_140 : memref<!tpu.dma_semaphore, #tpu.memory_space<semaphore_mem>>) src(%arg8 : memref<80x128xf32, #tpu.memory_space<vmem>>) dst(%dma_wait3A_152 : memref<384x128xf32, #tpu.memory_space<vmem_shared>>)
        tpu.yield
      }) : () -> ()
    } else {
    }
    %mul3A_107 = arith.constant 4 : i32
    %mul3A_108 = arith.muli %add3A, %mul3A_107 : i32
    %mul3A_109 = arith.constant 80 : i32
    %mul3A_110 = arith.muli %mul3A_108, %mul3A_109 : i32
    %add3A_111 = arith.constant 160 : i32
    %add3A_112 = arith.addi %mul3A_110, %add3A_111 : i32
    %lt3A_113 = arith.constant 10000 : i32
    %lt3A_114 = arith.cmpi slt, %add3A_112, %lt3A_113 : i32
    %convert_element_type3A_115 = arith.extui %lt3A_114 : i1 to i32
    %cond3A_116 = arith.constant 0 : i32
    %cond3A_117 = arith.cmpi ne, %convert_element_type3A_115, %cond3A_116 : i32
    scf.if %cond3A_117 {
      %mul3A_134 = arith.constant 4 : i32
      %mul3A_135 = arith.muli %add3A, %mul3A_134 : i32
      %mul3A_136 = arith.constant 80 : i32
      %mul3A_137 = arith.muli %mul3A_135, %mul3A_136 : i32
      %add3A_138 = arith.constant 160 : i32
      %add3A_139 = arith.addi %mul3A_137, %add3A_138 : i32
      "tpu.region"() ({
        %run_scoped3A_140 = tpu.sem_alloc : memref<!tpu.dma_semaphore, #tpu.memory_space<semaphore_mem>>
        %dma_start3A_141 = arith.constant 0 : i32
        %dma_start3A_142 = tpu.memref_slice %arg2[%add3A_139, %dma_start3A_141] : memref<10000x128xf32, #tpu.memory_space<hbm>> -> memref<80x128xf32, #tpu.memory_space<hbm>>
        %dma_start3A_143 = arith.constant 0 : i32
        %dma_start3A_144 = tpu.memref_slice %arg2[%add3A_139, %dma_start3A_143] : memref<10000x128xf32, #tpu.memory_space<hbm>> -> memref<80x128xf32, #tpu.memory_space<hbm>>
        tpu.enqueue_dma source(%dma_start3A_144 : memref<80x128xf32, #tpu.memory_space<hbm>>) target(%arg8 : memref<80x128xf32, #tpu.memory_space<vmem>>) target_semaphore(%run_scoped3A_140 : memref<!tpu.dma_semaphore, #tpu.memory_space<semaphore_mem>>)
        %dma_wait3A_145 = arith.constant 0 : i32
        %dma_wait3A_146 = tpu.memref_slice %arg2[%add3A_139, %dma_wait3A_145] : memref<10000x128xf32, #tpu.memory_space<hbm>> -> memref<80x128xf32, #tpu.memory_space<hbm>>
        %dma_wait3A_147 = arith.constant 0 : i32
        %dma_wait3A_148 = tpu.memref_slice %arg2[%add3A_139, %dma_wait3A_147] : memref<10000x128xf32, #tpu.memory_space<hbm>> -> memref<80x128xf32, #tpu.memory_space<hbm>>
        tpu.wait_dma2 semaphore(%run_scoped3A_140 : memref<!tpu.dma_semaphore, #tpu.memory_space<semaphore_mem>>) src(%dma_wait3A_148 : memref<80x128xf32, #tpu.memory_space<hbm>>) dst(%arg8 : memref<80x128xf32, #tpu.memory_space<vmem>>)
        tpu.yield
      }) : () -> ()
      %run_scoped3A = arith.constant 2 : i32
      "tpu.region"() ({
        %run_scoped3A_140 = tpu.sem_alloc : memref<!tpu.dma_semaphore, #tpu.memory_space<semaphore_mem>>
        %dma_start3A_141 = arith.constant 0 : i32
        %dma_start3A_142 = tpu.memref_slice %arg7[%run_scoped3A, %dma_start3A_141] : memref<4x80xi32, #tpu.memory_space<vmem>> -> memref<1x80xi32, #tpu.memory_space<vmem>>
        %dma_start3A_143 = tpu.memref_squeeze %dma_start3A_142 : memref<1x80xi32, #tpu.memory_space<vmem>> -> memref<80xi32, #tpu.memory_space<vmem>>
        %dma_start3A_144 = arith.constant 0 : i32
        %dma_start3A_145 = arith.constant 0 : i32
        %dma_start3A_146 = tpu.memref_slice %arg10[%dma_start3A_144, %dma_start3A_145] : memref<384x128xf32, #tpu.memory_space<vmem_shared>> -> memref<384x128xf32, #tpu.memory_space<vmem_shared>>
        tpu.enqueue_indirect_dma source(%arg8 : memref<80x128xf32, #tpu.memory_space<vmem>>) target(%dma_start3A_146 : memref<384x128xf32, #tpu.memory_space<vmem_shared>>) offsets(%dma_start3A_143 : memref<80xi32, #tpu.memory_space<vmem>>) semaphore(%run_scoped3A_140 : memref<!tpu.dma_semaphore, #tpu.memory_space<semaphore_mem>>) {add = true}
        %dma_wait3A_147 = arith.constant 0 : i32
        %dma_wait3A_148 = tpu.memref_slice %arg7[%run_scoped3A, %dma_wait3A_147] : memref<4x80xi32, #tpu.memory_space<vmem>> -> memref<1x80xi32, #tpu.memory_space<vmem>>
        %dma_wait3A_149 = tpu.memref_squeeze %dma_wait3A_148 : memref<1x80xi32, #tpu.memory_space<vmem>> -> memref<80xi32, #tpu.memory_space<vmem>>
        %dma_wait3A_150 = arith.constant 0 : i32
        %dma_wait3A_151 = arith.constant 0 : i32
        %dma_wait3A_152 = tpu.memref_slice %arg10[%dma_wait3A_150, %dma_wait3A_151] : memref<384x128xf32, #tpu.memory_space<vmem_shared>> -> memref<384x128xf32, #tpu.memory_space<vmem_shared>>
        tpu.wait_indirect_dma semaphore(%run_scoped3A_140 : memref<!tpu.dma_semaphore, #tpu.memory_space<semaphore_mem>>) src(%arg8 : memref<80x128xf32, #tpu.memory_space<vmem>>) dst(%dma_wait3A_152 : memref<384x128xf32, #tpu.memory_space<vmem_shared>>)
        tpu.yield
      }) : () -> ()
    } else {
    }
    %mul3A_118 = arith.constant 4 : i32
    %mul3A_119 = arith.muli %add3A, %mul3A_118 : i32
    %mul3A_120 = arith.constant 80 : i32
    %mul3A_121 = arith.muli %mul3A_119, %mul3A_120 : i32
    %add3A_122 = arith.constant 240 : i32
    %add3A_123 = arith.addi %mul3A_121, %add3A_122 : i32
    %lt3A_124 = arith.constant 10000 : i32
    %lt3A_125 = arith.cmpi slt, %add3A_123, %lt3A_124 : i32
    %convert_element_type3A_126 = arith.extui %lt3A_125 : i1 to i32
    %cond3A_127 = arith.constant 0 : i32
    %cond3A_128 = arith.cmpi ne, %convert_element_type3A_126, %cond3A_127 : i32
    scf.if %cond3A_128 {
      %mul3A_134 = arith.constant 4 : i32
      %mul3A_135 = arith.muli %add3A, %mul3A_134 : i32
      %mul3A_136 = arith.constant 80 : i32
      %mul3A_137 = arith.muli %mul3A_135, %mul3A_136 : i32
      %add3A_138 = arith.constant 240 : i32
      %add3A_139 = arith.addi %mul3A_137, %add3A_138 : i32
      "tpu.region"() ({
        %run_scoped3A_140 = tpu.sem_alloc : memref<!tpu.dma_semaphore, #tpu.memory_space<semaphore_mem>>
        %dma_start3A_141 = arith.constant 0 : i32
        %dma_start3A_142 = tpu.memref_slice %arg2[%add3A_139, %dma_start3A_141] : memref<10000x128xf32, #tpu.memory_space<hbm>> -> memref<80x128xf32, #tpu.memory_space<hbm>>
        %dma_start3A_143 = arith.constant 0 : i32
        %dma_start3A_144 = tpu.memref_slice %arg2[%add3A_139, %dma_start3A_143] : memref<10000x128xf32, #tpu.memory_space<hbm>> -> memref<80x128xf32, #tpu.memory_space<hbm>>
        tpu.enqueue_dma source(%dma_start3A_144 : memref<80x128xf32, #tpu.memory_space<hbm>>) target(%arg8 : memref<80x128xf32, #tpu.memory_space<vmem>>) target_semaphore(%run_scoped3A_140 : memref<!tpu.dma_semaphore, #tpu.memory_space<semaphore_mem>>)
        %dma_wait3A_145 = arith.constant 0 : i32
        %dma_wait3A_146 = tpu.memref_slice %arg2[%add3A_139, %dma_wait3A_145] : memref<10000x128xf32, #tpu.memory_space<hbm>> -> memref<80x128xf32, #tpu.memory_space<hbm>>
        %dma_wait3A_147 = arith.constant 0 : i32
        %dma_wait3A_148 = tpu.memref_slice %arg2[%add3A_139, %dma_wait3A_147] : memref<10000x128xf32, #tpu.memory_space<hbm>> -> memref<80x128xf32, #tpu.memory_space<hbm>>
        tpu.wait_dma2 semaphore(%run_scoped3A_140 : memref<!tpu.dma_semaphore, #tpu.memory_space<semaphore_mem>>) src(%dma_wait3A_148 : memref<80x128xf32, #tpu.memory_space<hbm>>) dst(%arg8 : memref<80x128xf32, #tpu.memory_space<vmem>>)
        tpu.yield
      }) : () -> ()
      %run_scoped3A = arith.constant 3 : i32
      "tpu.region"() ({
        %run_scoped3A_140 = tpu.sem_alloc : memref<!tpu.dma_semaphore, #tpu.memory_space<semaphore_mem>>
        %dma_start3A_141 = arith.constant 0 : i32
        %dma_start3A_142 = tpu.memref_slice %arg7[%run_scoped3A, %dma_start3A_141] : memref<4x80xi32, #tpu.memory_space<vmem>> -> memref<1x80xi32, #tpu.memory_space<vmem>>
        %dma_start3A_143 = tpu.memref_squeeze %dma_start3A_142 : memref<1x80xi32, #tpu.memory_space<vmem>> -> memref<80xi32, #tpu.memory_space<vmem>>
        %dma_start3A_144 = arith.constant 0 : i32
        %dma_start3A_145 = arith.constant 0 : i32
        %dma_start3A_146 = tpu.memref_slice %arg10[%dma_start3A_144, %dma_start3A_145] : memref<384x128xf32, #tpu.memory_space<vmem_shared>> -> memref<384x128xf32, #tpu.memory_space<vmem_shared>>
        tpu.enqueue_indirect_dma source(%arg8 : memref<80x128xf32, #tpu.memory_space<vmem>>) target(%dma_start3A_146 : memref<384x128xf32, #tpu.memory_space<vmem_shared>>) offsets(%dma_start3A_143 : memref<80xi32, #tpu.memory_space<vmem>>) semaphore(%run_scoped3A_140 : memref<!tpu.dma_semaphore, #tpu.memory_space<semaphore_mem>>) {add = true}
        %dma_wait3A_147 = arith.constant 0 : i32
        %dma_wait3A_148 = tpu.memref_slice %arg7[%run_scoped3A, %dma_wait3A_147] : memref<4x80xi32, #tpu.memory_space<vmem>> -> memref<1x80xi32, #tpu.memory_space<vmem>>
        %dma_wait3A_149 = tpu.memref_squeeze %dma_wait3A_148 : memref<1x80xi32, #tpu.memory_space<vmem>> -> memref<80xi32, #tpu.memory_space<vmem>>
        %dma_wait3A_150 = arith.constant 0 : i32
        %dma_wait3A_151 = arith.constant 0 : i32
        %dma_wait3A_152 = tpu.memref_slice %arg10[%dma_wait3A_150, %dma_wait3A_151] : memref<384x128xf32, #tpu.memory_space<vmem_shared>> -> memref<384x128xf32, #tpu.memory_space<vmem_shared>>
        tpu.wait_indirect_dma semaphore(%run_scoped3A_140 : memref<!tpu.dma_semaphore, #tpu.memory_space<semaphore_mem>>) src(%arg8 : memref<80x128xf32, #tpu.memory_space<vmem>>) dst(%dma_wait3A_152 : memref<384x128xf32, #tpu.memory_space<vmem_shared>>)
        tpu.yield
      }) : () -> ()
    } else {
    }
    %barrier3A_129 = arith.constant 0 : index
    tpu.barrier barrier_id(%barrier3A_129)
    %mul3A_130 = arith.constant 24 : i32
    %mul3A_131 = arith.muli %arg1, %mul3A_130 : i32
    "tpu.region"() ({
      %run_scoped3A = tpu.sem_alloc : memref<!tpu.dma_semaphore, #tpu.memory_space<semaphore_mem>>
      %dma_start3A_134 = arith.constant 0 : i32
      %dma_start3A_135 = tpu.memref_slice %arg10[%mul3A_131, %dma_start3A_134] : memref<384x128xf32, #tpu.memory_space<vmem_shared>> -> memref<24x128xf32, #tpu.memory_space<vmem_shared>>
      %dma_start3A_136 = arith.constant 0 : i32
      %dma_start3A_137 = tpu.memref_slice %arg10[%mul3A_131, %dma_start3A_136] : memref<384x128xf32, #tpu.memory_space<vmem_shared>> -> memref<24x128xf32, #tpu.memory_space<vmem_shared>>
      tpu.enqueue_dma source(%dma_start3A_137 : memref<24x128xf32, #tpu.memory_space<vmem_shared>>) target(%arg9 : memref<24x128xf32, #tpu.memory_space<vmem>>) target_semaphore(%run_scoped3A : memref<!tpu.dma_semaphore, #tpu.memory_space<semaphore_mem>>)
      %dma_wait3A_138 = arith.constant 0 : i32
      %dma_wait3A_139 = tpu.memref_slice %arg10[%mul3A_131, %dma_wait3A_138] : memref<384x128xf32, #tpu.memory_space<vmem_shared>> -> memref<24x128xf32, #tpu.memory_space<vmem_shared>>
      %dma_wait3A_140 = arith.constant 0 : i32
      %dma_wait3A_141 = tpu.memref_slice %arg10[%mul3A_131, %dma_wait3A_140] : memref<384x128xf32, #tpu.memory_space<vmem_shared>> -> memref<24x128xf32, #tpu.memory_space<vmem_shared>>
      tpu.wait_dma2 semaphore(%run_scoped3A : memref<!tpu.dma_semaphore, #tpu.memory_space<semaphore_mem>>) src(%dma_wait3A_141 : memref<24x128xf32, #tpu.memory_space<vmem_shared>>) dst(%arg9 : memref<24x128xf32, #tpu.memory_space<vmem>>)
      tpu.yield
    }) : () -> ()
    %mul3A_132 = arith.constant 24 : i32
    %mul3A_133 = arith.muli %arg1, %mul3A_132 : i32
    "tpu.region"() ({
      %run_scoped3A = tpu.sem_alloc : memref<!tpu.dma_semaphore, #tpu.memory_space<semaphore_mem>>
      %dma_start3A_134 = arith.constant 0 : i32
      %dma_start3A_135 = tpu.memref_slice %arg5[%arg0, %mul3A_133, %dma_start3A_134] : memref<2x384x128xf32, #tpu.memory_space<hbm>> -> memref<1x24x128xf32, #tpu.memory_space<hbm>>
      %dma_start3A_136 = tpu.memref_squeeze %dma_start3A_135 : memref<1x24x128xf32, #tpu.memory_space<hbm>> -> memref<24x128xf32, #tpu.memory_space<hbm>>
      %dma_start3A_137 = arith.constant 0 : i32
      %dma_start3A_138 = tpu.memref_slice %arg5[%arg0, %mul3A_133, %dma_start3A_137] : memref<2x384x128xf32, #tpu.memory_space<hbm>> -> memref<1x24x128xf32, #tpu.memory_space<hbm>>
      %dma_start3A_139 = tpu.memref_squeeze %dma_start3A_138 : memref<1x24x128xf32, #tpu.memory_space<hbm>> -> memref<24x128xf32, #tpu.memory_space<hbm>>
      tpu.enqueue_dma source(%arg9 : memref<24x128xf32, #tpu.memory_space<vmem>>) target(%dma_start3A_139 : memref<24x128xf32, #tpu.memory_space<hbm>>) target_semaphore(%run_scoped3A : memref<!tpu.dma_semaphore, #tpu.memory_space<semaphore_mem>>)
      %dma_wait3A_140 = arith.constant 0 : i32
      %dma_wait3A_141 = tpu.memref_slice %arg5[%arg0, %mul3A_133, %dma_wait3A_140] : memref<2x384x128xf32, #tpu.memory_space<hbm>> -> memref<1x24x128xf32, #tpu.memory_space<hbm>>
      %dma_wait3A_142 = tpu.memref_squeeze %dma_wait3A_141 : memref<1x24x128xf32, #tpu.memory_space<hbm>> -> memref<24x128xf32, #tpu.memory_space<hbm>>
      %dma_wait3A_143 = arith.constant 0 : i32
      %dma_wait3A_144 = tpu.memref_slice %arg5[%arg0, %mul3A_133, %dma_wait3A_143] : memref<2x384x128xf32, #tpu.memory_space<hbm>> -> memref<1x24x128xf32, #tpu.memory_space<hbm>>
      %dma_wait3A_145 = tpu.memref_squeeze %dma_wait3A_144 : memref<1x24x128xf32, #tpu.memory_space<hbm>> -> memref<24x128xf32, #tpu.memory_space<hbm>>
      tpu.wait_dma2 semaphore(%run_scoped3A : memref<!tpu.dma_semaphore, #tpu.memory_space<semaphore_mem>>) src(%arg9 : memref<24x128xf32, #tpu.memory_space<vmem>>) dst(%dma_wait3A_145 : memref<24x128xf32, #tpu.memory_space<hbm>>)
      tpu.yield
    }) : () -> ()
    return
  }
}

module attributes {stable_mosaic.version = 14 : i64} {
  func.func @_feat_body(%arg0: i32, %arg1: memref<2000x720xbf16, #tpu.memory_space<vmem>>, %arg2: memref<720x1984xbf16, #tpu.memory_space<vmem>>, %arg3: memref<1x1984xf32, #tpu.memory_space<vmem>>, %arg4: memref<192x256xf32, #tpu.memory_space<vmem>>, %arg5: memref<1x256xf32, #tpu.memory_space<vmem>>, %arg6: memref<15x256x128xf32, #tpu.memory_space<vmem>>, %arg7: memref<1x128xf32, #tpu.memory_space<vmem>>, %arg8: memref<2000x2xf32, #tpu.memory_space<vmem>>, %arg9: memref<128x128xf32, #tpu.memory_space<vmem>>, %arg10: memref<2000x128xf32, #tpu.memory_space<vmem>>, %arg11: memref<2000x1xf32, #tpu.memory_space<vmem>>) attributes {dimension_semantics = [#tpu.dimension_semantics<arbitrary>], iteration_bounds = array<i64: 5>, scalar_prefetch = 0 : i64, scratch_operands = 0 : i64, tpu.core_type = #tpu.core_type<tc>, window_params = [{transform_indices = @transform_0, window_bounds = array<i64: 2000, 720>}, {pipeline_mode = #tpu.pipeline_mode<synchronous>, transform_indices = @transform_1, window_bounds = array<i64: 720, 1984>}, {pipeline_mode = #tpu.pipeline_mode<synchronous>, transform_indices = @transform_2, window_bounds = array<i64: 1, 1984>}, {pipeline_mode = #tpu.pipeline_mode<synchronous>, transform_indices = @transform_3, window_bounds = array<i64: 192, 256>}, {pipeline_mode = #tpu.pipeline_mode<synchronous>, transform_indices = @transform_4, window_bounds = array<i64: 1, 256>}, {pipeline_mode = #tpu.pipeline_mode<synchronous>, transform_indices = @transform_5, window_bounds = array<i64: 15, 256, 128>}, {pipeline_mode = #tpu.pipeline_mode<synchronous>, transform_indices = @transform_6, window_bounds = array<i64: 1, 128>}, {transform_indices = @transform_7, window_bounds = array<i64: 2000, 2>}, {pipeline_mode = #tpu.pipeline_mode<synchronous>, transform_indices = @transform_8, window_bounds = array<i64: 128, 128>}, {transform_indices = @transform_9, window_bounds = array<i64: 2000, 128>}, {transform_indices = @transform_10, window_bounds = array<i64: 2000, 1>}]} {
    %get3A = arith.constant 0 : index
    %get3A_0 = arith.constant 0 : index
    %get3A_1 = vector.load %arg1[%get3A, %get3A_0] : memref<2000x720xbf16, #tpu.memory_space<vmem>>, vector<2000x720xbf16>
    %get3A_2 = arith.constant 0 : index
    %get3A_3 = arith.constant 0 : index
    %get3A_4 = vector.load %arg2[%get3A_2, %get3A_3] : memref<720x1984xbf16, #tpu.memory_space<vmem>>, vector<720x1984xbf16>
    %dot_general3A = arith.constant dense<0.000000e+00> : vector<2000x1984xf32>
    %dot_general3A_5 = tpu.matmul %get3A_1, %get3A_4, %dot_general3A {dimension_numbers = #tpu.dot_dimension_numbers<[1], [0], [0], [1], [0, 0, 1, 1], [], []>, transpose_lhs_hint = false} : vector<2000x720xbf16>, vector<720x1984xbf16>, vector<2000x1984xf32> -> vector<2000x1984xf32>
    %get3A_6 = arith.constant 0 : index
    %get3A_7 = arith.constant 0 : index
    %get3A_8 = vector.load %arg3[%get3A_6, %get3A_7] : memref<1x1984xf32, #tpu.memory_space<vmem>>, vector<1x1984xf32>
    %add3A = vector.broadcast %get3A_8 : vector<1x1984xf32> to vector<2000x1984xf32>
    %add3A_9 = arith.addf %dot_general3A_5, %add3A : vector<2000x1984xf32>
    %max3A = arith.constant 0.000000e+00 : f32
    %max3A_10 = vector.broadcast %max3A : f32 to vector<2000x1984xf32>
    %max3A_11 = arith.maximumf %add3A_9, %max3A_10 : vector<2000x1984xf32>
    %get3A_12 = arith.constant 0 : index
    %get3A_13 = arith.constant 0 : index
    %get3A_14 = vector.load %arg7[%get3A_12, %get3A_13] : memref<1x128xf32, #tpu.memory_space<vmem>>, vector<1x128xf32>
    %broadcast_in_dim3A = vector.shape_cast %get3A_14 : vector<1x128xf32> to vector<1x128xf32>
    %broadcast_in_dim3A_15 = vector.broadcast %broadcast_in_dim3A : vector<1x128xf32> to vector<2000x128xf32>
    %slice3A = vector.extract_strided_slice %max3A_11 {offsets = [0, 0], sizes = [2000, 192], strides = [1, 1]} : vector<2000x1984xf32> to vector<2000x192xf32>
    %get3A_16 = arith.constant 0 : index
    %get3A_17 = arith.constant 0 : index
    %get3A_18 = vector.load %arg4[%get3A_16, %get3A_17] : memref<192x256xf32, #tpu.memory_space<vmem>>, vector<192x256xf32>
    %dot_general3A_19 = arith.constant dense<0.000000e+00> : vector<2000x256xf32>
    %dot_general3A_20 = tpu.matmul %slice3A, %get3A_18, %dot_general3A_19 {dimension_numbers = #tpu.dot_dimension_numbers<[1], [0], [0], [1], [0, 0, 1, 1], [], []>, transpose_lhs_hint = false} : vector<2000x192xf32>, vector<192x256xf32>, vector<2000x256xf32> -> vector<2000x256xf32>
    %get3A_21 = arith.constant 0 : index
    %get3A_22 = arith.constant 0 : index
    %get3A_23 = vector.load %arg5[%get3A_21, %get3A_22] : memref<1x256xf32, #tpu.memory_space<vmem>>, vector<1x256xf32>
    %add3A_24 = vector.broadcast %get3A_23 : vector<1x256xf32> to vector<2000x256xf32>
    %add3A_25 = arith.addf %dot_general3A_20, %add3A_24 : vector<2000x256xf32>
    %max3A_26 = arith.constant 0.000000e+00 : f32
    %max3A_27 = vector.broadcast %max3A_26 : f32 to vector<2000x256xf32>
    %max3A_28 = arith.maximumf %add3A_25, %max3A_27 : vector<2000x256xf32>
    %get3A_29 = arith.constant 0 : index
    %get3A_30 = arith.constant 0 : index
    %get3A_31 = arith.constant 0 : index
    %get3A_32 = vector.load %arg6[%get3A_29, %get3A_30, %get3A_31] : memref<15x256x128xf32, #tpu.memory_space<vmem>>, vector<1x256x128xf32>
    %get3A_33 = vector.shape_cast %get3A_32 : vector<1x256x128xf32> to vector<256x128xf32>
    %dot_general3A_34 = arith.constant dense<0.000000e+00> : vector<2000x128xf32>
    %dot_general3A_35 = tpu.matmul %max3A_28, %get3A_33, %dot_general3A_34 {dimension_numbers = #tpu.dot_dimension_numbers<[1], [0], [0], [1], [0, 0, 1, 1], [], []>, transpose_lhs_hint = false} : vector<2000x256xf32>, vector<256x128xf32>, vector<2000x128xf32> -> vector<2000x128xf32>
    %add3A_36 = arith.addf %broadcast_in_dim3A_15, %dot_general3A_35 : vector<2000x128xf32>
    %slice3A_37 = vector.extract_strided_slice %max3A_11 {offsets = [0, 128], sizes = [2000, 192], strides = [1, 1]} : vector<2000x1984xf32> to vector<2000x192xf32>
    %get3A_38 = arith.constant 0 : index
    %get3A_39 = arith.constant 0 : index
    %get3A_40 = vector.load %arg4[%get3A_38, %get3A_39] : memref<192x256xf32, #tpu.memory_space<vmem>>, vector<192x256xf32>
    %dot_general3A_41 = arith.constant dense<0.000000e+00> : vector<2000x256xf32>
    %dot_general3A_42 = tpu.matmul %slice3A_37, %get3A_40, %dot_general3A_41 {dimension_numbers = #tpu.dot_dimension_numbers<[1], [0], [0], [1], [0, 0, 1, 1], [], []>, transpose_lhs_hint = false} : vector<2000x192xf32>, vector<192x256xf32>, vector<2000x256xf32> -> vector<2000x256xf32>
    %get3A_43 = arith.constant 0 : index
    %get3A_44 = arith.constant 0 : index
    %get3A_45 = vector.load %arg5[%get3A_43, %get3A_44] : memref<1x256xf32, #tpu.memory_space<vmem>>, vector<1x256xf32>
    %add3A_46 = vector.broadcast %get3A_45 : vector<1x256xf32> to vector<2000x256xf32>
    %add3A_47 = arith.addf %dot_general3A_42, %add3A_46 : vector<2000x256xf32>
    %max3A_48 = arith.constant 0.000000e+00 : f32
    %max3A_49 = vector.broadcast %max3A_48 : f32 to vector<2000x256xf32>
    %max3A_50 = arith.maximumf %add3A_47, %max3A_49 : vector<2000x256xf32>
    %get3A_51 = arith.constant 1 : index
    %get3A_52 = arith.constant 0 : index
    %get3A_53 = arith.constant 0 : index
    %get3A_54 = vector.load %arg6[%get3A_51, %get3A_52, %get3A_53] : memref<15x256x128xf32, #tpu.memory_space<vmem>>, vector<1x256x128xf32>
    %get3A_55 = vector.shape_cast %get3A_54 : vector<1x256x128xf32> to vector<256x128xf32>
    %dot_general3A_56 = arith.constant dense<0.000000e+00> : vector<2000x128xf32>
    %dot_general3A_57 = tpu.matmul %max3A_50, %get3A_55, %dot_general3A_56 {dimension_numbers = #tpu.dot_dimension_numbers<[1], [0], [0], [1], [0, 0, 1, 1], [], []>, transpose_lhs_hint = false} : vector<2000x256xf32>, vector<256x128xf32>, vector<2000x128xf32> -> vector<2000x128xf32>
    %add3A_58 = arith.addf %add3A_36, %dot_general3A_57 : vector<2000x128xf32>
    %slice3A_59 = vector.extract_strided_slice %max3A_11 {offsets = [0, 256], sizes = [2000, 192], strides = [1, 1]} : vector<2000x1984xf32> to vector<2000x192xf32>
    %get3A_60 = arith.constant 0 : index
    %get3A_61 = arith.constant 0 : index
    %get3A_62 = vector.load %arg4[%get3A_60, %get3A_61] : memref<192x256xf32, #tpu.memory_space<vmem>>, vector<192x256xf32>
    %dot_general3A_63 = arith.constant dense<0.000000e+00> : vector<2000x256xf32>
    %dot_general3A_64 = tpu.matmul %slice3A_59, %get3A_62, %dot_general3A_63 {dimension_numbers = #tpu.dot_dimension_numbers<[1], [0], [0], [1], [0, 0, 1, 1], [], []>, transpose_lhs_hint = false} : vector<2000x192xf32>, vector<192x256xf32>, vector<2000x256xf32> -> vector<2000x256xf32>
    %get3A_65 = arith.constant 0 : index
    %get3A_66 = arith.constant 0 : index
    %get3A_67 = vector.load %arg5[%get3A_65, %get3A_66] : memref<1x256xf32, #tpu.memory_space<vmem>>, vector<1x256xf32>
    %add3A_68 = vector.broadcast %get3A_67 : vector<1x256xf32> to vector<2000x256xf32>
    %add3A_69 = arith.addf %dot_general3A_64, %add3A_68 : vector<2000x256xf32>
    %max3A_70 = arith.constant 0.000000e+00 : f32
    %max3A_71 = vector.broadcast %max3A_70 : f32 to vector<2000x256xf32>
    %max3A_72 = arith.maximumf %add3A_69, %max3A_71 : vector<2000x256xf32>
    %get3A_73 = arith.constant 2 : index
    %get3A_74 = arith.constant 0 : index
    %get3A_75 = arith.constant 0 : index
    %get3A_76 = vector.load %arg6[%get3A_73, %get3A_74, %get3A_75] : memref<15x256x128xf32, #tpu.memory_space<vmem>>, vector<1x256x128xf32>
    %get3A_77 = vector.shape_cast %get3A_76 : vector<1x256x128xf32> to vector<256x128xf32>
    %dot_general3A_78 = arith.constant dense<0.000000e+00> : vector<2000x128xf32>
    %dot_general3A_79 = tpu.matmul %max3A_72, %get3A_77, %dot_general3A_78 {dimension_numbers = #tpu.dot_dimension_numbers<[1], [0], [0], [1], [0, 0, 1, 1], [], []>, transpose_lhs_hint = false} : vector<2000x256xf32>, vector<256x128xf32>, vector<2000x128xf32> -> vector<2000x128xf32>
    %add3A_80 = arith.addf %add3A_58, %dot_general3A_79 : vector<2000x128xf32>
    %slice3A_81 = vector.extract_strided_slice %max3A_11 {offsets = [0, 384], sizes = [2000, 192], strides = [1, 1]} : vector<2000x1984xf32> to vector<2000x192xf32>
    %get3A_82 = arith.constant 0 : index
    %get3A_83 = arith.constant 0 : index
    %get3A_84 = vector.load %arg4[%get3A_82, %get3A_83] : memref<192x256xf32, #tpu.memory_space<vmem>>, vector<192x256xf32>
    %dot_general3A_85 = arith.constant dense<0.000000e+00> : vector<2000x256xf32>
    %dot_general3A_86 = tpu.matmul %slice3A_81, %get3A_84, %dot_general3A_85 {dimension_numbers = #tpu.dot_dimension_numbers<[1], [0], [0], [1], [0, 0, 1, 1], [], []>, transpose_lhs_hint = false} : vector<2000x192xf32>, vector<192x256xf32>, vector<2000x256xf32> -> vector<2000x256xf32>
    %get3A_87 = arith.constant 0 : index
    %get3A_88 = arith.constant 0 : index
    %get3A_89 = vector.load %arg5[%get3A_87, %get3A_88] : memref<1x256xf32, #tpu.memory_space<vmem>>, vector<1x256xf32>
    %add3A_90 = vector.broadcast %get3A_89 : vector<1x256xf32> to vector<2000x256xf32>
    %add3A_91 = arith.addf %dot_general3A_86, %add3A_90 : vector<2000x256xf32>
    %max3A_92 = arith.constant 0.000000e+00 : f32
    %max3A_93 = vector.broadcast %max3A_92 : f32 to vector<2000x256xf32>
    %max3A_94 = arith.maximumf %add3A_91, %max3A_93 : vector<2000x256xf32>
    %get3A_95 = arith.constant 3 : index
    %get3A_96 = arith.constant 0 : index
    %get3A_97 = arith.constant 0 : index
    %get3A_98 = vector.load %arg6[%get3A_95, %get3A_96, %get3A_97] : memref<15x256x128xf32, #tpu.memory_space<vmem>>, vector<1x256x128xf32>
    %get3A_99 = vector.shape_cast %get3A_98 : vector<1x256x128xf32> to vector<256x128xf32>
    %dot_general3A_100 = arith.constant dense<0.000000e+00> : vector<2000x128xf32>
    %dot_general3A_101 = tpu.matmul %max3A_94, %get3A_99, %dot_general3A_100 {dimension_numbers = #tpu.dot_dimension_numbers<[1], [0], [0], [1], [0, 0, 1, 1], [], []>, transpose_lhs_hint = false} : vector<2000x256xf32>, vector<256x128xf32>, vector<2000x128xf32> -> vector<2000x128xf32>
    %add3A_102 = arith.addf %add3A_80, %dot_general3A_101 : vector<2000x128xf32>
    %slice3A_103 = vector.extract_strided_slice %max3A_11 {offsets = [0, 512], sizes = [2000, 192], strides = [1, 1]} : vector<2000x1984xf32> to vector<2000x192xf32>
    %get3A_104 = arith.constant 0 : index
    %get3A_105 = arith.constant 0 : index
    %get3A_106 = vector.load %arg4[%get3A_104, %get3A_105] : memref<192x256xf32, #tpu.memory_space<vmem>>, vector<192x256xf32>
    %dot_general3A_107 = arith.constant dense<0.000000e+00> : vector<2000x256xf32>
    %dot_general3A_108 = tpu.matmul %slice3A_103, %get3A_106, %dot_general3A_107 {dimension_numbers = #tpu.dot_dimension_numbers<[1], [0], [0], [1], [0, 0, 1, 1], [], []>, transpose_lhs_hint = false} : vector<2000x192xf32>, vector<192x256xf32>, vector<2000x256xf32> -> vector<2000x256xf32>
    %get3A_109 = arith.constant 0 : index
    %get3A_110 = arith.constant 0 : index
    %get3A_111 = vector.load %arg5[%get3A_109, %get3A_110] : memref<1x256xf32, #tpu.memory_space<vmem>>, vector<1x256xf32>
    %add3A_112 = vector.broadcast %get3A_111 : vector<1x256xf32> to vector<2000x256xf32>
    %add3A_113 = arith.addf %dot_general3A_108, %add3A_112 : vector<2000x256xf32>
    %max3A_114 = arith.constant 0.000000e+00 : f32
    %max3A_115 = vector.broadcast %max3A_114 : f32 to vector<2000x256xf32>
    %max3A_116 = arith.maximumf %add3A_113, %max3A_115 : vector<2000x256xf32>
    %get3A_117 = arith.constant 4 : index
    %get3A_118 = arith.constant 0 : index
    %get3A_119 = arith.constant 0 : index
    %get3A_120 = vector.load %arg6[%get3A_117, %get3A_118, %get3A_119] : memref<15x256x128xf32, #tpu.memory_space<vmem>>, vector<1x256x128xf32>
    %get3A_121 = vector.shape_cast %get3A_120 : vector<1x256x128xf32> to vector<256x128xf32>
    %dot_general3A_122 = arith.constant dense<0.000000e+00> : vector<2000x128xf32>
    %dot_general3A_123 = tpu.matmul %max3A_116, %get3A_121, %dot_general3A_122 {dimension_numbers = #tpu.dot_dimension_numbers<[1], [0], [0], [1], [0, 0, 1, 1], [], []>, transpose_lhs_hint = false} : vector<2000x256xf32>, vector<256x128xf32>, vector<2000x128xf32> -> vector<2000x128xf32>
    %add3A_124 = arith.addf %add3A_102, %dot_general3A_123 : vector<2000x128xf32>
    %slice3A_125 = vector.extract_strided_slice %max3A_11 {offsets = [0, 640], sizes = [2000, 192], strides = [1, 1]} : vector<2000x1984xf32> to vector<2000x192xf32>
    %get3A_126 = arith.constant 0 : index
    %get3A_127 = arith.constant 0 : index
    %get3A_128 = vector.load %arg4[%get3A_126, %get3A_127] : memref<192x256xf32, #tpu.memory_space<vmem>>, vector<192x256xf32>
    %dot_general3A_129 = arith.constant dense<0.000000e+00> : vector<2000x256xf32>
    %dot_general3A_130 = tpu.matmul %slice3A_125, %get3A_128, %dot_general3A_129 {dimension_numbers = #tpu.dot_dimension_numbers<[1], [0], [0], [1], [0, 0, 1, 1], [], []>, transpose_lhs_hint = false} : vector<2000x192xf32>, vector<192x256xf32>, vector<2000x256xf32> -> vector<2000x256xf32>
    %get3A_131 = arith.constant 0 : index
    %get3A_132 = arith.constant 0 : index
    %get3A_133 = vector.load %arg5[%get3A_131, %get3A_132] : memref<1x256xf32, #tpu.memory_space<vmem>>, vector<1x256xf32>
    %add3A_134 = vector.broadcast %get3A_133 : vector<1x256xf32> to vector<2000x256xf32>
    %add3A_135 = arith.addf %dot_general3A_130, %add3A_134 : vector<2000x256xf32>
    %max3A_136 = arith.constant 0.000000e+00 : f32
    %max3A_137 = vector.broadcast %max3A_136 : f32 to vector<2000x256xf32>
    %max3A_138 = arith.maximumf %add3A_135, %max3A_137 : vector<2000x256xf32>
    %get3A_139 = arith.constant 5 : index
    %get3A_140 = arith.constant 0 : index
    %get3A_141 = arith.constant 0 : index
    %get3A_142 = vector.load %arg6[%get3A_139, %get3A_140, %get3A_141] : memref<15x256x128xf32, #tpu.memory_space<vmem>>, vector<1x256x128xf32>
    %get3A_143 = vector.shape_cast %get3A_142 : vector<1x256x128xf32> to vector<256x128xf32>
    %dot_general3A_144 = arith.constant dense<0.000000e+00> : vector<2000x128xf32>
    %dot_general3A_145 = tpu.matmul %max3A_138, %get3A_143, %dot_general3A_144 {dimension_numbers = #tpu.dot_dimension_numbers<[1], [0], [0], [1], [0, 0, 1, 1], [], []>, transpose_lhs_hint = false} : vector<2000x256xf32>, vector<256x128xf32>, vector<2000x128xf32> -> vector<2000x128xf32>
    %add3A_146 = arith.addf %add3A_124, %dot_general3A_145 : vector<2000x128xf32>
    %slice3A_147 = vector.extract_strided_slice %max3A_11 {offsets = [0, 768], sizes = [2000, 192], strides = [1, 1]} : vector<2000x1984xf32> to vector<2000x192xf32>
    %get3A_148 = arith.constant 0 : index
    %get3A_149 = arith.constant 0 : index
    %get3A_150 = vector.load %arg4[%get3A_148, %get3A_149] : memref<192x256xf32, #tpu.memory_space<vmem>>, vector<192x256xf32>
    %dot_general3A_151 = arith.constant dense<0.000000e+00> : vector<2000x256xf32>
    %dot_general3A_152 = tpu.matmul %slice3A_147, %get3A_150, %dot_general3A_151 {dimension_numbers = #tpu.dot_dimension_numbers<[1], [0], [0], [1], [0, 0, 1, 1], [], []>, transpose_lhs_hint = false} : vector<2000x192xf32>, vector<192x256xf32>, vector<2000x256xf32> -> vector<2000x256xf32>
    %get3A_153 = arith.constant 0 : index
    %get3A_154 = arith.constant 0 : index
    %get3A_155 = vector.load %arg5[%get3A_153, %get3A_154] : memref<1x256xf32, #tpu.memory_space<vmem>>, vector<1x256xf32>
    %add3A_156 = vector.broadcast %get3A_155 : vector<1x256xf32> to vector<2000x256xf32>
    %add3A_157 = arith.addf %dot_general3A_152, %add3A_156 : vector<2000x256xf32>
    %max3A_158 = arith.constant 0.000000e+00 : f32
    %max3A_159 = vector.broadcast %max3A_158 : f32 to vector<2000x256xf32>
    %max3A_160 = arith.maximumf %add3A_157, %max3A_159 : vector<2000x256xf32>
    %get3A_161 = arith.constant 6 : index
    %get3A_162 = arith.constant 0 : index
    %get3A_163 = arith.constant 0 : index
    %get3A_164 = vector.load %arg6[%get3A_161, %get3A_162, %get3A_163] : memref<15x256x128xf32, #tpu.memory_space<vmem>>, vector<1x256x128xf32>
    %get3A_165 = vector.shape_cast %get3A_164 : vector<1x256x128xf32> to vector<256x128xf32>
    %dot_general3A_166 = arith.constant dense<0.000000e+00> : vector<2000x128xf32>
    %dot_general3A_167 = tpu.matmul %max3A_160, %get3A_165, %dot_general3A_166 {dimension_numbers = #tpu.dot_dimension_numbers<[1], [0], [0], [1], [0, 0, 1, 1], [], []>, transpose_lhs_hint = false} : vector<2000x256xf32>, vector<256x128xf32>, vector<2000x128xf32> -> vector<2000x128xf32>
    %add3A_168 = arith.addf %add3A_146, %dot_general3A_167 : vector<2000x128xf32>
    %slice3A_169 = vector.extract_strided_slice %max3A_11 {offsets = [0, 896], sizes = [2000, 192], strides = [1, 1]} : vector<2000x1984xf32> to vector<2000x192xf32>
    %get3A_170 = arith.constant 0 : index
    %get3A_171 = arith.constant 0 : index
    %get3A_172 = vector.load %arg4[%get3A_170, %get3A_171] : memref<192x256xf32, #tpu.memory_space<vmem>>, vector<192x256xf32>
    %dot_general3A_173 = arith.constant dense<0.000000e+00> : vector<2000x256xf32>
    %dot_general3A_174 = tpu.matmul %slice3A_169, %get3A_172, %dot_general3A_173 {dimension_numbers = #tpu.dot_dimension_numbers<[1], [0], [0], [1], [0, 0, 1, 1], [], []>, transpose_lhs_hint = false} : vector<2000x192xf32>, vector<192x256xf32>, vector<2000x256xf32> -> vector<2000x256xf32>
    %get3A_175 = arith.constant 0 : index
    %get3A_176 = arith.constant 0 : index
    %get3A_177 = vector.load %arg5[%get3A_175, %get3A_176] : memref<1x256xf32, #tpu.memory_space<vmem>>, vector<1x256xf32>
    %add3A_178 = vector.broadcast %get3A_177 : vector<1x256xf32> to vector<2000x256xf32>
    %add3A_179 = arith.addf %dot_general3A_174, %add3A_178 : vector<2000x256xf32>
    %max3A_180 = arith.constant 0.000000e+00 : f32
    %max3A_181 = vector.broadcast %max3A_180 : f32 to vector<2000x256xf32>
    %max3A_182 = arith.maximumf %add3A_179, %max3A_181 : vector<2000x256xf32>
    %get3A_183 = arith.constant 7 : index
    %get3A_184 = arith.constant 0 : index
    %get3A_185 = arith.constant 0 : index
    %get3A_186 = vector.load %arg6[%get3A_183, %get3A_184, %get3A_185] : memref<15x256x128xf32, #tpu.memory_space<vmem>>, vector<1x256x128xf32>
    %get3A_187 = vector.shape_cast %get3A_186 : vector<1x256x128xf32> to vector<256x128xf32>
    %dot_general3A_188 = arith.constant dense<0.000000e+00> : vector<2000x128xf32>
    %dot_general3A_189 = tpu.matmul %max3A_182, %get3A_187, %dot_general3A_188 {dimension_numbers = #tpu.dot_dimension_numbers<[1], [0], [0], [1], [0, 0, 1, 1], [], []>, transpose_lhs_hint = false} : vector<2000x256xf32>, vector<256x128xf32>, vector<2000x128xf32> -> vector<2000x128xf32>
    %add3A_190 = arith.addf %add3A_168, %dot_general3A_189 : vector<2000x128xf32>
    %slice3A_191 = vector.extract_strided_slice %max3A_11 {offsets = [0, 1024], sizes = [2000, 192], strides = [1, 1]} : vector<2000x1984xf32> to vector<2000x192xf32>
    %get3A_192 = arith.constant 0 : index
    %get3A_193 = arith.constant 0 : index
    %get3A_194 = vector.load %arg4[%get3A_192, %get3A_193] : memref<192x256xf32, #tpu.memory_space<vmem>>, vector<192x256xf32>
    %dot_general3A_195 = arith.constant dense<0.000000e+00> : vector<2000x256xf32>
    %dot_general3A_196 = tpu.matmul %slice3A_191, %get3A_194, %dot_general3A_195 {dimension_numbers = #tpu.dot_dimension_numbers<[1], [0], [0], [1], [0, 0, 1, 1], [], []>, transpose_lhs_hint = false} : vector<2000x192xf32>, vector<192x256xf32>, vector<2000x256xf32> -> vector<2000x256xf32>
    %get3A_197 = arith.constant 0 : index
    %get3A_198 = arith.constant 0 : index
    %get3A_199 = vector.load %arg5[%get3A_197, %get3A_198] : memref<1x256xf32, #tpu.memory_space<vmem>>, vector<1x256xf32>
    %add3A_200 = vector.broadcast %get3A_199 : vector<1x256xf32> to vector<2000x256xf32>
    %add3A_201 = arith.addf %dot_general3A_196, %add3A_200 : vector<2000x256xf32>
    %max3A_202 = arith.constant 0.000000e+00 : f32
    %max3A_203 = vector.broadcast %max3A_202 : f32 to vector<2000x256xf32>
    %max3A_204 = arith.maximumf %add3A_201, %max3A_203 : vector<2000x256xf32>
    %get3A_205 = arith.constant 8 : index
    %get3A_206 = arith.constant 0 : index
    %get3A_207 = arith.constant 0 : index
    %get3A_208 = vector.load %arg6[%get3A_205, %get3A_206, %get3A_207] : memref<15x256x128xf32, #tpu.memory_space<vmem>>, vector<1x256x128xf32>
    %get3A_209 = vector.shape_cast %get3A_208 : vector<1x256x128xf32> to vector<256x128xf32>
    %dot_general3A_210 = arith.constant dense<0.000000e+00> : vector<2000x128xf32>
    %dot_general3A_211 = tpu.matmul %max3A_204, %get3A_209, %dot_general3A_210 {dimension_numbers = #tpu.dot_dimension_numbers<[1], [0], [0], [1], [0, 0, 1, 1], [], []>, transpose_lhs_hint = false} : vector<2000x256xf32>, vector<256x128xf32>, vector<2000x128xf32> -> vector<2000x128xf32>
    %add3A_212 = arith.addf %add3A_190, %dot_general3A_211 : vector<2000x128xf32>
    %slice3A_213 = vector.extract_strided_slice %max3A_11 {offsets = [0, 1152], sizes = [2000, 192], strides = [1, 1]} : vector<2000x1984xf32> to vector<2000x192xf32>
    %get3A_214 = arith.constant 0 : index
    %get3A_215 = arith.constant 0 : index
    %get3A_216 = vector.load %arg4[%get3A_214, %get3A_215] : memref<192x256xf32, #tpu.memory_space<vmem>>, vector<192x256xf32>
    %dot_general3A_217 = arith.constant dense<0.000000e+00> : vector<2000x256xf32>
    %dot_general3A_218 = tpu.matmul %slice3A_213, %get3A_216, %dot_general3A_217 {dimension_numbers = #tpu.dot_dimension_numbers<[1], [0], [0], [1], [0, 0, 1, 1], [], []>, transpose_lhs_hint = false} : vector<2000x192xf32>, vector<192x256xf32>, vector<2000x256xf32> -> vector<2000x256xf32>
    %get3A_219 = arith.constant 0 : index
    %get3A_220 = arith.constant 0 : index
    %get3A_221 = vector.load %arg5[%get3A_219, %get3A_220] : memref<1x256xf32, #tpu.memory_space<vmem>>, vector<1x256xf32>
    %add3A_222 = vector.broadcast %get3A_221 : vector<1x256xf32> to vector<2000x256xf32>
    %add3A_223 = arith.addf %dot_general3A_218, %add3A_222 : vector<2000x256xf32>
    %max3A_224 = arith.constant 0.000000e+00 : f32
    %max3A_225 = vector.broadcast %max3A_224 : f32 to vector<2000x256xf32>
    %max3A_226 = arith.maximumf %add3A_223, %max3A_225 : vector<2000x256xf32>
    %get3A_227 = arith.constant 9 : index
    %get3A_228 = arith.constant 0 : index
    %get3A_229 = arith.constant 0 : index
    %get3A_230 = vector.load %arg6[%get3A_227, %get3A_228, %get3A_229] : memref<15x256x128xf32, #tpu.memory_space<vmem>>, vector<1x256x128xf32>
    %get3A_231 = vector.shape_cast %get3A_230 : vector<1x256x128xf32> to vector<256x128xf32>
    %dot_general3A_232 = arith.constant dense<0.000000e+00> : vector<2000x128xf32>
    %dot_general3A_233 = tpu.matmul %max3A_226, %get3A_231, %dot_general3A_232 {dimension_numbers = #tpu.dot_dimension_numbers<[1], [0], [0], [1], [0, 0, 1, 1], [], []>, transpose_lhs_hint = false} : vector<2000x256xf32>, vector<256x128xf32>, vector<2000x128xf32> -> vector<2000x128xf32>
    %add3A_234 = arith.addf %add3A_212, %dot_general3A_233 : vector<2000x128xf32>
    %slice3A_235 = vector.extract_strided_slice %max3A_11 {offsets = [0, 1280], sizes = [2000, 192], strides = [1, 1]} : vector<2000x1984xf32> to vector<2000x192xf32>
    %get3A_236 = arith.constant 0 : index
    %get3A_237 = arith.constant 0 : index
    %get3A_238 = vector.load %arg4[%get3A_236, %get3A_237] : memref<192x256xf32, #tpu.memory_space<vmem>>, vector<192x256xf32>
    %dot_general3A_239 = arith.constant dense<0.000000e+00> : vector<2000x256xf32>
    %dot_general3A_240 = tpu.matmul %slice3A_235, %get3A_238, %dot_general3A_239 {dimension_numbers = #tpu.dot_dimension_numbers<[1], [0], [0], [1], [0, 0, 1, 1], [], []>, transpose_lhs_hint = false} : vector<2000x192xf32>, vector<192x256xf32>, vector<2000x256xf32> -> vector<2000x256xf32>
    %get3A_241 = arith.constant 0 : index
    %get3A_242 = arith.constant 0 : index
    %get3A_243 = vector.load %arg5[%get3A_241, %get3A_242] : memref<1x256xf32, #tpu.memory_space<vmem>>, vector<1x256xf32>
    %add3A_244 = vector.broadcast %get3A_243 : vector<1x256xf32> to vector<2000x256xf32>
    %add3A_245 = arith.addf %dot_general3A_240, %add3A_244 : vector<2000x256xf32>
    %max3A_246 = arith.constant 0.000000e+00 : f32
    %max3A_247 = vector.broadcast %max3A_246 : f32 to vector<2000x256xf32>
    %max3A_248 = arith.maximumf %add3A_245, %max3A_247 : vector<2000x256xf32>
    %get3A_249 = arith.constant 10 : index
    %get3A_250 = arith.constant 0 : index
    %get3A_251 = arith.constant 0 : index
    %get3A_252 = vector.load %arg6[%get3A_249, %get3A_250, %get3A_251] : memref<15x256x128xf32, #tpu.memory_space<vmem>>, vector<1x256x128xf32>
    %get3A_253 = vector.shape_cast %get3A_252 : vector<1x256x128xf32> to vector<256x128xf32>
    %dot_general3A_254 = arith.constant dense<0.000000e+00> : vector<2000x128xf32>
    %dot_general3A_255 = tpu.matmul %max3A_248, %get3A_253, %dot_general3A_254 {dimension_numbers = #tpu.dot_dimension_numbers<[1], [0], [0], [1], [0, 0, 1, 1], [], []>, transpose_lhs_hint = false} : vector<2000x256xf32>, vector<256x128xf32>, vector<2000x128xf32> -> vector<2000x128xf32>
    %add3A_256 = arith.addf %add3A_234, %dot_general3A_255 : vector<2000x128xf32>
    %slice3A_257 = vector.extract_strided_slice %max3A_11 {offsets = [0, 1408], sizes = [2000, 192], strides = [1, 1]} : vector<2000x1984xf32> to vector<2000x192xf32>
    %get3A_258 = arith.constant 0 : index
    %get3A_259 = arith.constant 0 : index
    %get3A_260 = vector.load %arg4[%get3A_258, %get3A_259] : memref<192x256xf32, #tpu.memory_space<vmem>>, vector<192x256xf32>
    %dot_general3A_261 = arith.constant dense<0.000000e+00> : vector<2000x256xf32>
    %dot_general3A_262 = tpu.matmul %slice3A_257, %get3A_260, %dot_general3A_261 {dimension_numbers = #tpu.dot_dimension_numbers<[1], [0], [0], [1], [0, 0, 1, 1], [], []>, transpose_lhs_hint = false} : vector<2000x192xf32>, vector<192x256xf32>, vector<2000x256xf32> -> vector<2000x256xf32>
    %get3A_263 = arith.constant 0 : index
    %get3A_264 = arith.constant 0 : index
    %get3A_265 = vector.load %arg5[%get3A_263, %get3A_264] : memref<1x256xf32, #tpu.memory_space<vmem>>, vector<1x256xf32>
    %add3A_266 = vector.broadcast %get3A_265 : vector<1x256xf32> to vector<2000x256xf32>
    %add3A_267 = arith.addf %dot_general3A_262, %add3A_266 : vector<2000x256xf32>
    %max3A_268 = arith.constant 0.000000e+00 : f32
    %max3A_269 = vector.broadcast %max3A_268 : f32 to vector<2000x256xf32>
    %max3A_270 = arith.maximumf %add3A_267, %max3A_269 : vector<2000x256xf32>
    %get3A_271 = arith.constant 11 : index
    %get3A_272 = arith.constant 0 : index
    %get3A_273 = arith.constant 0 : index
    %get3A_274 = vector.load %arg6[%get3A_271, %get3A_272, %get3A_273] : memref<15x256x128xf32, #tpu.memory_space<vmem>>, vector<1x256x128xf32>
    %get3A_275 = vector.shape_cast %get3A_274 : vector<1x256x128xf32> to vector<256x128xf32>
    %dot_general3A_276 = arith.constant dense<0.000000e+00> : vector<2000x128xf32>
    %dot_general3A_277 = tpu.matmul %max3A_270, %get3A_275, %dot_general3A_276 {dimension_numbers = #tpu.dot_dimension_numbers<[1], [0], [0], [1], [0, 0, 1, 1], [], []>, transpose_lhs_hint = false} : vector<2000x256xf32>, vector<256x128xf32>, vector<2000x128xf32> -> vector<2000x128xf32>
    %add3A_278 = arith.addf %add3A_256, %dot_general3A_277 : vector<2000x128xf32>
    %slice3A_279 = vector.extract_strided_slice %max3A_11 {offsets = [0, 1536], sizes = [2000, 192], strides = [1, 1]} : vector<2000x1984xf32> to vector<2000x192xf32>
    %get3A_280 = arith.constant 0 : index
    %get3A_281 = arith.constant 0 : index
    %get3A_282 = vector.load %arg4[%get3A_280, %get3A_281] : memref<192x256xf32, #tpu.memory_space<vmem>>, vector<192x256xf32>
    %dot_general3A_283 = arith.constant dense<0.000000e+00> : vector<2000x256xf32>
    %dot_general3A_284 = tpu.matmul %slice3A_279, %get3A_282, %dot_general3A_283 {dimension_numbers = #tpu.dot_dimension_numbers<[1], [0], [0], [1], [0, 0, 1, 1], [], []>, transpose_lhs_hint = false} : vector<2000x192xf32>, vector<192x256xf32>, vector<2000x256xf32> -> vector<2000x256xf32>
    %get3A_285 = arith.constant 0 : index
    %get3A_286 = arith.constant 0 : index
    %get3A_287 = vector.load %arg5[%get3A_285, %get3A_286] : memref<1x256xf32, #tpu.memory_space<vmem>>, vector<1x256xf32>
    %add3A_288 = vector.broadcast %get3A_287 : vector<1x256xf32> to vector<2000x256xf32>
    %add3A_289 = arith.addf %dot_general3A_284, %add3A_288 : vector<2000x256xf32>
    %max3A_290 = arith.constant 0.000000e+00 : f32
    %max3A_291 = vector.broadcast %max3A_290 : f32 to vector<2000x256xf32>
    %max3A_292 = arith.maximumf %add3A_289, %max3A_291 : vector<2000x256xf32>
    %get3A_293 = arith.constant 12 : index
    %get3A_294 = arith.constant 0 : index
    %get3A_295 = arith.constant 0 : index
    %get3A_296 = vector.load %arg6[%get3A_293, %get3A_294, %get3A_295] : memref<15x256x128xf32, #tpu.memory_space<vmem>>, vector<1x256x128xf32>
    %get3A_297 = vector.shape_cast %get3A_296 : vector<1x256x128xf32> to vector<256x128xf32>
    %dot_general3A_298 = arith.constant dense<0.000000e+00> : vector<2000x128xf32>
    %dot_general3A_299 = tpu.matmul %max3A_292, %get3A_297, %dot_general3A_298 {dimension_numbers = #tpu.dot_dimension_numbers<[1], [0], [0], [1], [0, 0, 1, 1], [], []>, transpose_lhs_hint = false} : vector<2000x256xf32>, vector<256x128xf32>, vector<2000x128xf32> -> vector<2000x128xf32>
    %add3A_300 = arith.addf %add3A_278, %dot_general3A_299 : vector<2000x128xf32>
    %slice3A_301 = vector.extract_strided_slice %max3A_11 {offsets = [0, 1664], sizes = [2000, 192], strides = [1, 1]} : vector<2000x1984xf32> to vector<2000x192xf32>
    %get3A_302 = arith.constant 0 : index
    %get3A_303 = arith.constant 0 : index
    %get3A_304 = vector.load %arg4[%get3A_302, %get3A_303] : memref<192x256xf32, #tpu.memory_space<vmem>>, vector<192x256xf32>
    %dot_general3A_305 = arith.constant dense<0.000000e+00> : vector<2000x256xf32>
    %dot_general3A_306 = tpu.matmul %slice3A_301, %get3A_304, %dot_general3A_305 {dimension_numbers = #tpu.dot_dimension_numbers<[1], [0], [0], [1], [0, 0, 1, 1], [], []>, transpose_lhs_hint = false} : vector<2000x192xf32>, vector<192x256xf32>, vector<2000x256xf32> -> vector<2000x256xf32>
    %get3A_307 = arith.constant 0 : index
    %get3A_308 = arith.constant 0 : index
    %get3A_309 = vector.load %arg5[%get3A_307, %get3A_308] : memref<1x256xf32, #tpu.memory_space<vmem>>, vector<1x256xf32>
    %add3A_310 = vector.broadcast %get3A_309 : vector<1x256xf32> to vector<2000x256xf32>
    %add3A_311 = arith.addf %dot_general3A_306, %add3A_310 : vector<2000x256xf32>
    %max3A_312 = arith.constant 0.000000e+00 : f32
    %max3A_313 = vector.broadcast %max3A_312 : f32 to vector<2000x256xf32>
    %max3A_314 = arith.maximumf %add3A_311, %max3A_313 : vector<2000x256xf32>
    %get3A_315 = arith.constant 13 : index
    %get3A_316 = arith.constant 0 : index
    %get3A_317 = arith.constant 0 : index
    %get3A_318 = vector.load %arg6[%get3A_315, %get3A_316, %get3A_317] : memref<15x256x128xf32, #tpu.memory_space<vmem>>, vector<1x256x128xf32>
    %get3A_319 = vector.shape_cast %get3A_318 : vector<1x256x128xf32> to vector<256x128xf32>
    %dot_general3A_320 = arith.constant dense<0.000000e+00> : vector<2000x128xf32>
    %dot_general3A_321 = tpu.matmul %max3A_314, %get3A_319, %dot_general3A_320 {dimension_numbers = #tpu.dot_dimension_numbers<[1], [0], [0], [1], [0, 0, 1, 1], [], []>, transpose_lhs_hint = false} : vector<2000x256xf32>, vector<256x128xf32>, vector<2000x128xf32> -> vector<2000x128xf32>
    %add3A_322 = arith.addf %add3A_300, %dot_general3A_321 : vector<2000x128xf32>
    %slice3A_323 = vector.extract_strided_slice %max3A_11 {offsets = [0, 1792], sizes = [2000, 192], strides = [1, 1]} : vector<2000x1984xf32> to vector<2000x192xf32>
    %get3A_324 = arith.constant 0 : index
    %get3A_325 = arith.constant 0 : index
    %get3A_326 = vector.load %arg4[%get3A_324, %get3A_325] : memref<192x256xf32, #tpu.memory_space<vmem>>, vector<192x256xf32>
    %dot_general3A_327 = arith.constant dense<0.000000e+00> : vector<2000x256xf32>
    %dot_general3A_328 = tpu.matmul %slice3A_323, %get3A_326, %dot_general3A_327 {dimension_numbers = #tpu.dot_dimension_numbers<[1], [0], [0], [1], [0, 0, 1, 1], [], []>, transpose_lhs_hint = false} : vector<2000x192xf32>, vector<192x256xf32>, vector<2000x256xf32> -> vector<2000x256xf32>
    %get3A_329 = arith.constant 0 : index
    %get3A_330 = arith.constant 0 : index
    %get3A_331 = vector.load %arg5[%get3A_329, %get3A_330] : memref<1x256xf32, #tpu.memory_space<vmem>>, vector<1x256xf32>
    %add3A_332 = vector.broadcast %get3A_331 : vector<1x256xf32> to vector<2000x256xf32>
    %add3A_333 = arith.addf %dot_general3A_328, %add3A_332 : vector<2000x256xf32>
    %max3A_334 = arith.constant 0.000000e+00 : f32
    %max3A_335 = vector.broadcast %max3A_334 : f32 to vector<2000x256xf32>
    %max3A_336 = arith.maximumf %add3A_333, %max3A_335 : vector<2000x256xf32>
    %get3A_337 = arith.constant 14 : index
    %get3A_338 = arith.constant 0 : index
    %get3A_339 = arith.constant 0 : index
    %get3A_340 = vector.load %arg6[%get3A_337, %get3A_338, %get3A_339] : memref<15x256x128xf32, #tpu.memory_space<vmem>>, vector<1x256x128xf32>
    %get3A_341 = vector.shape_cast %get3A_340 : vector<1x256x128xf32> to vector<256x128xf32>
    %dot_general3A_342 = arith.constant dense<0.000000e+00> : vector<2000x128xf32>
    %dot_general3A_343 = tpu.matmul %max3A_336, %get3A_341, %dot_general3A_342 {dimension_numbers = #tpu.dot_dimension_numbers<[1], [0], [0], [1], [0, 0, 1, 1], [], []>, transpose_lhs_hint = false} : vector<2000x256xf32>, vector<256x128xf32>, vector<2000x128xf32> -> vector<2000x128xf32>
    %add3A_344 = arith.addf %add3A_322, %dot_general3A_343 : vector<2000x128xf32>
    %get3A_345 = arith.constant 0 : index
    %get3A_346 = arith.constant 0 : index
    %get3A_347 = vector.load %arg8[%get3A_345, %get3A_346] : memref<2000x2xf32, #tpu.memory_space<vmem>>, vector<2000x1xf32>
    %get3A_348 = arith.constant 0 : index
    %get3A_349 = arith.constant 1 : index
    %get3A_350 = vector.load %arg8[%get3A_348, %get3A_349] : memref<2000x2xf32, #tpu.memory_space<vmem>>, vector<2000x1xf32>
    %add3A_351 = arith.addf %get3A_347, %get3A_350 : vector<2000x1xf32>
    %add3A_352 = arith.constant 1.000000e+00 : f32
    %add3A_353 = vector.broadcast %add3A_352 : f32 to vector<2000x1xf32>
    %add3A_354 = arith.addf %add3A_351, %add3A_353 : vector<2000x1xf32>
    %rsqrt3A = math.rsqrt %add3A_354 : vector<2000x1xf32>
    %swap3A = arith.constant 0 : index
    %swap3A_355 = arith.constant 0 : index
    %swap3A_356 = vector.load %arg11[%swap3A, %swap3A_355] : memref<2000x1xf32, #tpu.memory_space<vmem>>, vector<2000x1xf32>
    tpu.vector_store %arg11[%swap3A, %swap3A_355], %rsqrt3A {strides = array<i32>} : memref<2000x1xf32, #tpu.memory_space<vmem>>, vector<2000x1xf32>,
    %get3A_357 = arith.constant 0 : index
    %get3A_358 = arith.constant 0 : index
    %get3A_359 = vector.load %arg9[%get3A_357, %get3A_358] : memref<128x128xf32, #tpu.memory_space<vmem>>, vector<128x128xf32>
    %dot_general3A_360 = arith.constant dense<0.000000e+00> : vector<2000x128xf32>
    %dot_general3A_361 = tpu.matmul %add3A_344, %get3A_359, %dot_general3A_360 {dimension_numbers = #tpu.dot_dimension_numbers<[1], [1], [0], [0], [0, 0, 1, 0], [], []>, transpose_lhs_hint = false} : vector<2000x128xf32>, vector<128x128xf32>, vector<2000x128xf32> -> vector<2000x128xf32>
    %mul3A = vector.broadcast %rsqrt3A : vector<2000x1xf32> to vector<2000x128xf32>
    %mul3A_362 = arith.mulf %mul3A, %dot_general3A_361 : vector<2000x128xf32>
    %swap3A_363 = arith.constant 0 : index
    %swap3A_364 = arith.constant 0 : index
    %swap3A_365 = vector.load %arg10[%swap3A_363, %swap3A_364] : memref<2000x128xf32, #tpu.memory_space<vmem>>, vector<2000x128xf32>
    tpu.vector_store %arg10[%swap3A_363, %swap3A_364], %mul3A_362 {strides = array<i32>} : memref<2000x128xf32, #tpu.memory_space<vmem>>, vector<2000x128xf32>,
    return
  }
  func.func @transform_0(%arg0: i32) -> (i32, i32) {
    %c0_i32 = arith.constant 0 : i32
    %c0_i32_0 = arith.constant 0 : i32
    return %arg0, %c0_i32 : i32, i32
  }
  func.func @transform_1(%arg0: i32) -> (i32, i32) {
    %c0_i32 = arith.constant 0 : i32
    %c0_i32_0 = arith.constant 0 : i32
    %c0_i32_1 = arith.constant 0 : i32
    return %c0_i32, %c0_i32_0 : i32, i32
  }
  func.func @transform_2(%arg0: i32) -> (i32, i32) {
    %c0_i32 = arith.constant 0 : i32
    %c0_i32_0 = arith.constant 0 : i32
    %c0_i32_1 = arith.constant 0 : i32
    return %c0_i32, %c0_i32_0 : i32, i32
  }
  func.func @transform_3(%arg0: i32) -> (i32, i32) {
    %c0_i32 = arith.constant 0 : i32
    %c0_i32_0 = arith.constant 0 : i32
    %c0_i32_1 = arith.constant 0 : i32
    return %c0_i32, %c0_i32_0 : i32, i32
  }
  func.func @transform_4(%arg0: i32) -> (i32, i32) {
    %c0_i32 = arith.constant 0 : i32
    %c0_i32_0 = arith.constant 0 : i32
    %c0_i32_1 = arith.constant 0 : i32
    return %c0_i32, %c0_i32_0 : i32, i32
  }
  func.func @transform_5(%arg0: i32) -> (i32, i32, i32) {
    %c0_i32 = arith.constant 0 : i32
    %c0_i32_0 = arith.constant 0 : i32
    %c0_i32_1 = arith.constant 0 : i32
    %c0_i32_2 = arith.constant 0 : i32
    return %c0_i32, %c0_i32_0, %c0_i32_1 : i32, i32, i32
  }
  func.func @transform_6(%arg0: i32) -> (i32, i32) {
    %c0_i32 = arith.constant 0 : i32
    %c0_i32_0 = arith.constant 0 : i32
    %c0_i32_1 = arith.constant 0 : i32
    return %c0_i32, %c0_i32_0 : i32, i32
  }
  func.func @transform_7(%arg0: i32) -> (i32, i32) {
    %c0_i32 = arith.constant 0 : i32
    %c0_i32_0 = arith.constant 0 : i32
    return %arg0, %c0_i32 : i32, i32
  }
  func.func @transform_8(%arg0: i32) -> (i32, i32) {
    %c0_i32 = arith.constant 0 : i32
    %c0_i32_0 = arith.constant 0 : i32
    %c0_i32_1 = arith.constant 0 : i32
    return %c0_i32, %c0_i32_0 : i32, i32
  }
  func.func @transform_9(%arg0: i32) -> (i32, i32) {
    %c0_i32 = arith.constant 0 : i32
    %c0_i32_0 = arith.constant 0 : i32
    return %arg0, %c0_i32 : i32, i32
  }
  func.func @transform_10(%arg0: i32) -> (i32, i32) {
    %c0_i32 = arith.constant 0 : i32
    %c0_i32_0 = arith.constant 0 : i32
    return %arg0, %c0_i32 : i32, i32
  }
}

module attributes {stable_mosaic.version = 14 : i64} {
  func.func @_gcnmid_body(%arg0: i32, %arg1: memref<2x1000x128xf32, #tpu.memory_space<vmem>>, %arg2: memref<1000x128xf32, #tpu.memory_space<vmem>>, %arg3: memref<1000x1xf32, #tpu.memory_space<vmem>>, %arg4: memref<128x128xf32, #tpu.memory_space<vmem>>, %arg5: memref<1x128xf32, #tpu.memory_space<vmem>>, %arg6: memref<1000x128xf32, #tpu.memory_space<vmem>>) attributes {dimension_semantics = [#tpu.dimension_semantics<arbitrary>], iteration_bounds = array<i64: 10>, scalar_prefetch = 0 : i64, scratch_operands = 0 : i64, tpu.core_type = #tpu.core_type<tc>, window_params = [{transform_indices = @transform_0, window_bounds = array<i64: 2, 1000, 128>}, {transform_indices = @transform_1, window_bounds = array<i64: 1000, 128>}, {transform_indices = @transform_2, window_bounds = array<i64: 1000, 1>}, {pipeline_mode = #tpu.pipeline_mode<synchronous>, transform_indices = @transform_3, window_bounds = array<i64: 128, 128>}, {pipeline_mode = #tpu.pipeline_mode<synchronous>, transform_indices = @transform_4, window_bounds = array<i64: 1, 128>}, {transform_indices = @transform_5, window_bounds = array<i64: 1000, 128>}]} {
    %get3A = arith.constant 0 : index
    %get3A_0 = arith.constant 0 : index
    %get3A_1 = arith.constant 0 : index
    %get3A_2 = vector.load %arg1[%get3A, %get3A_0, %get3A_1] : memref<2x1000x128xf32, #tpu.memory_space<vmem>>, vector<1x1000x128xf32>
    %get3A_3 = vector.shape_cast %get3A_2 : vector<1x1000x128xf32> to vector<1000x128xf32>
    %get3A_4 = arith.constant 1 : index
    %get3A_5 = arith.constant 0 : index
    %get3A_6 = arith.constant 0 : index
    %get3A_7 = vector.load %arg1[%get3A_4, %get3A_5, %get3A_6] : memref<2x1000x128xf32, #tpu.memory_space<vmem>>, vector<1x1000x128xf32>
    %get3A_8 = vector.shape_cast %get3A_7 : vector<1x1000x128xf32> to vector<1000x128xf32>
    %add3A = arith.addf %get3A_3, %get3A_8 : vector<1000x128xf32>
    %get3A_9 = arith.constant 0 : index
    %get3A_10 = arith.constant 0 : index
    %get3A_11 = vector.load %arg2[%get3A_9, %get3A_10] : memref<1000x128xf32, #tpu.memory_space<vmem>>, vector<1000x128xf32>
    %add3A_12 = arith.addf %add3A, %get3A_11 : vector<1000x128xf32>
    %get3A_13 = arith.constant 0 : index
    %get3A_14 = arith.constant 0 : index
    %get3A_15 = vector.load %arg3[%get3A_13, %get3A_14] : memref<1000x1xf32, #tpu.memory_space<vmem>>, vector<1000x1xf32>
    %mul3A = vector.broadcast %get3A_15 : vector<1000x1xf32> to vector<1000x128xf32>
    %mul3A_16 = arith.mulf %mul3A, %add3A_12 : vector<1000x128xf32>
    %get3A_17 = arith.constant 0 : index
    %get3A_18 = arith.constant 0 : index
    %get3A_19 = vector.load %arg5[%get3A_17, %get3A_18] : memref<1x128xf32, #tpu.memory_space<vmem>>, vector<1x128xf32>
    %add3A_20 = vector.broadcast %get3A_19 : vector<1x128xf32> to vector<1000x128xf32>
    %add3A_21 = arith.addf %mul3A_16, %add3A_20 : vector<1000x128xf32>
    %max3A = arith.constant 0.000000e+00 : f32
    %max3A_22 = vector.broadcast %max3A : f32 to vector<1000x128xf32>
    %max3A_23 = arith.maximumf %add3A_21, %max3A_22 : vector<1000x128xf32>
    %get3A_24 = arith.constant 0 : index
    %get3A_25 = arith.constant 0 : index
    %get3A_26 = vector.load %arg3[%get3A_24, %get3A_25] : memref<1000x1xf32, #tpu.memory_space<vmem>>, vector<1000x1xf32>
    %get3A_27 = arith.constant 0 : index
    %get3A_28 = arith.constant 0 : index
    %get3A_29 = vector.load %arg4[%get3A_27, %get3A_28] : memref<128x128xf32, #tpu.memory_space<vmem>>, vector<128x128xf32>
    %dot_general3A = arith.constant dense<0.000000e+00> : vector<1000x128xf32>
    %dot_general3A_30 = tpu.matmul %max3A_23, %get3A_29, %dot_general3A {dimension_numbers = #tpu.dot_dimension_numbers<[1], [1], [0], [0], [0, 0, 1, 0], [], []>, transpose_lhs_hint = false} : vector<1000x128xf32>, vector<128x128xf32>, vector<1000x128xf32> -> vector<1000x128xf32>
    %mul3A_31 = vector.broadcast %get3A_26 : vector<1000x1xf32> to vector<1000x128xf32>
    %mul3A_32 = arith.mulf %mul3A_31, %dot_general3A_30 : vector<1000x128xf32>
    %swap3A = arith.constant 0 : index
    %swap3A_33 = arith.constant 0 : index
    %swap3A_34 = vector.load %arg6[%swap3A, %swap3A_33] : memref<1000x128xf32, #tpu.memory_space<vmem>>, vector<1000x128xf32>
    tpu.vector_store %arg6[%swap3A, %swap3A_33], %mul3A_32 {strides = array<i32>} : memref<1000x128xf32, #tpu.memory_space<vmem>>, vector<1000x128xf32>,
    return
  }
  func.func @transform_0(%arg0: i32) -> (i32, i32, i32) {
    %c0_i32 = arith.constant 0 : i32
    %c0_i32_0 = arith.constant 0 : i32
    %c0_i32_1 = arith.constant 0 : i32
    return %c0_i32, %arg0, %c0_i32_0 : i32, i32, i32
  }
  func.func @transform_1(%arg0: i32) -> (i32, i32) {
    %c0_i32 = arith.constant 0 : i32
    %c0_i32_0 = arith.constant 0 : i32
    return %arg0, %c0_i32 : i32, i32
  }
  func.func @transform_2(%arg0: i32) -> (i32, i32) {
    %c0_i32 = arith.constant 0 : i32
    %c0_i32_0 = arith.constant 0 : i32
    return %arg0, %c0_i32 : i32, i32
  }
  func.func @transform_3(%arg0: i32) -> (i32, i32) {
    %c0_i32 = arith.constant 0 : i32
    %c0_i32_0 = arith.constant 0 : i32
    %c0_i32_1 = arith.constant 0 : i32
    return %c0_i32, %c0_i32_0 : i32, i32
  }
  func.func @transform_4(%arg0: i32) -> (i32, i32) {
    %c0_i32 = arith.constant 0 : i32
    %c0_i32_0 = arith.constant 0 : i32
    %c0_i32_1 = arith.constant 0 : i32
    return %c0_i32, %c0_i32_0 : i32, i32
  }
  func.func @transform_5(%arg0: i32) -> (i32, i32) {
    %c0_i32 = arith.constant 0 : i32
    %c0_i32_0 = arith.constant 0 : i32
    return %arg0, %c0_i32 : i32, i32
  }
}

module attributes {stable_mosaic.version = 14 : i64} {
  func.func @_gcnout_body(%arg0: i32, %arg1: memref<2x1000x128xf32, #tpu.memory_space<vmem>>, %arg2: memref<1000x128xf32, #tpu.memory_space<vmem>>, %arg3: memref<1000x1xf32, #tpu.memory_space<vmem>>, %arg4: memref<1x128xf32, #tpu.memory_space<vmem>>, %arg5: memref<1000x128xf32, #tpu.memory_space<vmem>>) attributes {dimension_semantics = [#tpu.dimension_semantics<arbitrary>], iteration_bounds = array<i64: 10>, scalar_prefetch = 0 : i64, scratch_operands = 0 : i64, tpu.core_type = #tpu.core_type<tc>, window_params = [{transform_indices = @transform_0, window_bounds = array<i64: 2, 1000, 128>}, {transform_indices = @transform_1, window_bounds = array<i64: 1000, 128>}, {transform_indices = @transform_2, window_bounds = array<i64: 1000, 1>}, {pipeline_mode = #tpu.pipeline_mode<synchronous>, transform_indices = @transform_3, window_bounds = array<i64: 1, 128>}, {transform_indices = @transform_4, window_bounds = array<i64: 1000, 128>}]} {
    %get3A = arith.constant 0 : index
    %get3A_0 = arith.constant 0 : index
    %get3A_1 = vector.load %arg3[%get3A, %get3A_0] : memref<1000x1xf32, #tpu.memory_space<vmem>>, vector<1000x1xf32>
    %get3A_2 = arith.constant 0 : index
    %get3A_3 = arith.constant 0 : index
    %get3A_4 = arith.constant 0 : index
    %get3A_5 = vector.load %arg1[%get3A_2, %get3A_3, %get3A_4] : memref<2x1000x128xf32, #tpu.memory_space<vmem>>, vector<1x1000x128xf32>
    %get3A_6 = vector.shape_cast %get3A_5 : vector<1x1000x128xf32> to vector<1000x128xf32>
    %get3A_7 = arith.constant 1 : index
    %get3A_8 = arith.constant 0 : index
    %get3A_9 = arith.constant 0 : index
    %get3A_10 = vector.load %arg1[%get3A_7, %get3A_8, %get3A_9] : memref<2x1000x128xf32, #tpu.memory_space<vmem>>, vector<1x1000x128xf32>
    %get3A_11 = vector.shape_cast %get3A_10 : vector<1x1000x128xf32> to vector<1000x128xf32>
    %add3A = arith.addf %get3A_6, %get3A_11 : vector<1000x128xf32>
    %get3A_12 = arith.constant 0 : index
    %get3A_13 = arith.constant 0 : index
    %get3A_14 = vector.load %arg2[%get3A_12, %get3A_13] : memref<1000x128xf32, #tpu.memory_space<vmem>>, vector<1000x128xf32>
    %add3A_15 = arith.addf %add3A, %get3A_14 : vector<1000x128xf32>
    %mul3A = vector.broadcast %get3A_1 : vector<1000x1xf32> to vector<1000x128xf32>
    %mul3A_16 = arith.mulf %mul3A, %add3A_15 : vector<1000x128xf32>
    %get3A_17 = arith.constant 0 : index
    %get3A_18 = arith.constant 0 : index
    %get3A_19 = vector.load %arg4[%get3A_17, %get3A_18] : memref<1x128xf32, #tpu.memory_space<vmem>>, vector<1x128xf32>
    %add3A_20 = vector.broadcast %get3A_19 : vector<1x128xf32> to vector<1000x128xf32>
    %add3A_21 = arith.addf %mul3A_16, %add3A_20 : vector<1000x128xf32>
    %swap3A = arith.constant 0 : index
    %swap3A_22 = arith.constant 0 : index
    %swap3A_23 = vector.load %arg5[%swap3A, %swap3A_22] : memref<1000x128xf32, #tpu.memory_space<vmem>>, vector<1000x128xf32>
    tpu.vector_store %arg5[%swap3A, %swap3A_22], %add3A_21 {strides = array<i32>} : memref<1000x128xf32, #tpu.memory_space<vmem>>, vector<1000x128xf32>,
    return
  }
  func.func @transform_0(%arg0: i32) -> (i32, i32, i32) {
    %c0_i32 = arith.constant 0 : i32
    %c0_i32_0 = arith.constant 0 : i32
    %c0_i32_1 = arith.constant 0 : i32
    return %c0_i32, %arg0, %c0_i32_0 : i32, i32, i32
  }
  func.func @transform_1(%arg0: i32) -> (i32, i32) {
    %c0_i32 = arith.constant 0 : i32
    %c0_i32_0 = arith.constant 0 : i32
    return %arg0, %c0_i32 : i32, i32
  }
  func.func @transform_2(%arg0: i32) -> (i32, i32) {
    %c0_i32 = arith.constant 0 : i32
    %c0_i32_0 = arith.constant 0 : i32
    return %arg0, %c0_i32 : i32, i32
  }
  func.func @transform_3(%arg0: i32) -> (i32, i32) {
    %c0_i32 = arith.constant 0 : i32
    %c0_i32_0 = arith.constant 0 : i32
    %c0_i32_1 = arith.constant 0 : i32
    return %c0_i32, %c0_i32_0 : i32, i32
  }
  func.func @transform_4(%arg0: i32) -> (i32, i32) {
    %c0_i32 = arith.constant 0 : i32
    %c0_i32_0 = arith.constant 0 : i32
    return %arg0, %c0_i32 : i32, i32
  }
}

module attributes {stable_mosaic.version = 14 : i64} {
  func.func @_head_body(%arg0: memref<2x384x128xf32, #tpu.memory_space<vmem>>, %arg1: memref<256x128xf32, #tpu.memory_space<vmem>>, %arg2: memref<1x256xf32, #tpu.memory_space<vmem>>, %arg3: memref<128x256xf32, #tpu.memory_space<vmem>>, %arg4: memref<1x128xf32, #tpu.memory_space<vmem>>, %arg5: memref<256x128xf32, #tpu.memory_space<vmem>>) attributes {dimension_semantics = [], scalar_prefetch = 0 : i64, scratch_operands = 0 : i64, tpu.core_type = #tpu.core_type<tc>} {
    %get3A = arith.constant 0 : index
    %get3A_0 = arith.constant 0 : index
    %get3A_1 = arith.constant 0 : index
    %get3A_2 = vector.load %arg0[%get3A, %get3A_0, %get3A_1] : memref<2x384x128xf32, #tpu.memory_space<vmem>>, vector<1x256x128xf32>
    %get3A_3 = vector.shape_cast %get3A_2 : vector<1x256x128xf32> to vector<256x128xf32>
    %get3A_4 = arith.constant 1 : index
    %get3A_5 = arith.constant 0 : index
    %get3A_6 = arith.constant 0 : index
    %get3A_7 = vector.load %arg0[%get3A_4, %get3A_5, %get3A_6] : memref<2x384x128xf32, #tpu.memory_space<vmem>>, vector<1x256x128xf32>
    %get3A_8 = vector.shape_cast %get3A_7 : vector<1x256x128xf32> to vector<256x128xf32>
    %add3A = arith.addf %get3A_3, %get3A_8 : vector<256x128xf32>
    %get3A_9 = arith.constant 0 : index
    %get3A_10 = arith.constant 0 : index
    %get3A_11 = vector.load %arg1[%get3A_9, %get3A_10] : memref<256x128xf32, #tpu.memory_space<vmem>>, vector<256x128xf32>
    %dot_general3A = arith.constant dense<0.000000e+00> : vector<256x256xf32>
    %dot_general3A_12 = tpu.matmul %add3A, %get3A_11, %dot_general3A {dimension_numbers = #tpu.dot_dimension_numbers<[1], [1], [0], [0], [0, 0, 1, 0], [], []>, transpose_lhs_hint = false} : vector<256x128xf32>, vector<256x128xf32>, vector<256x256xf32> -> vector<256x256xf32>
    %get3A_13 = arith.constant 0 : index
    %get3A_14 = arith.constant 0 : index
    %get3A_15 = vector.load %arg2[%get3A_13, %get3A_14] : memref<1x256xf32, #tpu.memory_space<vmem>>, vector<1x256xf32>
    %add3A_16 = vector.broadcast %get3A_15 : vector<1x256xf32> to vector<256x256xf32>
    %add3A_17 = arith.addf %dot_general3A_12, %add3A_16 : vector<256x256xf32>
    %max3A = arith.constant 0.000000e+00 : f32
    %max3A_18 = vector.broadcast %max3A : f32 to vector<256x256xf32>
    %max3A_19 = arith.maximumf %add3A_17, %max3A_18 : vector<256x256xf32>
    %get3A_20 = arith.constant 0 : index
    %get3A_21 = arith.constant 0 : index
    %get3A_22 = vector.load %arg3[%get3A_20, %get3A_21] : memref<128x256xf32, #tpu.memory_space<vmem>>, vector<128x256xf32>
    %dot_general3A_23 = arith.constant dense<0.000000e+00> : vector<256x128xf32>
    %dot_general3A_24 = tpu.matmul %max3A_19, %get3A_22, %dot_general3A_23 {dimension_numbers = #tpu.dot_dimension_numbers<[1], [1], [0], [0], [0, 0, 1, 0], [], []>, transpose_lhs_hint = false} : vector<256x256xf32>, vector<128x256xf32>, vector<256x128xf32> -> vector<256x128xf32>
    %get3A_25 = arith.constant 0 : index
    %get3A_26 = arith.constant 0 : index
    %get3A_27 = vector.load %arg4[%get3A_25, %get3A_26] : memref<1x128xf32, #tpu.memory_space<vmem>>, vector<1x128xf32>
    %add3A_28 = vector.broadcast %get3A_27 : vector<1x128xf32> to vector<256x128xf32>
    %add3A_29 = arith.addf %dot_general3A_24, %add3A_28 : vector<256x128xf32>
    %swap3A = arith.constant 0 : index
    %swap3A_30 = arith.constant 0 : index
    %swap3A_31 = vector.load %arg5[%swap3A, %swap3A_30] : memref<256x128xf32, #tpu.memory_space<vmem>>, vector<256x128xf32>
    tpu.vector_store %arg5[%swap3A, %swap3A_30], %add3A_29 {strides = array<i32>} : memref<256x128xf32, #tpu.memory_space<vmem>>, vector<256x128xf32>,
    return
  }
}

</mosaic_0001>

<sc_bundles>
// kernel: kernel.10.cloned.1.call-start
scs
__scs_entry_jumppad:
0x0: {  	(pc) =	sbr.rel $0x88, $3  }
0x1: {  	(tag) =	ssettag $0x0;
	lr =	simm.s32 $0x1  }
0x2: {  	[smem:$0x3F90] =	sst lr;
	_ =	strace $0xD0000000  }
0x3: {  	_ = 	snop  }
0x4: {  	_ = 	snop  }
0x5: {  	_ = 	snop  }
0x6: {  	_ = 	snop  }
0x7: {  	_ = 	snop  }
__scs_overlays_trampoline_lowered:
0x8: {  	[smem:$0x3F9F] =	sst s0  }
0x9: {  	[smem:$0x3FA0] =	sst s1  }
0xa: {  	[smem:$0x3FA1] =	sst s2  }
0xb: {  	[smem:$0x3FA2] =	sst s3  }
0xc: {  	[smem:$0x3FA3] =	sst s4  }
0xd: {  	[smem:$0x3FA4] =	sst s5  }
0xe: {  	[smem:$0x3FA5] =	sst s6  }
0xf: {  	[smem:$0x3FA6] =	sst s7  }
0x10: {  	[smem:$0x3FA7] =	sst s8  }
0x11: {  	[smem:$0x3FA8] =	sst s9;
	s0 =	simm.s32 @!p0 $0x0  }
0x12: {  	s1 =	sld [smem:$0x3F8E];
	s0 =	simm.s32 @p0 $0x1  }
0x13: {  	[smem:$0x3FA9] =	sst s0;
	s0 =	simm.s32 @!p1 $0x0  }
0x14: {  	s2 =	sld [smem:$0x3F8D];
	s0 =	simm.s32 @p1 $0x1  }
0x15: {  	[smem:$0x3FAA] =	sst s0;
	s0 =	simm.s32 @!p2 $0x0  }
0x16: {  	s3 =	sld [smem:$0x3FDB];
	s0 =	simm.s32 @p2 $0x1  }
0x17: {  	s4 =	simm.s32 $0x1BF5;
	[smem:$0x3FAC] =	sst s0  }
0x18: {  	s0 =	sld [smem:$0x3F8F];
	_ =	swait.ge [sflag:s4], $0x0  }
0x19: {  	s7 =	sld [smem:$0x3F90]  }
0x1a: {  	s8 =	sadd.s32 $0xFFFFE003, lr  }
0x1b: {  	s9 =	sadd.s32 $0xFFFFFEF7, lr;
	s5 =	simm.s32 $0xFFFFFFFF;
	p2 =	slt.u32 s8, $0xFFFFF086  }
0x1c: {  	p1 =	slt.u32 s9, $0xF7A;
	s5 =	simm.s32 @!p2 $0x0  }
0x1d: {  	s5 =	simm.s32 @p1 $0x1;
	p0 =	seq.s32 s7, s2  }
0x1e: {  	s7 =	smul.u32 @!p0 $0xF7A, s2;
	p2 =	seq.s32 @!p0 s5, $0x0  }
0x1f: {  	s9 =	smul.u32 $0xF7A, s1;
	s8 =	simm.s32 @!p0 $0x1BF5;
	p2 =	por !p2, p0  }
0x20: {  	[sflag:s8] =	ssyncset.s32 @!p0 $0xFFFFF086;
	s6 =	sadd.s32 @!p0 s3, s7;
	s7 =	simm.s32 @!p0 $0x108  }
0x21: {  	s3 =	sadd.s32 s3, s9;
	s6 =	sadd.s32 @!p0 $0x88, s6;
	s7 =	simm.s32 @p2 $0x1082  }
0x22: {  	[simem:s7], [sflag:s8] =	dma.local @!p0 [hbm:s6], $0xF7A  }
0x23: {  	s9 =	sor.u32 $0xD0000000, s2;
	s6 =	simm.s32 $0x108;
	_ =	swait.ge @!p0 [sflag:s8], $0x0  }
0x24: {  	s3 =	sadd.s32 $0x88, s3;
	s6 =	simm.s32 @!p1 $0x1082;
	[sflag:s4] =	ssyncset.s32 $0xFFFFF086  }
0x25: {  	[simem:s6], [sflag:s4] =	dma.local [hbm:s3], $0xF7A  }
0x26: {  	[smem:$0x3F90] =	sst s1;
	(tag) =	ssettag s2;
	_ =	strace s9  }
0x27: {  	s1 =	sld [smem:$0x3FA0]  }
0x28: {  	s2 =	sld [smem:$0x3FA1]  }
0x29: {  	s4 =	sld [smem:$0x3FA3]  }
0x2a: {  	p0 =	seq.s32 s5, $0x0;
	s5 =	sld [smem:$0x3FA4]  }
0x2b: {  	s6 =	sld [smem:$0x3FA5]  }
0x2c: {  	s7 =	sld [smem:$0x3FA6]  }
0x2d: {  	s3 =	simm.s32 $0x108;
	s8 =	sld [smem:$0x3FA7]  }
0x2e: {  	s3 =	simm.s32 @!p0 $0x1082;
	s9 =	sld [smem:$0x3FA8]  }
0x2f: {  	lr =	sadd.s32 s0, s3;
	s0 =	sld [smem:$0x3F9F]  }
0x30: {  	s3 =	sld [smem:$0x3FA2]  }
0x31: {  	[smem:$0x3FAB] =	sst s10  }
0x32: {  	s10 =	sld [smem:$0x3FA9];
	_ =	sdelay $0x3  }
0x33: {  	p0 =	seq.s32 s10, $0x1;
	s10 =	sld [smem:$0x3FAB];
	_ =	sdelay $0x3  }
0x34: {  	[smem:$0x3FAB] =	sst s10  }
0x35: {  	s10 =	sld [smem:$0x3FAA];
	_ =	sdelay $0x3  }
0x36: {  	p1 =	seq.s32 s10, $0x1;
	s10 =	sld [smem:$0x3FAB];
	_ =	sdelay $0x3  }
0x37: {  	[smem:$0x3FAB] =	sst s10  }
0x38: {  	s10 =	sld [smem:$0x3FAC]  }
0x39: {  	_ = 	snop;
	(pc) =	sbr.ind lr, $3  }
0x3a: {  	_ = 	snop  }
0x3b: {  	_ = 	snop  }
0x3c: {  	p2 =	seq.s32 s10, $0x1;
	s10 =	sld [smem:$0x3FAB]  }
0x3d: {  	_ =	shalt  }
0x3e: {  	_ =	shalt  }
0x3f: {  	_ =	shalt  }
0x40: {  	_ =	shalt  }
0x41: {  	_ =	shalt  }
0x42: {  	_ =	shalt  }
0x43: {  	_ =	shalt  }
0x44: {  	_ =	shalt  }
0x45: {  	_ =	shalt  }
0x46: {  	_ =	shalt  }
0x47: {  	_ =	shalt  }
0x48: {  	_ =	shalt  }
0x49: {  	_ =	shalt  }
0x4a: {  	_ =	shalt  }
0x4b: {  	_ =	shalt  }
0x4c: {  	_ =	shalt  }
0x4d: {  	_ =	shalt  }
0x4e: {  	_ =	shalt  }
0x4f: {  	_ =	shalt  }
0x50: {  	_ =	shalt  }
0x51: {  	_ =	shalt  }
0x52: {  	_ =	shalt  }
0x53: {  	_ =	shalt  }
0x54: {  	_ =	shalt  }
0x55: {  	_ =	shalt  }
0x56: {  	_ =	shalt  }
0x57: {  	_ =	shalt  }
0x58: {  	_ =	shalt  }
0x59: {  	_ =	shalt  }
0x5a: {  	_ =	shalt  }
0x5b: {  	_ =	shalt  }
0x5c: {  	_ =	shalt  }
0x5d: {  	_ =	shalt  }
0x5e: {  	_ =	shalt  }
0x5f: {  	_ =	shalt  }
0x60: {  	_ =	shalt  }
0x61: {  	_ =	shalt  }
0x62: {  	_ =	shalt  }
0x63: {  	_ =	shalt  }
0x64: {  	_ =	shalt  }
0x65: {  	_ =	shalt  }
0x66: {  	_ =	shalt  }
0x67: {  	_ =	shalt  }
0x68: {  	_ =	shalt  }
0x69: {  	_ =	shalt  }
0x6a: {  	_ =	shalt  }
0x6b: {  	_ =	shalt  }
0x6c: {  	_ =	shalt  }
0x6d: {  	_ =	shalt  }
0x6e: {  	_ =	shalt  }
0x6f: {  	_ =	shalt  }
0x70: {  	_ =	shalt  }
0x71: {  	_ =	shalt  }
0x72: {  	_ =	shalt  }
0x73: {  	_ =	shalt  }
0x74: {  	_ =	shalt  }
0x75: {  	_ =	shalt  }
0x76: {  	_ =	shalt  }
0x77: {  	_ =	shalt  }
0x78: {  	_ =	shalt  }
0x79: {  	_ =	shalt  }
0x7a: {  	_ =	shalt  }
0x7b: {  	_ =	shalt  }
0x7c: {  	_ =	shalt  }
0x7d: {  	_ =	shalt  }
0x7e: {  	_ =	shalt  }
0x7f: {  	_ =	shalt  }
0x80: {  	_ =	shalt  }
0x81: {  	_ =	shalt  }
0x82: {  	_ =	shalt  }
0x83: {  	_ =	shalt  }
0x84: {  	_ =	shalt  }
0x85: {  	_ =	shalt  }
0x86: {  	_ =	shalt  }
0x87: {  	_ =	shalt  }
.Lfunc_end0:
.L_simem_size_0:
called_computation_lowered:
.L_overlay_start_0:
0x88: {  	s2 =	sld [smem:$0x3FD9]  }
0x89: {  	s3 =	sld [smem:$0x3FFE];
	_ =	sdelay $0x1  }
0x8a: {  	s1 =	srdreg.scid  }
0x8b: {  	s0 =	sand.u32 $0x1, s1  }
0x8c: {  	s17 =	sshll.u32 s0, $0xA;
	s2 =	sadd.s32 s3, s2  }
0x8d: {  	s2 =	sadd.s32 s2, s17  }
0x8e: {  	[smem:$0x3FB7] =	sst s2  }
0x8f: {  	_ = 	snop  }
0x90: {  	s2 =	sld [smem:$0x3FD0];
	(tm) =	ssettm $0x1  }
0x91: {  	s18 =	sld [smem:$0x3FFB];
	_ =	sdelay $0x3  }
0x92: {  	_ =	strace s18  }
0x93: {  	s3 =	sld [smem:$0x3FFC];
	_ =	sdelay $0x3  }
0x94: {  	_ =	strace s3  }
0x95: {  	s3 =	sld [smem:$0x3FFD];
	_ =	sdelay $0x3  }
0x96: {  	_ =	strace s3  }
0x97: {  	_ =	strace $0x8FFFFFFF  }
0x98: {  	s19 =	sld [smem:$0x3FDB];
	_ =	sdelay $0x1  }
0x99: {  	s4 =	simm.s32 $_scs_section_size  }
0x9a: {  	s5 =	simm.s32 $_size__tile_overlayer_lowered;
	s6 =	simm.s32 $_tile_overlayer_lowered  }
0x9b: {  	s22 =	simm.s32 $0x1BFF;
	s21 =	sshll.u32 s6, $0x1;
	s3 =	sadd.s32 s4, s19  }
0x9c: {  	s7 =	simm.s32 $0x0;
	s20 =	sshll.u32 s5, $0x1;
	s5 =	sadd.s32 s21, s3  }
0x9d: {  	[timem:s7], [sflag:s22] =	dma.local [hbm:s5], s20  }
0x9e: {  	_ =	swait.ge [sflag:s22], s20  }
0x9f: {  	s4 =	ssub.s32 $0x0, s20;
	[sflag:s22] =	ssyncset.done $0x0  }
0xa0: {  	[sflag:s22] =	ssyncadd.s32 s4;
	_ =	sdelay $0x1  }
0xa1: {  	s23 =	simm.s32 $0x1B8B  }
0xa2: {  	_ =	swait.ge [sflag:s23], $0x1  }
0xa3: {  	[sflag:s23] =	ssyncset.done $0x0  }
0xa4: {  	s25 =	simm.s32 $0x1B8E;
	s24 =	sld [smem:$0x3FFE];
	[sflag:s23] =	ssyncadd.s32 $0xFFFFFFFF  }
0xa5: {  	s26 =	simm.s32 $execute0_lowered;
	[smem:$0x3FD2] =	sst s25  }
0xa6: {  	s5 =	sshll.u32 s26, $0x1;
	_ =	strace $0x80000046;
	[dreg:$0x1] =	wrdreg $0xFFFFFFFF  }
0xa7: {  	s28 =	simm.s32 $_size_execute0_lowered;
	s3 =	sadd.s32 s3, s5;
	[dreg:$0x0] =	wrdreg $0x0  }
0xa8: {  	s5 =	sshll.u32 s28, $0x1;
	[dreg:$0x2] =	wrdreg s3  }
0xa9: {  	[dreg:$0x3] =	wrdreg s5  }
0xaa: {  	[dreg:$0x4] =	wrdreg $0xC0  }
0xab: {  	_ =	task [dreg:s7], $0x5FFFF  }
0xac: {  	[dreg:$0x1] =	wrdreg $0xFFFFFFFF  }
0xad: {  	[dreg:$0x0] =	wrdreg $0x60  }
0xae: {  	[dreg:$0x2] =	wrdreg s24  }
0xaf: {  	[dreg:$0x3] =	wrdreg s2  }
0xb0: {  	[dreg:$0x4] =	wrdreg $0x5000  }
0xb1: {  	[dreg:$0x5] =	wrdreg $0x9  }
0xb2: {  	_ =	task.clear_ibuf [dreg:s7], $0x6FFFF;
	_ =	strace $0x90000046  }
0xb3: {  	s29 =	simm.s32 $0x9;
	_ =	strace $0x80000048  }
0xb4: {  	_ =	swait.ge [sflag:s29], $0x1  }
0xb5: {  	[sflag:s29] =	ssyncadd.s32 $0xFFFFFFFF  }
0xb6: {  	_ =	strace $0x90000048  }
0xb7: {  	_ =	sfence  }
0xb8: {  	s30 =	sld [smem:$0x0];
	_ =	sdelay $0x2  }
0xb9: {  	s31 =	sshll.u32 s1, $0xD;
	s1 =	sshrl.u32 s1, $0x2  }
0xba: {  	s3 =	sand.u32 $0x4000, s31;
	s1 =	sadd.s32 s1, s30  }
0xbb: {  	s0 =	sor.u32 s3, s0;
	s1 =	sshll.u32 s1, $0x11  }
0xbc: {  	s0 =	sor.u32 s1, s0  }
0xbd: {  	s0 =	sadd.s32 $0x8F2B, s0  }
0xbe: {  	[sflag:s0] =	ssyncadd.remote.s32 $0x1  }
0xbf: {  	_ =	sfence.sel $0xFFFF  }
0xc0: {  	[dreg:$0x0] =	wrdreg $0xFFFFFFFF;
	(pc) =	sbr.abs _section_cstart, $3  }
0xc1: {  	[dreg:$0x1] =	wrdreg $0xFFFFFFFF  }
0xc2: {  	_ =	task.clear_ibuf [dreg:s7], $0x2FFFF;
	_ =	strace $0x9FFFFFFF  }
0xc3: {  	(tm) =	ssettm $0x7FFFFFFF  }
tec
execute0_lowered:
.L_overlay_start_1:
0x0: {  	(tag) =	ssettag $0x1  }
0x1: {  	s7 =	rddreg [dreg:$0x0]  }
0x2: {  	s13 =	rddreg [dreg:$0x1]  }
0x3: {  	s1 =	rddreg [dreg:$0x2];
	s2 =	simm.s32 $0x0  }
0x4: {  	v0 =	vimm.f32 $0.0e+00;
	[smem:$0x7FF] =	sst s2  }
0x5: {  	s0 =	rddreg [dreg:$0x3];
	_ =	strace $0x80000047;
	[tilespmem:$0x2E0] =	vst v0  }
0x6: {  	[tilespmem:$0x2F0] =	vst v0  }
0x7: {  	[tilespmem:$0x300] =	vst v0  }
0x8: {  	[tilespmem:$0x310] =	vst v0  }
0x9: {  	[tilespmem:$0x320] =	vst v0  }
0xa: {  	[tilespmem:$0x330] =	vst v0  }
0xb: {  	[tilespmem:$0x340] =	vst v0  }
0xc: {  	[tilespmem:$0x350] =	vst v0  }
0xd: {  	[tilespmem:$0x360] =	vst v0  }
0xe: {  	[tilespmem:$0x370] =	vst v0  }
0xf: {  	[tilespmem:$0x280] =	vst v0  }
0x10: {  	[tilespmem:$0x4F0] =	vst v0  }
0x11: {  	[tilespmem:$0x4E0] =	vst v0  }
0x12: {  	[tilespmem:$0x4D0] =	vst v0  }
0x13: {  	[tilespmem:$0x4C0] =	vst v0  }
0x14: {  	[tilespmem:$0x4B0] =	vst v0  }
0x15: {  	[tilespmem:$0x4A0] =	vst v0  }
0x16: {  	[tilespmem:$0x490] =	vst v0  }
0x17: {  	[tilespmem:$0x480] =	vst v0  }
0x18: {  	[tilespmem:$0x470] =	vst v0  }
0x19: {  	[tilespmem:$0x460] =	vst v0  }
0x1a: {  	[tilespmem:$0x450] =	vst v0  }
0x1b: {  	[tilespmem:$0x440] =	vst v0  }
0x1c: {  	[tilespmem:$0x430] =	vst v0  }
0x1d: {  	[tilespmem:$0x420] =	vst v0  }
0x1e: {  	[tilespmem:$0x410] =	vst v0  }
0x1f: {  	[tilespmem:$0x400] =	vst v0  }
0x20: {  	[tilespmem:$0x3F0] =	vst v0  }
0x21: {  	[tilespmem:$0x3E0] =	vst v0  }
0x22: {  	[tilespmem:$0x3D0] =	vst v0  }
0x23: {  	[tilespmem:$0x3C0] =	vst v0  }
0x24: {  	[tilespmem:$0x3B0] =	vst v0  }
0x25: {  	[tilespmem:$0x3A0] =	vst v0  }
0x26: {  	[tilespmem:$0x390] =	vst v0  }
0x27: {  	[tilespmem:$0x380] =	vst v0  }
0x28: {  	s3 =	stileid.u32;
	[tilespmem:$0x2D0] =	vst v0  }
0x29: {  	s4 =	smul.u32 $0xA00, s3;
	[tilespmem:$0x2C0] =	vst v0  }
0x2a: {  	[tilespmem:$0x2B0] =	vst v0  }
0x2b: {  	[tilespmem:$0x2A0] =	vst v0;
	s4 =	sshrl.u32 s4, $0x2  }
0x2c: {  	s5 =	simm.s32 $0x280;
	[tilespmem:$0x290] =	vst v0;
	s6 =	sadd.s32 s4, s1;
	s4 =	simm.s32 $0x1  }
0x2d: {  	[spmem:s6] =	stream.linear.scatter [tilespmem:s5], [sflag:$0x1], $0x280, $0x38;
	[tilespmem:$0x780] =	vst v63  }
0x2e: {  	_ =	swait.ge [sflag:s4], $0x280  }
0x2f: {  	[sflag:s4] =	ssyncset.done $0x0  }
0x30: {  	s8 =	srdreg.scid;
	v1 =	vimm.f32 $1.000000000e+00;
	[sflag:s4] =	ssyncadd.s32 $0xFFFFFD80  }
0x31: {  	s14 =	sand.u32 $0x1, s8;
	[tilespmem:$0x240] =	vst v1  }
0x32: {  	s8 =	sshll.u32 s14, $0x6;
	[tilespmem:$0x230] =	vst v1  }
0x33: {  	s31 =	sshll.u32 s3, $0x7;
	s7 =	sadd.s32 s8, s7;
	[tilespmem:$0x220] =	vst v1  }
0x34: {  	s7 =	sadd.s32 s31, s7;
	[tilespmem:$0x200] =	vst v1  }
0x35: {  	s7 =	sadd.s32 $0x4000, s7;
	[tilespmem:$0x210] =	vst v1  }
0x36: {  	[tilespmem:s2], [sflag:$0x1] =	stream.linear.gather [hbm4b:s7+s2], $0x200, $0x38;
	[tilespmem:$0x780] =	vst v63  }
0x37: {  	_ =	swait.ge [sflag:s4], $0x200  }
0x38: {  	[sflag:s4] =	ssyncset.done $0x0  }
0x39: {  	[sflag:s4] =	ssyncadd.s32 $0xFFFFFE00  }
0x3a: {  	s9 =	simm.s32 $0x200;
	s8 =	simm.s32 $0x50;
	[bflag:$0x0] =	sbarrier.arrive $0xFFFF  }
0x3b: {  	[spmem:s1] =	stream.indirect.scatter.add.f32 [tilespmem:s9], [sflag:$0x1], $0x1, s2, s8, $0xb8;
	[tilespmem:$0x780] =	vst v63  }
0x3c: {  	_ =	swait.ge [sflag:s4], $0x50  }
0x3d: {  	[sflag:s4] =	ssyncset.done $0x0  }
0x3e: {  	s10 =	simm.s32 $0x80;
	[sflag:s4] =	ssyncadd.s32 $0xFFFFFFB0  }
0x3f: {  	[spmem:s1] =	stream.indirect.scatter.add.f32 [tilespmem:s9], [sflag:$0x1], $0x1, s10, s8, $0xb8;
	[tilespmem:$0x780] =	vst v63  }
0x40: {  	_ =	swait.ge [sflag:s4], $0x50  }
0x41: {  	[sflag:s4] =	ssyncset.done $0x0  }
0x42: {  	s11 =	simm.s32 $0x100;
	[sflag:s4] =	ssyncadd.s32 $0xFFFFFFB0  }
0x43: {  	[spmem:s1] =	stream.indirect.scatter.add.f32 [tilespmem:s9], [sflag:$0x1], $0x1, s11, s8, $0xb8;
	[tilespmem:$0x780] =	vst v63  }
0x44: {  	s15 =	ssub.s32 $0x2, s14;
	_ =	swait.ge [sflag:s4], $0x50  }
0x45: {  	s16 =	sshrl.u32 s15, $0x1;
	[sflag:s4] =	ssyncset.done $0x0  }
0x46: {  	s12 =	simm.s32 $0x180;
	s15 =	ssub.s32 s15, s16;
	[sflag:s4] =	ssyncadd.s32 $0xFFFFFFB0  }
0x47: {  	[spmem:s1] =	stream.indirect.scatter.add.f32 [tilespmem:s9], [sflag:$0x1], $0x1, s12, s8, $0xb8;
	[tilespmem:$0x780] =	vst v63  }
0x48: {  	s15 =	smax.u32 s15, $0x1;
	_ =	swait.ge [sflag:s4], $0x50  }
0x49: {  	s17 =	smul.u32 $0x500, s3;
	p0 =	sne.s32 s15, $0x1;
	[sflag:s4] =	ssyncset.done $0x0  }
.Ltmp0:
0x4a: {  	s14 =	sshll.u32 s14, $0x7;
	[sflag:s4] =	ssyncadd.s32 $0xFFFFFFB0;
	(pc) =	sbr.rel @!p0 .LBB2_2-.Ltmp0, $4  }
0x4b: {  	s14 =	sor.u32 s14, s17;
	[bflag:$0x0] =	sbarrier.arrive $0xFFFF  }
0x4c: {  	[tilespmem:s5], [sflag:$0x1] =	stream.linear.gather [spmem:s6], $0x280, $0x38;
	[tilespmem:$0x780] =	vst v63  }
0x4d: {  	s14 =	sshrl.u32 s14, $0x3;
	_ =	swait.ge [sflag:s4], $0x280  }
0x4e: {  	s13 =	sadd.s32 s13, s14;
	s14 =	sadd.s32 $0xFFFFFFFF, s15;
	[sflag:s4] =	ssyncset.done $0x0  }
.LBB2_1:
0x4f: {  	p0 =	sne.s32 s14, $0x1;
	s14 =	sadd.s32 $0xFFFFFFFF, s14;
	[sflag:s4] =	ssyncadd.s32 $0xFFFFFD80  }
0x50: {  	[hbm4b:s13+s10] =	stream.strided.scatter [tilespmem:s5], [sflag:$0x1], $0x280, s11, s10, $0x38;
	[tilespmem:$0x780] =	vst v63  }
0x51: {  	_ =	swait.ge [sflag:s4], $0x280  }
0x52: {  	[sflag:s4] =	ssyncset.done $0x0  }
0x53: {  	[sflag:s4] =	ssyncadd.s32 $0xFFFFFD80  }
0x54: {  	[tilespmem:$0x2E0] =	vst v0  }
0x55: {  	[tilespmem:$0x2F0] =	vst v0  }
0x56: {  	[tilespmem:$0x300] =	vst v0  }
0x57: {  	[tilespmem:$0x310] =	vst v0  }
0x58: {  	[tilespmem:$0x320] =	vst v0  }
0x59: {  	[tilespmem:$0x330] =	vst v0  }
0x5a: {  	[tilespmem:$0x340] =	vst v0  }
0x5b: {  	[tilespmem:$0x350] =	vst v0  }
0x5c: {  	[tilespmem:$0x360] =	vst v0  }
0x5d: {  	[tilespmem:$0x370] =	vst v0  }
0x5e: {  	[tilespmem:$0x280] =	vst v0  }
0x5f: {  	[tilespmem:$0x4F0] =	vst v0  }
0x60: {  	[tilespmem:$0x4E0] =	vst v0  }
0x61: {  	[tilespmem:$0x4D0] =	vst v0  }
0x62: {  	[tilespmem:$0x4C0] =	vst v0  }
0x63: {  	[tilespmem:$0x4B0] =	vst v0  }
0x64: {  	[tilespmem:$0x4A0] =	vst v0  }
0x65: {  	[tilespmem:$0x490] =	vst v0  }
0x66: {  	[tilespmem:$0x480] =	vst v0  }
0x67: {  	[tilespmem:$0x470] =	vst v0  }
0x68: {  	[tilespmem:$0x460] =	vst v0  }
0x69: {  	[tilespmem:$0x450] =	vst v0  }
0x6a: {  	[tilespmem:$0x440] =	vst v0  }
0x6b: {  	[tilespmem:$0x430] =	vst v0  }
0x6c: {  	[tilespmem:$0x420] =	vst v0  }
0x6d: {  	[tilespmem:$0x410] =	vst v0  }
0x6e: {  	[tilespmem:$0x400] =	vst v0  }
0x6f: {  	[tilespmem:$0x3F0] =	vst v0  }
0x70: {  	[tilespmem:$0x3E0] =	vst v0  }
0x71: {  	[tilespmem:$0x3D0] =	vst v0  }
0x72: {  	[tilespmem:$0x3C0] =	vst v0  }
0x73: {  	[tilespmem:$0x3B0] =	vst v0  }
0x74: {  	[tilespmem:$0x3A0] =	vst v0  }
0x75: {  	[tilespmem:$0x390] =	vst v0  }
0x76: {  	[tilespmem:$0x380] =	vst v0  }
0x77: {  	[tilespmem:$0x2D0] =	vst v0  }
0x78: {  	[tilespmem:$0x2C0] =	vst v0  }
0x79: {  	[tilespmem:$0x2B0] =	vst v0  }
0x7a: {  	[tilespmem:$0x2A0] =	vst v0  }
0x7b: {  	[tilespmem:$0x290] =	vst v0  }
0x7c: {  	[spmem:s6] =	stream.linear.scatter [tilespmem:s5], [sflag:$0x1], $0x280, $0x38;
	[tilespmem:$0x780] =	vst v63  }
0x7d: {  	_ =	swait.ge [sflag:s4], $0x280  }
0x7e: {  	[sflag:s4] =	ssyncset.done $0x0  }
0x7f: {  	[sflag:s4] =	ssyncadd.s32 $0xFFFFFD80  }
0x80: {  	[tilespmem:$0x240] =	vst v1  }
0x81: {  	[tilespmem:$0x230] =	vst v1  }
0x82: {  	[tilespmem:$0x220] =	vst v1  }
0x83: {  	[tilespmem:$0x200] =	vst v1  }
0x84: {  	[tilespmem:$0x210] =	vst v1  }
0x85: {  	[tilespmem:s2], [sflag:$0x1] =	stream.linear.gather [hbm4b:s7+s2], $0x200, $0x38;
	[tilespmem:$0x780] =	vst v63  }
0x86: {  	_ =	swait.ge [sflag:s4], $0x200  }
0x87: {  	[sflag:s4] =	ssyncset.done $0x0  }
0x88: {  	[sflag:s4] =	ssyncadd.s32 $0xFFFFFE00  }
0x89: {  	[bflag:$0x0] =	sbarrier.arrive $0xFFFF  }
0x8a: {  	[spmem:s1] =	stream.indirect.scatter.add.f32 [tilespmem:s9], [sflag:$0x1], $0x1, s2, s8, $0xb8;
	[tilespmem:$0x780] =	vst v63  }
0x8b: {  	_ =	swait.ge [sflag:s4], $0x50  }
0x8c: {  	[sflag:s4] =	ssyncset.done $0x0  }
0x8d: {  	[sflag:s4] =	ssyncadd.s32 $0xFFFFFFB0  }
0x8e: {  	[spmem:s1] =	stream.indirect.scatter.add.f32 [tilespmem:s9], [sflag:$0x1], $0x1, s10, s8, $0xb8;
	[tilespmem:$0x780] =	vst v63  }
0x8f: {  	_ =	swait.ge [sflag:s4], $0x50  }
0x90: {  	[sflag:s4] =	ssyncset.done $0x0  }
0x91: {  	[sflag:s4] =	ssyncadd.s32 $0xFFFFFFB0  }
0x92: {  	[spmem:s1] =	stream.indirect.scatter.add.f32 [tilespmem:s9], [sflag:$0x1], $0x1, s11, s8, $0xb8;
	[tilespmem:$0x780] =	vst v63  }
0x93: {  	_ =	swait.ge [sflag:s4], $0x50  }
0x94: {  	[sflag:s4] =	ssyncset.done $0x0  }
0x95: {  	[sflag:s4] =	ssyncadd.s32 $0xFFFFFFB0  }
0x96: {  	[spmem:s1] =	stream.indirect.scatter.add.f32 [tilespmem:s9], [sflag:$0x1], $0x1, s12, s8, $0xb8;
	[tilespmem:$0x780] =	vst v63  }
0x97: {  	_ =	swait.ge [sflag:s4], $0x50  }
0x98: {  	[sflag:s4] =	ssyncset.done $0x0  }
.Ltmp1:
0x99: {  	[sflag:s4] =	ssyncadd.s32 $0xFFFFFFB0;
	(pc) =	sbr.rel @p0 .LBB2_1-.Ltmp1, $4  }
0x9a: {  	[bflag:$0x0] =	sbarrier.arrive $0xFFFF  }
0x9b: {  	[tilespmem:s5], [sflag:$0x1] =	stream.linear.gather [spmem:s6], $0x280, $0x38;
	[tilespmem:$0x780] =	vst v63  }
0x9c: {  	_ =	swait.ge [sflag:s4], $0x280  }
0x9d: {  	[sflag:s4] =	ssyncset.done $0x0  }
.LBB2_2:
0x9e: {  	[sflag:s4] =	ssyncadd.s32 $0xFFFFFD80  }
0x9f: {  	[hbm4b:s13+s10] =	stream.strided.scatter [tilespmem:s5], [sflag:$0x1], $0x280, s11, s10, $0x38;
	[tilespmem:$0x780] =	vst v63  }
0xa0: {  	_ =	swait.ge [sflag:s4], $0x280  }
0xa1: {  	[sflag:s4] =	ssyncset.done $0x0  }
0xa2: {  	[sflag:s4] =	ssyncadd.s32 $0xFFFFFD80  }
0xa3: {  	_ =	sfence.sel $0x180000  }
0xa4: {  	[bflag:$0x0] =	sbarrier.arrive $0xFFFF  }
0xa5: {  	p0 =	sne.s32 s3, $0x0;
	_ =	strace $0x90000047  }
0xa6: {  	s0 =	sadd.s32 @!p0 $0x100000, s0;
	[bflag:$0x2] =	sbarrier.arrive $0xFFFF  }
0xa7: {  	[sflag:s0] =	ssyncadd.tile.s32 @!p0 $0x1;
	_ =	shalt  }
.Lfunc_end2:
_tile_overlayer_lowered:
.L_overlay_start_2:
0xa8: {  	(tag) =	ssettag $0x2  }
0xa9: {  	s0 =	rddreg [dreg:$0x0];
	s2 =	stileid.u32  }
0xaa: {  	s1 =	rddreg [dreg:$0x1];
	p0 =	sne.s32 s2, $0x0  }
0xab: {  	s3 =	rddreg [dreg:$0x2];
	[bflag:$0x3] =	sbarrier.arrive $0xFFFF;
	s2 =	simm.s32 @!p0 $0x1C01  }
0xac: {  	[timem:s3], [sflag:s2] =	dma.local @!p0 [hbm:s0], s1  }
0xad: {  	s0 =	simm.s32 @!p0 $0x1  }
0xae: {  	_ =	swait.ge @!p0 [sflag:s0], s1  }
0xaf: {  	s1 =	ssub.s32 @!p0 $0x0, s1;
	[sflag:s0] =	ssyncset.done @!p0 $0x0  }
0xb0: {  	[sflag:s0] =	ssyncadd.s32 @!p0 s1  }
0xb1: {  	[bflag:$0x3] =	sbarrier.arrive $0xFFFF  }
0xb2: {  	_ =	shalt  }

// kernel: kernel.13.cloned.1.call-start
scs
__scs_entry_jumppad:
0x0: {  	(pc) =	sbr.rel $0x88, $3  }
0x1: {  	(tag) =	ssettag $0x0;
	lr =	simm.s32 $0x1  }
0x2: {  	[smem:$0x3F90] =	sst lr;
	_ =	strace $0xD0000000  }
0x3: {  	_ = 	snop  }
0x4: {  	_ = 	snop  }
0x5: {  	_ = 	snop  }
0x6: {  	_ = 	snop  }
0x7: {  	_ = 	snop  }
__scs_overlays_trampoline_lowered:
0x8: {  	[smem:$0x3F9F] =	sst s0  }
0x9: {  	[smem:$0x3FA0] =	sst s1  }
0xa: {  	[smem:$0x3FA1] =	sst s2  }
0xb: {  	[smem:$0x3FA2] =	sst s3  }
0xc: {  	[smem:$0x3FA3] =	sst s4  }
0xd: {  	[smem:$0x3FA4] =	sst s5  }
0xe: {  	[smem:$0x3FA5] =	sst s6  }
0xf: {  	[smem:$0x3FA6] =	sst s7  }
0x10: {  	[smem:$0x3FA7] =	sst s8  }
0x11: {  	[smem:$0x3FA8] =	sst s9;
	s0 =	simm.s32 @!p0 $0x0  }
0x12: {  	s1 =	sld [smem:$0x3F8E];
	s0 =	simm.s32 @p0 $0x1  }
0x13: {  	[smem:$0x3FA9] =	sst s0;
	s0 =	simm.s32 @!p1 $0x0  }
0x14: {  	s2 =	sld [smem:$0x3F8D];
	s0 =	simm.s32 @p1 $0x1  }
0x15: {  	[smem:$0x3FAA] =	sst s0;
	s0 =	simm.s32 @!p2 $0x0  }
0x16: {  	s3 =	sld [smem:$0x3FDB];
	s0 =	simm.s32 @p2 $0x1  }
0x17: {  	s4 =	simm.s32 $0x1BF5;
	[smem:$0x3FAC] =	sst s0  }
0x18: {  	s0 =	sld [smem:$0x3F8F];
	_ =	swait.ge [sflag:s4], $0x0  }
0x19: {  	s7 =	sld [smem:$0x3F90]  }
0x1a: {  	s8 =	sadd.s32 $0xFFFFE003, lr  }
0x1b: {  	s9 =	sadd.s32 $0xFFFFFEF7, lr;
	s5 =	simm.s32 $0xFFFFFFFF;
	p2 =	slt.u32 s8, $0xFFFFF086  }
0x1c: {  	p1 =	slt.u32 s9, $0xF7A;
	s5 =	simm.s32 @!p2 $0x0  }
0x1d: {  	s5 =	simm.s32 @p1 $0x1;
	p0 =	seq.s32 s7, s2  }
0x1e: {  	s7 =	smul.u32 @!p0 $0xF7A, s2;
	p2 =	seq.s32 @!p0 s5, $0x0  }
0x1f: {  	s9 =	smul.u32 $0xF7A, s1;
	s8 =	simm.s32 @!p0 $0x1BF5;
	p2 =	por !p2, p0  }
0x20: {  	[sflag:s8] =	ssyncset.s32 @!p0 $0xFFFFF086;
	s6 =	sadd.s32 @!p0 s3, s7;
	s7 =	simm.s32 @!p0 $0x108  }
0x21: {  	s3 =	sadd.s32 s3, s9;
	s6 =	sadd.s32 @!p0 $0x88, s6;
	s7 =	simm.s32 @p2 $0x1082  }
0x22: {  	[simem:s7], [sflag:s8] =	dma.local @!p0 [hbm:s6], $0xF7A  }
0x23: {  	s9 =	sor.u32 $0xD0000000, s2;
	s6 =	simm.s32 $0x108;
	_ =	swait.ge @!p0 [sflag:s8], $0x0  }
0x24: {  	s3 =	sadd.s32 $0x88, s3;
	s6 =	simm.s32 @!p1 $0x1082;
	[sflag:s4] =	ssyncset.s32 $0xFFFFF086  }
0x25: {  	[simem:s6], [sflag:s4] =	dma.local [hbm:s3], $0xF7A  }
0x26: {  	[smem:$0x3F90] =	sst s1;
	(tag) =	ssettag s2;
	_ =	strace s9  }
0x27: {  	s1 =	sld [smem:$0x3FA0]  }
0x28: {  	s2 =	sld [smem:$0x3FA1]  }
0x29: {  	s4 =	sld [smem:$0x3FA3]  }
0x2a: {  	p0 =	seq.s32 s5, $0x0;
	s5 =	sld [smem:$0x3FA4]  }
0x2b: {  	s6 =	sld [smem:$0x3FA5]  }
0x2c: {  	s7 =	sld [smem:$0x3FA6]  }
0x2d: {  	s3 =	simm.s32 $0x108;
	s8 =	sld [smem:$0x3FA7]  }
0x2e: {  	s3 =	simm.s32 @!p0 $0x1082;
	s9 =	sld [smem:$0x3FA8]  }
0x2f: {  	lr =	sadd.s32 s0, s3;
	s0 =	sld [smem:$0x3F9F]  }
0x30: {  	s3 =	sld [smem:$0x3FA2]  }
0x31: {  	[smem:$0x3FAB] =	sst s10  }
0x32: {  	s10 =	sld [smem:$0x3FA9];
	_ =	sdelay $0x3  }
0x33: {  	p0 =	seq.s32 s10, $0x1;
	s10 =	sld [smem:$0x3FAB];
	_ =	sdelay $0x3  }
0x34: {  	[smem:$0x3FAB] =	sst s10  }
0x35: {  	s10 =	sld [smem:$0x3FAA];
	_ =	sdelay $0x3  }
0x36: {  	p1 =	seq.s32 s10, $0x1;
	s10 =	sld [smem:$0x3FAB];
	_ =	sdelay $0x3  }
0x37: {  	[smem:$0x3FAB] =	sst s10  }
0x38: {  	s10 =	sld [smem:$0x3FAC]  }
0x39: {  	_ = 	snop;
	(pc) =	sbr.ind lr, $3  }
0x3a: {  	_ = 	snop  }
0x3b: {  	_ = 	snop  }
0x3c: {  	p2 =	seq.s32 s10, $0x1;
	s10 =	sld [smem:$0x3FAB]  }
0x3d: {  	_ =	shalt  }
0x3e: {  	_ =	shalt  }
0x3f: {  	_ =	shalt  }
0x40: {  	_ =	shalt  }
0x41: {  	_ =	shalt  }
0x42: {  	_ =	shalt  }
0x43: {  	_ =	shalt  }
0x44: {  	_ =	shalt  }
0x45: {  	_ =	shalt  }
0x46: {  	_ =	shalt  }
0x47: {  	_ =	shalt  }
0x48: {  	_ =	shalt  }
0x49: {  	_ =	shalt  }
0x4a: {  	_ =	shalt  }
0x4b: {  	_ =	shalt  }
0x4c: {  	_ =	shalt  }
0x4d: {  	_ =	shalt  }
0x4e: {  	_ =	shalt  }
0x4f: {  	_ =	shalt  }
0x50: {  	_ =	shalt  }
0x51: {  	_ =	shalt  }
0x52: {  	_ =	shalt  }
0x53: {  	_ =	shalt  }
0x54: {  	_ =	shalt  }
0x55: {  	_ =	shalt  }
0x56: {  	_ =	shalt  }
0x57: {  	_ =	shalt  }
0x58: {  	_ =	shalt  }
0x59: {  	_ =	shalt  }
0x5a: {  	_ =	shalt  }
0x5b: {  	_ =	shalt  }
0x5c: {  	_ =	shalt  }
0x5d: {  	_ =	shalt  }
0x5e: {  	_ =	shalt  }
0x5f: {  	_ =	shalt  }
0x60: {  	_ =	shalt  }
0x61: {  	_ =	shalt  }
0x62: {  	_ =	shalt  }
0x63: {  	_ =	shalt  }
0x64: {  	_ =	shalt  }
0x65: {  	_ =	shalt  }
0x66: {  	_ =	shalt  }
0x67: {  	_ =	shalt  }
0x68: {  	_ =	shalt  }
0x69: {  	_ =	shalt  }
0x6a: {  	_ =	shalt  }
0x6b: {  	_ =	shalt  }
0x6c: {  	_ =	shalt  }
0x6d: {  	_ =	shalt  }
0x6e: {  	_ =	shalt  }
0x6f: {  	_ =	shalt  }
0x70: {  	_ =	shalt  }
0x71: {  	_ =	shalt  }
0x72: {  	_ =	shalt  }
0x73: {  	_ =	shalt  }
0x74: {  	_ =	shalt  }
0x75: {  	_ =	shalt  }
0x76: {  	_ =	shalt  }
0x77: {  	_ =	shalt  }
0x78: {  	_ =	shalt  }
0x79: {  	_ =	shalt  }
0x7a: {  	_ =	shalt  }
0x7b: {  	_ =	shalt  }
0x7c: {  	_ =	shalt  }
0x7d: {  	_ =	shalt  }
0x7e: {  	_ =	shalt  }
0x7f: {  	_ =	shalt  }
0x80: {  	_ =	shalt  }
0x81: {  	_ =	shalt  }
0x82: {  	_ =	shalt  }
0x83: {  	_ =	shalt  }
0x84: {  	_ =	shalt  }
0x85: {  	_ =	shalt  }
0x86: {  	_ =	shalt  }
0x87: {  	_ =	shalt  }
.Lfunc_end0:
.L_simem_size_0:
called_computation.1_lowered:
.L_overlay_start_0:
0x88: {  	s2 =	sld [smem:$0x3FD9]  }
0x89: {  	s3 =	sld [smem:$0x3FFE];
	_ =	sdelay $0x1  }
0x8a: {  	s1 =	srdreg.scid  }
0x8b: {  	s0 =	sand.u32 $0x1, s1  }
0x8c: {  	s16 =	sshll.u32 s0, $0xA;
	s2 =	sadd.s32 s3, s2  }
0x8d: {  	s2 =	sadd.s32 s2, s16  }
0x8e: {  	[smem:$0x3FB7] =	sst s2  }
0x8f: {  	_ = 	snop  }
0x90: {  	(tm) =	ssettm $0x1  }
0x91: {  	s17 =	sld [smem:$0x3FFB];
	_ =	sdelay $0x3  }
0x92: {  	_ =	strace s17  }
0x93: {  	s2 =	sld [smem:$0x3FFC];
	_ =	sdelay $0x3  }
0x94: {  	_ =	strace s2  }
0x95: {  	s2 =	sld [smem:$0x3FFD];
	_ =	sdelay $0x3  }
0x96: {  	_ =	strace s2  }
0x97: {  	_ =	strace $0x8FFFFFFF  }
0x98: {  	s18 =	sld [smem:$0x3FDB];
	_ =	sdelay $0x1  }
0x99: {  	s19 =	simm.s32 $_scs_section_size  }
0x9a: {  	s4 =	simm.s32 $_size__tile_overlayer_lowered;
	s5 =	simm.s32 $_tile_overlayer_lowered  }
0x9b: {  	s22 =	simm.s32 $0x1BFF;
	s21 =	sshll.u32 s5, $0x1;
	s2 =	sadd.s32 s19, s18  }
0x9c: {  	s6 =	simm.s32 $0x0;
	s20 =	sshll.u32 s4, $0x1;
	s4 =	sadd.s32 s21, s2  }
0x9d: {  	[timem:s6], [sflag:s22] =	dma.local [hbm:s4], s20  }
0x9e: {  	_ =	swait.ge [sflag:s22], s20  }
0x9f: {  	s3 =	ssub.s32 $0x0, s20;
	[sflag:s22] =	ssyncset.done $0x0  }
0xa0: {  	[sflag:s22] =	ssyncadd.s32 s3;
	_ =	sdelay $0x1  }
0xa1: {  	s23 =	simm.s32 $0x1B8B  }
0xa2: {  	_ =	swait.ge [sflag:s23], $0x1  }
0xa3: {  	[sflag:s23] =	ssyncset.done $0x0  }
0xa4: {  	s25 =	simm.s32 $0x1B8E;
	s24 =	sld [smem:$0x3FFE];
	[sflag:s23] =	ssyncadd.s32 $0xFFFFFFFF  }
0xa5: {  	s26 =	simm.s32 $execute0_lowered;
	[smem:$0x3FD2] =	sst s25  }
0xa6: {  	s4 =	sshll.u32 s26, $0x1;
	_ =	strace $0x80000049;
	[dreg:$0x1] =	wrdreg $0xFFFFFFFF  }
0xa7: {  	s28 =	simm.s32 $_size_execute0_lowered;
	s2 =	sadd.s32 s2, s4;
	[dreg:$0x0] =	wrdreg $0x0  }
0xa8: {  	s4 =	sshll.u32 s28, $0x1;
	[dreg:$0x2] =	wrdreg s2  }
0xa9: {  	[dreg:$0x3] =	wrdreg s4  }
0xaa: {  	[dreg:$0x4] =	wrdreg $0xC0  }
0xab: {  	_ =	task [dreg:s6], $0x5FFFF  }
0xac: {  	[dreg:$0x1] =	wrdreg $0xFFFFFFFF  }
0xad: {  	[dreg:$0x0] =	wrdreg $0x60  }
0xae: {  	[dreg:$0x2] =	wrdreg s24  }
0xaf: {  	[dreg:$0x3] =	wrdreg $0x54000  }
0xb0: {  	[dreg:$0x4] =	wrdreg $0x9  }
0xb1: {  	_ =	task.clear_ibuf [dreg:s6], $0x5FFFF;
	_ =	strace $0x90000049  }
0xb2: {  	s29 =	simm.s32 $0x9;
	_ =	strace $0x8000004B  }
0xb3: {  	_ =	swait.ge [sflag:s29], $0x1  }
0xb4: {  	[sflag:s29] =	ssyncadd.s32 $0xFFFFFFFF  }
0xb5: {  	_ =	strace $0x9000004B  }
0xb6: {  	_ =	sfence  }
0xb7: {  	s30 =	sld [smem:$0x0];
	_ =	sdelay $0x2  }
0xb8: {  	s31 =	sshll.u32 s1, $0xD;
	s1 =	sshrl.u32 s1, $0x2  }
0xb9: {  	s3 =	sand.u32 $0x4000, s31;
	s1 =	sadd.s32 s1, s30  }
0xba: {  	s0 =	sor.u32 s3, s0;
	s1 =	sshll.u32 s1, $0x11  }
0xbb: {  	s0 =	sor.u32 s1, s0  }
0xbc: {  	s0 =	sadd.s32 $0x8F2B, s0  }
0xbd: {  	[sflag:s0] =	ssyncadd.remote.s32 $0x1  }
0xbe: {  	_ =	sfence.sel $0xFFFF  }
0xbf: {  	[dreg:$0x0] =	wrdreg $0xFFFFFFFF;
	(pc) =	sbr.abs _section_cstart, $3  }
0xc0: {  	[dreg:$0x1] =	wrdreg $0xFFFFFFFF  }
0xc1: {  	_ =	task.clear_ibuf [dreg:s6], $0x2FFFF;
	_ =	strace $0x9FFFFFFF  }
0xc2: {  	(tm) =	ssettm $0x7FFFFFFF  }
0xc3: {  	_ =	shalt  }
tec
execute0_lowered:
.L_overlay_start_1:
0x0: {  	(tag) =	ssettag $0x1  }
0x1: {  	s0 =	rddreg [dreg:$0x0]  }
0x2: {  	s2 =	rddreg [dreg:$0x1];
	s1 =	srdreg.scid  }
0x3: {  	s3 =	simm.s32 $0x0;
	s10 =	stileid.u32;
	s28 =	simm.s32 $0x50  }
0x4: {  	s30 =	simm.s32 $0x2C00;
	s31 =	simm.s32 $0x1;
	s29 =	simm.s32 $0x0  }
0x5: {  	s1 =	sand.u32 $0x1, s1;
	[smem:$0x7FF] =	sst s3;
	s4 =	sshll.u32 s10, $0x7  }
0x6: {  	s8 =	smul.u32 $0x50000, s10;
	s5 =	sshll.u32 s1, $0x6;
	_ =	strace $0x8000004A  }
0x7: {  	s6 =	ssub.s32 $0x2, s1;
	s1 =	smul.u32 $0x140000, s1;
	s5 =	sor.u32 s5, s4  }
0x8: {  	s4 =	sadd.s32 $0x4800, s0;
	s7 =	sshrl.u32 s6, $0x1;
	s5 =	sadd.s32 s5, s0  }
0x9: {  	s16 =	sshrl.u32 s8, $0x2;
	s0 =	sadd.s32 $0x7A400, s0;
	s15 =	sadd.s32 $0x79C00, s5  }
0xa: {  	s9 =	ssub.s32 s6, s7;
	[dreg:$0x3] =	wrdreg s15;
	s15 =	smul.u32 $0x14000, s10  }
0xb: {  	s7 =	sadd.s32 s16, s2;
	s6 =	sadd.s32 $0x4000, s5;
	s8 =	smax.u32 s9, $0x1  }
0xc: {  	s17 =	sor.u32 $0x2800, s15;
	s18 =	sadd.s32 $0x5000, s15;
	s19 =	sadd.s32 $0x7800, s15  }
0xd: {  	s20 =	sadd.s32 $0xA000, s15;
	s21 =	sadd.s32 $0xC800, s15;
	s22 =	sadd.s32 $0xF000, s15  }
0xe: {  	s16 =	sadd.s32 s1, s15;
	s23 =	sadd.s32 $0x11800, s15;
	s9 =	sadd.s32 s17, s2  }
0xf: {  	s10 =	sadd.s32 s18, s2;
	s11 =	sadd.s32 s19, s2;
	s12 =	sadd.s32 s20, s2  }
0x10: {  	s13 =	sadd.s32 s21, s2;
	s14 =	sadd.s32 s22, s2;
	s16 =	sshrl.u32 s16, $0x3  }
0x11: {  	s5 =	sadd.s32 s1, s17;
	s15 =	sadd.s32 s23, s2;
	s18 =	sadd.s32 s1, s18  }
0x12: {  	s19 =	sadd.s32 s1, s19;
	s20 =	sadd.s32 s1, s20;
	s25 =	sadd.s32 s1, s21  }
0x13: {  	s26 =	sadd.s32 s1, s22;
	s1 =	sadd.s32 s1, s23;
	s16 =	sadd.s32 s0, s16  }
0x14: {  	s5 =	sshrl.u32 s5, $0x3;
	s19 =	sshrl.u32 s19, $0x3;
	s24 =	sshrl.u32 s20, $0x3  }
0x15: {  	s22 =	sshrl.u32 s26, $0x3;
	s1 =	sshrl.u32 s1, $0x3;
	s26 =	simm.s32 $0x200  }
0x16: {  	s17 =	sadd.s32 s0, s5;
	s5 =	sshrl.u32 s18, $0x3;
	s19 =	sadd.s32 s0, s19  }
0x17: {  	s20 =	sadd.s32 s0, s24;
	s22 =	sadd.s32 s0, s22;
	s23 =	sadd.s32 s0, s1  }
0x18: {  	s24 =	simm.s32 $0x400;
	s18 =	sadd.s32 s0, s5;
	s5 =	sshrl.u32 s25, $0x3  }
0x19: {  	v0 =	vimm.f32 $0.0e+00;
	s1 =	simm.s32 $0x2;
	s25 =	simm.s32 $0x3;
	s21 =	sadd.s32 s0, s5  }
.LBB2_1:
0x1a: {  	s0 =	simm.s32 $0x70;
	s5 =	simm.s32 $0x3C0  }
.LBB2_2:
0x1b: {  	p0 =	sne.s32 s5, $0x9FC0;
	[tilespmem:s0+$0x400] =	vst v0  }
0x1c: {  	[tilespmem:s0+$0x390] =	vst v0  }
0x1d: {  	[tilespmem:s0+$0x3A0] =	vst v0  }
.Ltmp0:
0x1e: {  	[tilespmem:s0+$0x3B0] =	vst v0;
	(pc) =	sbr.rel @p0 .LBB2_2-.Ltmp0, $4  }
0x1f: {  	[tilespmem:s0+$0x3C0] =	vst v0  }
0x20: {  	[tilespmem:s0+$0x3D0] =	vst v0  }
0x21: {  	[tilespmem:s0+$0x3E0] =	vst v0  }
0x22: {  	[tilespmem:s0+$0x3F0] =	vst v0;
	s0 =	sshra.s32 s5, $0x2;
	s5 =	sadd.s32 $0x200, s5  }
0x23: {  	[tilespmem:s0+$0x400] =	vst v0  }
0x24: {  	[tilespmem:s0+$0x390] =	vst v0  }
0x25: {  	[tilespmem:s0+$0x3A0] =	vst v0  }
0x26: {  	[tilespmem:s0+$0x3B0] =	vst v0  }
0x27: {  	[tilespmem:s0+$0x3C0] =	vst v0  }
0x28: {  	[tilespmem:s0+$0x3D0] =	vst v0  }
0x29: {  	[tilespmem:s0+$0x3E0] =	vst v0  }
0x2a: {  	[tilespmem:s0+$0x3F0] =	vst v0  }
0x2b: {  	[spmem:s7] =	stream.linear.scatter [tilespmem:s24], [sflag:$0x3], $0x2800, $0x38;
	[tilespmem:$0x19400] =	vst v63  }
0x2c: {  	_ =	swait.ge [sflag:s25], $0x2800  }
0x2d: {  	[sflag:s25] =	ssyncset.done $0x0  }
0x2e: {  	[sflag:s25] =	ssyncadd.s32 $0xFFFFD800  }
0x2f: {  	[spmem:s9] =	stream.linear.scatter [tilespmem:s24], [sflag:$0x3], $0x2800, $0x38;
	[tilespmem:$0x19400] =	vst v63  }
0x30: {  	_ =	swait.ge [sflag:s25], $0x2800  }
0x31: {  	[sflag:s25] =	ssyncset.done $0x0  }
0x32: {  	[sflag:s25] =	ssyncadd.s32 $0xFFFFD800  }
0x33: {  	[spmem:s10] =	stream.linear.scatter [tilespmem:s24], [sflag:$0x3], $0x2800, $0x38;
	[tilespmem:$0x19400] =	vst v63  }
0x34: {  	_ =	swait.ge [sflag:s25], $0x2800  }
0x35: {  	[sflag:s25] =	ssyncset.done $0x0  }
0x36: {  	[sflag:s25] =	ssyncadd.s32 $0xFFFFD800  }
0x37: {  	[spmem:s11] =	stream.linear.scatter [tilespmem:s24], [sflag:$0x3], $0x2800, $0x38;
	[tilespmem:$0x19400] =	vst v63  }
0x38: {  	_ =	swait.ge [sflag:s25], $0x2800  }
0x39: {  	[sflag:s25] =	ssyncset.done $0x0  }
0x3a: {  	[sflag:s25] =	ssyncadd.s32 $0xFFFFD800  }
0x3b: {  	[spmem:s12] =	stream.linear.scatter [tilespmem:s24], [sflag:$0x3], $0x2800, $0x38;
	[tilespmem:$0x19400] =	vst v63  }
0x3c: {  	_ =	swait.ge [sflag:s25], $0x2800  }
0x3d: {  	[sflag:s25] =	ssyncset.done $0x0  }
0x3e: {  	[sflag:s25] =	ssyncadd.s32 $0xFFFFD800  }
0x3f: {  	[spmem:s13] =	stream.linear.scatter [tilespmem:s24], [sflag:$0x3], $0x2800, $0x38;
	[tilespmem:$0x19400] =	vst v63  }
0x40: {  	_ =	swait.ge [sflag:s25], $0x2800  }
0x41: {  	[sflag:s25] =	ssyncset.done $0x0  }
0x42: {  	[sflag:s25] =	ssyncadd.s32 $0xFFFFD800  }
0x43: {  	[spmem:s14] =	stream.linear.scatter [tilespmem:s24], [sflag:$0x3], $0x2800, $0x38;
	[tilespmem:$0x19400] =	vst v63  }
0x44: {  	_ =	swait.ge [sflag:s25], $0x2800  }
0x45: {  	[sflag:s25] =	ssyncset.done $0x0  }
0x46: {  	[sflag:s25] =	ssyncadd.s32 $0xFFFFD800  }
0x47: {  	[spmem:s15] =	stream.linear.scatter [tilespmem:s24], [sflag:$0x3], $0x2800, $0x38;
	[tilespmem:$0x19400] =	vst v63  }
0x48: {  	_ =	swait.ge [sflag:s25], $0x2800  }
0x49: {  	[sflag:s25] =	ssyncset.done $0x0  }
0x4a: {  	s5 =	rddreg [dreg:$0x3];
	[sflag:s25] =	ssyncadd.s32 $0xFFFFD800  }
0x4b: {  	[tilespmem:s3], [sflag:$0x3] =	stream.linear.gather [hbm4b:s5+s3], $0x200, $0x38;
	[tilespmem:$0x19400] =	vst v63  }
0x4c: {  	_ =	swait.ge [sflag:s25], $0x200  }
0x4d: {  	[sflag:s25] =	ssyncset.done $0x0  }
0x4e: {  	[sflag:s25] =	ssyncadd.s32 $0xFFFFFE00  }
0x4f: {  	[tilespmem:s26], [sflag:$0x3] =	stream.linear.gather [hbm4b:s6+s3], $0x200, $0x38;
	[tilespmem:$0x19400] =	vst v63  }
0x50: {  	_ =	swait.ge [sflag:s25], $0x200  }
0x51: {  	[sflag:s25] =	ssyncset.done $0x0  }
0x52: {  	[sflag:s25] =	ssyncadd.s32 $0xFFFFFE00  }
0x53: {  	[bflag:$0x0] =	sbarrier.arrive $0xFFFF  }
0x54: {  	[tilespmem:s24], [sflag:$0x1] =	stream.indirect.gather [hbm4b:s4+s28], $0x80, s3, s28, $0xb8;
	[tilespmem:$0x19400] =	vst v63  }
0x55: {  	s5 =	simm.s32 $0x80  }
0x56: {  	[tilespmem:s30], [sflag:$0x2] =	stream.indirect.gather [hbm4b:s4+s28], $0x80, s5, s28, $0xb8;
	[tilespmem:$0x19400] =	vst v63  }
0x57: {  	_ =	swait.ge [sflag:s31], $0x2800  }
0x58: {  	[sflag:s31] =	ssyncset.done $0x0  }
0x59: {  	[sflag:s31] =	ssyncadd.s32 $0xFFFFD800  }
0x5a: {  	[spmem:s2] =	stream.indirect.scatter.add.f32 [tilespmem:s24], [sflag:$0x3], $0x80, s26, s28, $0xb8;
	[tilespmem:$0x19400] =	vst v63  }
0x5b: {  	_ =	swait.ge [sflag:s25], $0x2800  }
0x5c: {  	[sflag:s25] =	ssyncset.done $0x0  }
0x5d: {  	s5 =	simm.s32 $0x100;
	[sflag:s25] =	ssyncadd.s32 $0xFFFFD800  }
0x5e: {  	[tilespmem:s24], [sflag:$0x1] =	stream.indirect.gather [hbm4b:s4+s28], $0x80, s5, s28, $0xb8;
	[tilespmem:$0x19400] =	vst v63  }
0x5f: {  	_ =	swait.ge [sflag:s1], $0x2800  }
0x60: {  	[sflag:s1] =	ssyncset.done $0x0  }
0x61: {  	s5 =	simm.s32 $0x280;
	[sflag:s1] =	ssyncadd.s32 $0xFFFFD800  }
0x62: {  	[spmem:s2] =	stream.indirect.scatter.add.f32 [tilespmem:s30], [sflag:$0x3], $0x80, s5, s28, $0xb8;
	[tilespmem:$0x19400] =	vst v63  }
0x63: {  	_ =	swait.ge [sflag:s25], $0x2800  }
0x64: {  	[sflag:s25] =	ssyncset.done $0x0  }
0x65: {  	s5 =	simm.s32 $0x180;
	[sflag:s25] =	ssyncadd.s32 $0xFFFFD800  }
0x66: {  	[tilespmem:s30], [sflag:$0x2] =	stream.indirect.gather [hbm4b:s4+s28], $0x80, s5, s28, $0xb8;
	[tilespmem:$0x19400] =	vst v63  }
0x67: {  	_ =	swait.ge [sflag:s31], $0x2800  }
0x68: {  	[sflag:s31] =	ssyncset.done $0x0  }
0x69: {  	s5 =	simm.s32 $0x300;
	[sflag:s31] =	ssyncadd.s32 $0xFFFFD800  }
0x6a: {  	[spmem:s2] =	stream.indirect.scatter.add.f32 [tilespmem:s24], [sflag:$0x3], $0x80, s5, s28, $0xb8;
	[tilespmem:$0x19400] =	vst v63  }
0x6b: {  	_ =	swait.ge [sflag:s25], $0x2800  }
0x6c: {  	[sflag:s25] =	ssyncset.done $0x0  }
0x6d: {  	[sflag:s25] =	ssyncadd.s32 $0xFFFFD800  }
0x6e: {  	_ =	swait.ge [sflag:s1], $0x2800  }
0x6f: {  	[sflag:s1] =	ssyncset.done $0x0  }
0x70: {  	s5 =	simm.s32 $0x380;
	[sflag:s1] =	ssyncadd.s32 $0xFFFFD800  }
0x71: {  	[spmem:s2] =	stream.indirect.scatter.add.f32 [tilespmem:s30], [sflag:$0x3], $0x80, s5, s28, $0xb8;
	[tilespmem:$0x19400] =	vst v63  }
0x72: {  	_ =	swait.ge [sflag:s25], $0x2800  }
0x73: {  	[sflag:s25] =	ssyncset.done $0x0  }
0x74: {  	[sflag:s25] =	ssyncadd.s32 $0xFFFFD800  }
0x75: {  	[bflag:$0x0] =	sbarrier.arrive $0xFFFF  }
0x76: {  	[tilespmem:s24], [sflag:$0x3] =	stream.linear.gather [spmem:s7], $0x2800, $0x38;
	[tilespmem:$0x19400] =	vst v63  }
0x77: {  	_ =	swait.ge [sflag:s25], $0x2800  }
0x78: {  	[sflag:s25] =	ssyncset.done $0x0  }
0x79: {  	[sflag:s25] =	ssyncadd.s32 $0xFFFFD800  }
0x7a: {  	[hbm4b:s16+s3] =	stream.linear.scatter [tilespmem:s24], [sflag:$0x3], $0x2800, $0x38;
	[tilespmem:$0x19400] =	vst v63  }
0x7b: {  	_ =	swait.ge [sflag:s25], $0x2800  }
0x7c: {  	[sflag:s25] =	ssyncset.done $0x0  }
0x7d: {  	[sflag:s25] =	ssyncadd.s32 $0xFFFFD800  }
0x7e: {  	[tilespmem:s24], [sflag:$0x3] =	stream.linear.gather [spmem:s9], $0x2800, $0x38;
	[tilespmem:$0x19400] =	vst v63  }
0x7f: {  	_ =	swait.ge [sflag:s25], $0x2800  }
0x80: {  	[sflag:s25] =	ssyncset.done $0x0  }
0x81: {  	[sflag:s25] =	ssyncadd.s32 $0xFFFFD800  }
0x82: {  	[hbm4b:s17+s3] =	stream.linear.scatter [tilespmem:s24], [sflag:$0x3], $0x2800, $0x38;
	[tilespmem:$0x19400] =	vst v63  }
0x83: {  	_ =	swait.ge [sflag:s25], $0x2800  }
0x84: {  	[sflag:s25] =	ssyncset.done $0x0  }
0x85: {  	[sflag:s25] =	ssyncadd.s32 $0xFFFFD800  }
0x86: {  	[tilespmem:s24], [sflag:$0x3] =	stream.linear.gather [spmem:s10], $0x2800, $0x38;
	[tilespmem:$0x19400] =	vst v63  }
0x87: {  	_ =	swait.ge [sflag:s25], $0x2800  }
0x88: {  	[sflag:s25] =	ssyncset.done $0x0  }
0x89: {  	[sflag:s25] =	ssyncadd.s32 $0xFFFFD800  }
0x8a: {  	[hbm4b:s18+s3] =	stream.linear.scatter [tilespmem:s24], [sflag:$0x3], $0x2800, $0x38;
	[tilespmem:$0x19400] =	vst v63  }
0x8b: {  	_ =	swait.ge [sflag:s25], $0x2800  }
0x8c: {  	[sflag:s25] =	ssyncset.done $0x0  }
0x8d: {  	[sflag:s25] =	ssyncadd.s32 $0xFFFFD800  }
0x8e: {  	[tilespmem:s24], [sflag:$0x3] =	stream.linear.gather [spmem:s11], $0x2800, $0x38;
	[tilespmem:$0x19400] =	vst v63  }
0x8f: {  	_ =	swait.ge [sflag:s25], $0x2800  }
0x90: {  	[sflag:s25] =	ssyncset.done $0x0  }
0x91: {  	[sflag:s25] =	ssyncadd.s32 $0xFFFFD800  }
0x92: {  	[hbm4b:s19+s3] =	stream.linear.scatter [tilespmem:s24], [sflag:$0x3], $0x2800, $0x38;
	[tilespmem:$0x19400] =	vst v63  }
0x93: {  	_ =	swait.ge [sflag:s25], $0x2800  }
0x94: {  	[sflag:s25] =	ssyncset.done $0x0  }
0x95: {  	[sflag:s25] =	ssyncadd.s32 $0xFFFFD800  }
0x96: {  	[tilespmem:s24], [sflag:$0x3] =	stream.linear.gather [spmem:s12], $0x2800, $0x38;
	[tilespmem:$0x19400] =	vst v63  }
0x97: {  	_ =	swait.ge [sflag:s25], $0x2800  }
0x98: {  	[sflag:s25] =	ssyncset.done $0x0  }
0x99: {  	[sflag:s25] =	ssyncadd.s32 $0xFFFFD800  }
0x9a: {  	[hbm4b:s20+s3] =	stream.linear.scatter [tilespmem:s24], [sflag:$0x3], $0x2800, $0x38;
	[tilespmem:$0x19400] =	vst v63  }
0x9b: {  	_ =	swait.ge [sflag:s25], $0x2800  }
0x9c: {  	[sflag:s25] =	ssyncset.done $0x0  }
0x9d: {  	[sflag:s25] =	ssyncadd.s32 $0xFFFFD800  }
0x9e: {  	[tilespmem:s24], [sflag:$0x3] =	stream.linear.gather [spmem:s13], $0x2800, $0x38;
	[tilespmem:$0x19400] =	vst v63  }
0x9f: {  	_ =	swait.ge [sflag:s25], $0x2800  }
0xa0: {  	[sflag:s25] =	ssyncset.done $0x0  }
0xa1: {  	[sflag:s25] =	ssyncadd.s32 $0xFFFFD800  }
0xa2: {  	[hbm4b:s21+s3] =	stream.linear.scatter [tilespmem:s24], [sflag:$0x3], $0x2800, $0x38;
	[tilespmem:$0x19400] =	vst v63  }
0xa3: {  	_ =	swait.ge [sflag:s25], $0x2800  }
0xa4: {  	[sflag:s25] =	ssyncset.done $0x0  }
0xa5: {  	[sflag:s25] =	ssyncadd.s32 $0xFFFFD800  }
0xa6: {  	[tilespmem:s24], [sflag:$0x3] =	stream.linear.gather [spmem:s14], $0x2800, $0x38;
	[tilespmem:$0x19400] =	vst v63  }
0xa7: {  	_ =	swait.ge [sflag:s25], $0x2800  }
0xa8: {  	[sflag:s25] =	ssyncset.done $0x0  }
0xa9: {  	[sflag:s25] =	ssyncadd.s32 $0xFFFFD800  }
0xaa: {  	[hbm4b:s22+s3] =	stream.linear.scatter [tilespmem:s24], [sflag:$0x3], $0x2800, $0x38;
	[tilespmem:$0x19400] =	vst v63  }
0xab: {  	_ =	swait.ge [sflag:s25], $0x2800  }
0xac: {  	[sflag:s25] =	ssyncset.done $0x0  }
0xad: {  	[sflag:s25] =	ssyncadd.s32 $0xFFFFD800  }
0xae: {  	[tilespmem:s24], [sflag:$0x3] =	stream.linear.gather [spmem:s15], $0x2800, $0x38;
	[tilespmem:$0x19400] =	vst v63  }
0xaf: {  	s29 =	sadd.s32 $0x1, s29;
	_ =	swait.ge [sflag:s25], $0x2800  }
0xb0: {  	p0 =	sne.s32 s29, s8;
	[sflag:s25] =	ssyncset.done $0x0  }
.Ltmp1:
0xb1: {  	[sflag:s25] =	ssyncadd.s32 $0xFFFFD800;
	(pc) =	sbr.rel @p0 .LBB2_1-.Ltmp1, $4  }
0xb2: {  	[hbm4b:s23+s3] =	stream.linear.scatter [tilespmem:s24], [sflag:$0x3], $0x2800, $0x38;
	[tilespmem:$0x19400] =	vst v63  }
0xb3: {  	_ =	swait.ge [sflag:s25], $0x2800  }
0xb4: {  	[sflag:s25] =	ssyncset.done $0x0  }
0xb5: {  	[sflag:s25] =	ssyncadd.s32 $0xFFFFD800  }
0xb6: {  	_ =	sfence.sel $0x180000  }
0xb7: {  	[bflag:$0x0] =	sbarrier.arrive $0xFFFF  }
0xb8: {  	_ =	strace $0x9000004A  }
0xb9: {  	s0 =	stileid.u32;
	[bflag:$0x2] =	sbarrier.arrive $0xFFFF  }
0xba: {  	p0 =	sne.s32 s0, $0x0;
	s0 =	rddreg [dreg:$0x2]  }
0xbb: {  	s0 =	sadd.s32 @!p0 $0x100000, s0  }
0xbc: {  	[sflag:s0] =	ssyncadd.tile.s32 @!p0 $0x1;
	_ =	shalt  }
.Lfunc_end2:
_tile_overlayer_lowered:
.L_overlay_start_2:
0xbd: {  	(tag) =	ssettag $0x2  }
0xbe: {  	s0 =	rddreg [dreg:$0x0];
	s2 =	stileid.u32  }
0xbf: {  	s1 =	rddreg [dreg:$0x1];
	p0 =	sne.s32 s2, $0x0  }
0xc0: {  	s3 =	rddreg [dreg:$0x2];
	[bflag:$0x3] =	sbarrier.arrive $0xFFFF;
	s2 =	simm.s32 @!p0 $0x1C03  }
0xc1: {  	[timem:s3], [sflag:s2] =	dma.local @!p0 [hbm:s0], s1  }
0xc2: {  	s0 =	simm.s32 @!p0 $0x3  }
0xc3: {  	_ =	swait.ge @!p0 [sflag:s0], s1  }
0xc4: {  	s1 =	ssub.s32 @!p0 $0x0, s1;
	[sflag:s0] =	ssyncset.done @!p0 $0x0  }
0xc5: {  	[sflag:s0] =	ssyncadd.s32 @!p0 s1  }
0xc6: {  	[bflag:$0x3] =	sbarrier.arrive $0xFFFF  }
0xc7: {  	_ =	shalt  }

// kernel: kernel.16.cloned.1.call-start
scs
__scs_entry_jumppad:
0x0: {  	(pc) =	sbr.rel $0x88, $3  }
0x1: {  	(tag) =	ssettag $0x0;
	lr =	simm.s32 $0x1  }
0x2: {  	[smem:$0x3F90] =	sst lr;
	_ =	strace $0xD0000000  }
0x3: {  	_ = 	snop  }
0x4: {  	_ = 	snop  }
0x5: {  	_ = 	snop  }
0x6: {  	_ = 	snop  }
0x7: {  	_ = 	snop  }
__scs_overlays_trampoline_lowered:
0x8: {  	[smem:$0x3F9F] =	sst s0  }
0x9: {  	[smem:$0x3FA0] =	sst s1  }
0xa: {  	[smem:$0x3FA1] =	sst s2  }
0xb: {  	[smem:$0x3FA2] =	sst s3  }
0xc: {  	[smem:$0x3FA3] =	sst s4  }
0xd: {  	[smem:$0x3FA4] =	sst s5  }
0xe: {  	[smem:$0x3FA5] =	sst s6  }
0xf: {  	[smem:$0x3FA6] =	sst s7  }
0x10: {  	[smem:$0x3FA7] =	sst s8  }
0x11: {  	[smem:$0x3FA8] =	sst s9;
	s0 =	simm.s32 @!p0 $0x0  }
0x12: {  	s1 =	sld [smem:$0x3F8E];
	s0 =	simm.s32 @p0 $0x1  }
0x13: {  	[smem:$0x3FA9] =	sst s0;
	s0 =	simm.s32 @!p1 $0x0  }
0x14: {  	s2 =	sld [smem:$0x3F8D];
	s0 =	simm.s32 @p1 $0x1  }
0x15: {  	[smem:$0x3FAA] =	sst s0;
	s0 =	simm.s32 @!p2 $0x0  }
0x16: {  	s3 =	sld [smem:$0x3FDB];
	s0 =	simm.s32 @p2 $0x1  }
0x17: {  	s4 =	simm.s32 $0x1BF5;
	[smem:$0x3FAC] =	sst s0  }
0x18: {  	s0 =	sld [smem:$0x3F8F];
	_ =	swait.ge [sflag:s4], $0x0  }
0x19: {  	s7 =	sld [smem:$0x3F90]  }
0x1a: {  	s8 =	sadd.s32 $0xFFFFE003, lr  }
0x1b: {  	s9 =	sadd.s32 $0xFFFFFEF7, lr;
	s5 =	simm.s32 $0xFFFFFFFF;
	p2 =	slt.u32 s8, $0xFFFFF086  }
0x1c: {  	p1 =	slt.u32 s9, $0xF7A;
	s5 =	simm.s32 @!p2 $0x0  }
0x1d: {  	s5 =	simm.s32 @p1 $0x1;
	p0 =	seq.s32 s7, s2  }
0x1e: {  	s7 =	smul.u32 @!p0 $0xF7A, s2;
	p2 =	seq.s32 @!p0 s5, $0x0  }
0x1f: {  	s9 =	smul.u32 $0xF7A, s1;
	s8 =	simm.s32 @!p0 $0x1BF5;
	p2 =	por !p2, p0  }
0x20: {  	[sflag:s8] =	ssyncset.s32 @!p0 $0xFFFFF086;
	s6 =	sadd.s32 @!p0 s3, s7;
	s7 =	simm.s32 @!p0 $0x108  }
0x21: {  	s3 =	sadd.s32 s3, s9;
	s6 =	sadd.s32 @!p0 $0x88, s6;
	s7 =	simm.s32 @p2 $0x1082  }
0x22: {  	[simem:s7], [sflag:s8] =	dma.local @!p0 [hbm:s6], $0xF7A  }
0x23: {  	s9 =	sor.u32 $0xD0000000, s2;
	s6 =	simm.s32 $0x108;
	_ =	swait.ge @!p0 [sflag:s8], $0x0  }
0x24: {  	s3 =	sadd.s32 $0x88, s3;
	s6 =	simm.s32 @!p1 $0x1082;
	[sflag:s4] =	ssyncset.s32 $0xFFFFF086  }
0x25: {  	[simem:s6], [sflag:s4] =	dma.local [hbm:s3], $0xF7A  }
0x26: {  	[smem:$0x3F90] =	sst s1;
	(tag) =	ssettag s2;
	_ =	strace s9  }
0x27: {  	s1 =	sld [smem:$0x3FA0]  }
0x28: {  	s2 =	sld [smem:$0x3FA1]  }
0x29: {  	s4 =	sld [smem:$0x3FA3]  }
0x2a: {  	p0 =	seq.s32 s5, $0x0;
	s5 =	sld [smem:$0x3FA4]  }
0x2b: {  	s6 =	sld [smem:$0x3FA5]  }
0x2c: {  	s7 =	sld [smem:$0x3FA6]  }
0x2d: {  	s3 =	simm.s32 $0x108;
	s8 =	sld [smem:$0x3FA7]  }
0x2e: {  	s3 =	simm.s32 @!p0 $0x1082;
	s9 =	sld [smem:$0x3FA8]  }
0x2f: {  	lr =	sadd.s32 s0, s3;
	s0 =	sld [smem:$0x3F9F]  }
0x30: {  	s3 =	sld [smem:$0x3FA2]  }
0x31: {  	[smem:$0x3FAB] =	sst s10  }
0x32: {  	s10 =	sld [smem:$0x3FA9];
	_ =	sdelay $0x3  }
0x33: {  	p0 =	seq.s32 s10, $0x1;
	s10 =	sld [smem:$0x3FAB];
	_ =	sdelay $0x3  }
0x34: {  	[smem:$0x3FAB] =	sst s10  }
0x35: {  	s10 =	sld [smem:$0x3FAA];
	_ =	sdelay $0x3  }
0x36: {  	p1 =	seq.s32 s10, $0x1;
	s10 =	sld [smem:$0x3FAB];
	_ =	sdelay $0x3  }
0x37: {  	[smem:$0x3FAB] =	sst s10  }
0x38: {  	s10 =	sld [smem:$0x3FAC]  }
0x39: {  	_ = 	snop;
	(pc) =	sbr.ind lr, $3  }
0x3a: {  	_ = 	snop  }
0x3b: {  	_ = 	snop  }
0x3c: {  	p2 =	seq.s32 s10, $0x1;
	s10 =	sld [smem:$0x3FAB]  }
0x3d: {  	_ =	shalt  }
0x3e: {  	_ =	shalt  }
0x3f: {  	_ =	shalt  }
0x40: {  	_ =	shalt  }
0x41: {  	_ =	shalt  }
0x42: {  	_ =	shalt  }
0x43: {  	_ =	shalt  }
0x44: {  	_ =	shalt  }
0x45: {  	_ =	shalt  }
0x46: {  	_ =	shalt  }
0x47: {  	_ =	shalt  }
0x48: {  	_ =	shalt  }
0x49: {  	_ =	shalt  }
0x4a: {  	_ =	shalt  }
0x4b: {  	_ =	shalt  }
0x4c: {  	_ =	shalt  }
0x4d: {  	_ =	shalt  }
0x4e: {  	_ =	shalt  }
0x4f: {  	_ =	shalt  }
0x50: {  	_ =	shalt  }
0x51: {  	_ =	shalt  }
0x52: {  	_ =	shalt  }
0x53: {  	_ =	shalt  }
0x54: {  	_ =	shalt  }
0x55: {  	_ =	shalt  }
0x56: {  	_ =	shalt  }
0x57: {  	_ =	shalt  }
0x58: {  	_ =	shalt  }
0x59: {  	_ =	shalt  }
0x5a: {  	_ =	shalt  }
0x5b: {  	_ =	shalt  }
0x5c: {  	_ =	shalt  }
0x5d: {  	_ =	shalt  }
0x5e: {  	_ =	shalt  }
0x5f: {  	_ =	shalt  }
0x60: {  	_ =	shalt  }
0x61: {  	_ =	shalt  }
0x62: {  	_ =	shalt  }
0x63: {  	_ =	shalt  }
0x64: {  	_ =	shalt  }
0x65: {  	_ =	shalt  }
0x66: {  	_ =	shalt  }
0x67: {  	_ =	shalt  }
0x68: {  	_ =	shalt  }
0x69: {  	_ =	shalt  }
0x6a: {  	_ =	shalt  }
0x6b: {  	_ =	shalt  }
0x6c: {  	_ =	shalt  }
0x6d: {  	_ =	shalt  }
0x6e: {  	_ =	shalt  }
0x6f: {  	_ =	shalt  }
0x70: {  	_ =	shalt  }
0x71: {  	_ =	shalt  }
0x72: {  	_ =	shalt  }
0x73: {  	_ =	shalt  }
0x74: {  	_ =	shalt  }
0x75: {  	_ =	shalt  }
0x76: {  	_ =	shalt  }
0x77: {  	_ =	shalt  }
0x78: {  	_ =	shalt  }
0x79: {  	_ =	shalt  }
0x7a: {  	_ =	shalt  }
0x7b: {  	_ =	shalt  }
0x7c: {  	_ =	shalt  }
0x7d: {  	_ =	shalt  }
0x7e: {  	_ =	shalt  }
0x7f: {  	_ =	shalt  }
0x80: {  	_ =	shalt  }
0x81: {  	_ =	shalt  }
0x82: {  	_ =	shalt  }
0x83: {  	_ =	shalt  }
0x84: {  	_ =	shalt  }
0x85: {  	_ =	shalt  }
0x86: {  	_ =	shalt  }
0x87: {  	_ =	shalt  }
.Lfunc_end0:
.L_simem_size_0:
called_computation.2_lowered:
.L_overlay_start_0:
0x88: {  	s2 =	sld [smem:$0x3FD9]  }
0x89: {  	s3 =	sld [smem:$0x3FFE];
	_ =	sdelay $0x1  }
0x8a: {  	s1 =	srdreg.scid  }
0x8b: {  	s0 =	sand.u32 $0x1, s1  }
0x8c: {  	s16 =	sshll.u32 s0, $0xA;
	s2 =	sadd.s32 s3, s2  }
0x8d: {  	s2 =	sadd.s32 s2, s16  }
0x8e: {  	[smem:$0x3FB7] =	sst s2  }
0x8f: {  	_ = 	snop  }
0x90: {  	(tm) =	ssettm $0x1  }
0x91: {  	s17 =	sld [smem:$0x3FFB];
	_ =	sdelay $0x3  }
0x92: {  	_ =	strace s17  }
0x93: {  	s2 =	sld [smem:$0x3FFC];
	_ =	sdelay $0x3  }
0x94: {  	_ =	strace s2  }
0x95: {  	s2 =	sld [smem:$0x3FFD];
	_ =	sdelay $0x3  }
0x96: {  	_ =	strace s2  }
0x97: {  	_ =	strace $0x8FFFFFFF  }
0x98: {  	s18 =	sld [smem:$0x3FDB];
	_ =	sdelay $0x1  }
0x99: {  	s19 =	simm.s32 $_scs_section_size  }
0x9a: {  	s4 =	simm.s32 $_size__tile_overlayer_lowered;
	s5 =	simm.s32 $_tile_overlayer_lowered  }
0x9b: {  	s22 =	simm.s32 $0x1BFF;
	s21 =	sshll.u32 s5, $0x1;
	s2 =	sadd.s32 s19, s18  }
0x9c: {  	s6 =	simm.s32 $0x0;
	s20 =	sshll.u32 s4, $0x1;
	s4 =	sadd.s32 s21, s2  }
0x9d: {  	[timem:s6], [sflag:s22] =	dma.local [hbm:s4], s20  }
0x9e: {  	_ =	swait.ge [sflag:s22], s20  }
0x9f: {  	s3 =	ssub.s32 $0x0, s20;
	[sflag:s22] =	ssyncset.done $0x0  }
0xa0: {  	[sflag:s22] =	ssyncadd.s32 s3;
	_ =	sdelay $0x1  }
0xa1: {  	s23 =	simm.s32 $0x1B8B  }
0xa2: {  	_ =	swait.ge [sflag:s23], $0x1  }
0xa3: {  	[sflag:s23] =	ssyncset.done $0x0  }
0xa4: {  	s25 =	simm.s32 $0x1B8E;
	s24 =	sld [smem:$0x3FFE];
	[sflag:s23] =	ssyncadd.s32 $0xFFFFFFFF  }
0xa5: {  	s26 =	simm.s32 $execute0_lowered;
	[smem:$0x3FD2] =	sst s25  }
0xa6: {  	s4 =	sshll.u32 s26, $0x1;
	_ =	strace $0x8000004C;
	[dreg:$0x1] =	wrdreg $0xFFFFFFFF  }
0xa7: {  	s28 =	simm.s32 $_size_execute0_lowered;
	s2 =	sadd.s32 s2, s4;
	[dreg:$0x0] =	wrdreg $0x0  }
0xa8: {  	s4 =	sshll.u32 s28, $0x1;
	[dreg:$0x2] =	wrdreg s2  }
0xa9: {  	[dreg:$0x3] =	wrdreg s4  }
0xaa: {  	[dreg:$0x4] =	wrdreg $0xC0  }
0xab: {  	_ =	task [dreg:s6], $0x5FFFF  }
0xac: {  	[dreg:$0x1] =	wrdreg $0xFFFFFFFF  }
0xad: {  	[dreg:$0x0] =	wrdreg $0x60  }
0xae: {  	[dreg:$0x2] =	wrdreg s24  }
0xaf: {  	[dreg:$0x3] =	wrdreg $0x54000  }
0xb0: {  	[dreg:$0x4] =	wrdreg $0x9  }
0xb1: {  	_ =	task.clear_ibuf [dreg:s6], $0x5FFFF;
	_ =	strace $0x9000004C  }
0xb2: {  	s29 =	simm.s32 $0x9;
	_ =	strace $0x8000004E  }
0xb3: {  	_ =	swait.ge [sflag:s29], $0x1  }
0xb4: {  	[sflag:s29] =	ssyncadd.s32 $0xFFFFFFFF  }
0xb5: {  	_ =	strace $0x9000004E  }
0xb6: {  	_ =	sfence  }
0xb7: {  	s30 =	sld [smem:$0x0];
	_ =	sdelay $0x2  }
0xb8: {  	s31 =	sshll.u32 s1, $0xD;
	s1 =	sshrl.u32 s1, $0x2  }
0xb9: {  	s3 =	sand.u32 $0x4000, s31;
	s1 =	sadd.s32 s1, s30  }
0xba: {  	s0 =	sor.u32 s3, s0;
	s1 =	sshll.u32 s1, $0x11  }
0xbb: {  	s0 =	sor.u32 s1, s0  }
0xbc: {  	s0 =	sadd.s32 $0x8F2B, s0  }
0xbd: {  	[sflag:s0] =	ssyncadd.remote.s32 $0x1  }
0xbe: {  	_ =	sfence.sel $0xFFFF  }
0xbf: {  	[dreg:$0x0] =	wrdreg $0xFFFFFFFF;
	(pc) =	sbr.abs _section_cstart, $3  }
0xc0: {  	[dreg:$0x1] =	wrdreg $0xFFFFFFFF  }
0xc1: {  	_ =	task.clear_ibuf [dreg:s6], $0x2FFFF;
	_ =	strace $0x9FFFFFFF  }
0xc2: {  	(tm) =	ssettm $0x7FFFFFFF  }
0xc3: {  	_ =	shalt  }
tec
execute0_lowered:
.L_overlay_start_1:
0x0: {  	(tag) =	ssettag $0x1  }
0x1: {  	s0 =	rddreg [dreg:$0x0]  }
0x2: {  	s2 =	rddreg [dreg:$0x1];
	s1 =	srdreg.scid  }
0x3: {  	s3 =	simm.s32 $0x0;
	s10 =	stileid.u32;
	s28 =	simm.s32 $0x50  }
0x4: {  	s30 =	simm.s32 $0x2C00;
	s31 =	simm.s32 $0x1;
	s29 =	simm.s32 $0x0  }
0x5: {  	s1 =	sand.u32 $0x1, s1;
	[smem:$0x7FF] =	sst s3;
	s4 =	sshll.u32 s10, $0x7  }
0x6: {  	s8 =	smul.u32 $0x50000, s10;
	s5 =	sshll.u32 s1, $0x6;
	_ =	strace $0x8000004D  }
0x7: {  	s6 =	ssub.s32 $0x2, s1;
	s1 =	smul.u32 $0x140000, s1;
	s5 =	sor.u32 s5, s4  }
0x8: {  	s4 =	sadd.s32 $0x4800, s0;
	s7 =	sshrl.u32 s6, $0x1;
	s5 =	sadd.s32 s5, s0  }
0x9: {  	s16 =	sshrl.u32 s8, $0x2;
	s0 =	sadd.s32 $0x7A400, s0;
	s15 =	sadd.s32 $0x79C00, s5  }
0xa: {  	s9 =	ssub.s32 s6, s7;
	[dreg:$0x3] =	wrdreg s15;
	s15 =	smul.u32 $0x14000, s10  }
0xb: {  	s7 =	sadd.s32 s16, s2;
	s6 =	sadd.s32 $0x4000, s5;
	s8 =	smax.u32 s9, $0x1  }
0xc: {  	s17 =	sor.u32 $0x2800, s15;
	s18 =	sadd.s32 $0x5000, s15;
	s19 =	sadd.s32 $0x7800, s15  }
0xd: {  	s20 =	sadd.s32 $0xA000, s15;
	s21 =	sadd.s32 $0xC800, s15;
	s22 =	sadd.s32 $0xF000, s15  }
0xe: {  	s16 =	sadd.s32 s1, s15;
	s23 =	sadd.s32 $0x11800, s15;
	s9 =	sadd.s32 s17, s2  }
0xf: {  	s10 =	sadd.s32 s18, s2;
	s11 =	sadd.s32 s19, s2;
	s12 =	sadd.s32 s20, s2  }
0x10: {  	s13 =	sadd.s32 s21, s2;
	s14 =	sadd.s32 s22, s2;
	s16 =	sshrl.u32 s16, $0x3  }
0x11: {  	s5 =	sadd.s32 s1, s17;
	s15 =	sadd.s32 s23, s2;
	s18 =	sadd.s32 s1, s18  }
0x12: {  	s19 =	sadd.s32 s1, s19;
	s20 =	sadd.s32 s1, s20;
	s25 =	sadd.s32 s1, s21  }
0x13: {  	s26 =	sadd.s32 s1, s22;
	s1 =	sadd.s32 s1, s23;
	s16 =	sadd.s32 s0, s16  }
0x14: {  	s5 =	sshrl.u32 s5, $0x3;
	s19 =	sshrl.u32 s19, $0x3;
	s24 =	sshrl.u32 s20, $0x3  }
0x15: {  	s22 =	sshrl.u32 s26, $0x3;
	s1 =	sshrl.u32 s1, $0x3;
	s26 =	simm.s32 $0x200  }
0x16: {  	s17 =	sadd.s32 s0, s5;
	s5 =	sshrl.u32 s18, $0x3;
	s19 =	sadd.s32 s0, s19  }
0x17: {  	s20 =	sadd.s32 s0, s24;
	s22 =	sadd.s32 s0, s22;
	s23 =	sadd.s32 s0, s1  }
0x18: {  	s24 =	simm.s32 $0x400;
	s18 =	sadd.s32 s0, s5;
	s5 =	sshrl.u32 s25, $0x3  }
0x19: {  	v0 =	vimm.f32 $0.0e+00;
	s1 =	simm.s32 $0x2;
	s25 =	simm.s32 $0x3;
	s21 =	sadd.s32 s0, s5  }
.LBB2_1:
0x1a: {  	s0 =	simm.s32 $0x70;
	s5 =	simm.s32 $0x3C0  }
.LBB2_2:
0x1b: {  	p0 =	sne.s32 s5, $0x9FC0;
	[tilespmem:s0+$0x400] =	vst v0  }
0x1c: {  	[tilespmem:s0+$0x390] =	vst v0  }
0x1d: {  	[tilespmem:s0+$0x3A0] =	vst v0  }
.Ltmp0:
0x1e: {  	[tilespmem:s0+$0x3B0] =	vst v0;
	(pc) =	sbr.rel @p0 .LBB2_2-.Ltmp0, $4  }
0x1f: {  	[tilespmem:s0+$0x3C0] =	vst v0  }
0x20: {  	[tilespmem:s0+$0x3D0] =	vst v0  }
0x21: {  	[tilespmem:s0+$0x3E0] =	vst v0  }
0x22: {  	[tilespmem:s0+$0x3F0] =	vst v0;
	s0 =	sshra.s32 s5, $0x2;
	s5 =	sadd.s32 $0x200, s5  }
0x23: {  	[tilespmem:s0+$0x400] =	vst v0  }
0x24: {  	[tilespmem:s0+$0x390] =	vst v0  }
0x25: {  	[tilespmem:s0+$0x3A0] =	vst v0  }
0x26: {  	[tilespmem:s0+$0x3B0] =	vst v0  }
0x27: {  	[tilespmem:s0+$0x3C0] =	vst v0  }
0x28: {  	[tilespmem:s0+$0x3D0] =	vst v0  }
0x29: {  	[tilespmem:s0+$0x3E0] =	vst v0  }
0x2a: {  	[tilespmem:s0+$0x3F0] =	vst v0  }
0x2b: {  	[spmem:s7] =	stream.linear.scatter [tilespmem:s24], [sflag:$0x3], $0x2800, $0x38;
	[tilespmem:$0x19400] =	vst v63  }
0x2c: {  	_ =	swait.ge [sflag:s25], $0x2800  }
0x2d: {  	[sflag:s25] =	ssyncset.done $0x0  }
0x2e: {  	[sflag:s25] =	ssyncadd.s32 $0xFFFFD800  }
0x2f: {  	[spmem:s9] =	stream.linear.scatter [tilespmem:s24], [sflag:$0x3], $0x2800, $0x38;
	[tilespmem:$0x19400] =	vst v63  }
0x30: {  	_ =	swait.ge [sflag:s25], $0x2800  }
0x31: {  	[sflag:s25] =	ssyncset.done $0x0  }
0x32: {  	[sflag:s25] =	ssyncadd.s32 $0xFFFFD800  }
0x33: {  	[spmem:s10] =	stream.linear.scatter [tilespmem:s24], [sflag:$0x3], $0x2800, $0x38;
	[tilespmem:$0x19400] =	vst v63  }
0x34: {  	_ =	swait.ge [sflag:s25], $0x2800  }
0x35: {  	[sflag:s25] =	ssyncset.done $0x0  }
0x36: {  	[sflag:s25] =	ssyncadd.s32 $0xFFFFD800  }
0x37: {  	[spmem:s11] =	stream.linear.scatter [tilespmem:s24], [sflag:$0x3], $0x2800, $0x38;
	[tilespmem:$0x19400] =	vst v63  }
0x38: {  	_ =	swait.ge [sflag:s25], $0x2800  }
0x39: {  	[sflag:s25] =	ssyncset.done $0x0  }
0x3a: {  	[sflag:s25] =	ssyncadd.s32 $0xFFFFD800  }
0x3b: {  	[spmem:s12] =	stream.linear.scatter [tilespmem:s24], [sflag:$0x3], $0x2800, $0x38;
	[tilespmem:$0x19400] =	vst v63  }
0x3c: {  	_ =	swait.ge [sflag:s25], $0x2800  }
0x3d: {  	[sflag:s25] =	ssyncset.done $0x0  }
0x3e: {  	[sflag:s25] =	ssyncadd.s32 $0xFFFFD800  }
0x3f: {  	[spmem:s13] =	stream.linear.scatter [tilespmem:s24], [sflag:$0x3], $0x2800, $0x38;
	[tilespmem:$0x19400] =	vst v63  }
0x40: {  	_ =	swait.ge [sflag:s25], $0x2800  }
0x41: {  	[sflag:s25] =	ssyncset.done $0x0  }
0x42: {  	[sflag:s25] =	ssyncadd.s32 $0xFFFFD800  }
0x43: {  	[spmem:s14] =	stream.linear.scatter [tilespmem:s24], [sflag:$0x3], $0x2800, $0x38;
	[tilespmem:$0x19400] =	vst v63  }
0x44: {  	_ =	swait.ge [sflag:s25], $0x2800  }
0x45: {  	[sflag:s25] =	ssyncset.done $0x0  }
0x46: {  	[sflag:s25] =	ssyncadd.s32 $0xFFFFD800  }
0x47: {  	[spmem:s15] =	stream.linear.scatter [tilespmem:s24], [sflag:$0x3], $0x2800, $0x38;
	[tilespmem:$0x19400] =	vst v63  }
0x48: {  	_ =	swait.ge [sflag:s25], $0x2800  }
0x49: {  	[sflag:s25] =	ssyncset.done $0x0  }
0x4a: {  	s5 =	rddreg [dreg:$0x3];
	[sflag:s25] =	ssyncadd.s32 $0xFFFFD800  }
0x4b: {  	[tilespmem:s3], [sflag:$0x3] =	stream.linear.gather [hbm4b:s5+s3], $0x200, $0x38;
	[tilespmem:$0x19400] =	vst v63  }
0x4c: {  	_ =	swait.ge [sflag:s25], $0x200  }
0x4d: {  	[sflag:s25] =	ssyncset.done $0x0  }
0x4e: {  	[sflag:s25] =	ssyncadd.s32 $0xFFFFFE00  }
0x4f: {  	[tilespmem:s26], [sflag:$0x3] =	stream.linear.gather [hbm4b:s6+s3], $0x200, $0x38;
	[tilespmem:$0x19400] =	vst v63  }
0x50: {  	_ =	swait.ge [sflag:s25], $0x200  }
0x51: {  	[sflag:s25] =	ssyncset.done $0x0  }
0x52: {  	[sflag:s25] =	ssyncadd.s32 $0xFFFFFE00  }
0x53: {  	[bflag:$0x0] =	sbarrier.arrive $0xFFFF  }
0x54: {  	[tilespmem:s24], [sflag:$0x1] =	stream.indirect.gather [hbm4b:s4+s28], $0x80, s3, s28, $0xb8;
	[tilespmem:$0x19400] =	vst v63  }
0x55: {  	s5 =	simm.s32 $0x80  }
0x56: {  	[tilespmem:s30], [sflag:$0x2] =	stream.indirect.gather [hbm4b:s4+s28], $0x80, s5, s28, $0xb8;
	[tilespmem:$0x19400] =	vst v63  }
0x57: {  	_ =	swait.ge [sflag:s31], $0x2800  }
0x58: {  	[sflag:s31] =	ssyncset.done $0x0  }
0x59: {  	[sflag:s31] =	ssyncadd.s32 $0xFFFFD800  }
0x5a: {  	[spmem:s2] =	stream.indirect.scatter.add.f32 [tilespmem:s24], [sflag:$0x3], $0x80, s26, s28, $0xb8;
	[tilespmem:$0x19400] =	vst v63  }
0x5b: {  	_ =	swait.ge [sflag:s25], $0x2800  }
0x5c: {  	[sflag:s25] =	ssyncset.done $0x0  }
0x5d: {  	s5 =	simm.s32 $0x100;
	[sflag:s25] =	ssyncadd.s32 $0xFFFFD800  }
0x5e: {  	[tilespmem:s24], [sflag:$0x1] =	stream.indirect.gather [hbm4b:s4+s28], $0x80, s5, s28, $0xb8;
	[tilespmem:$0x19400] =	vst v63  }
0x5f: {  	_ =	swait.ge [sflag:s1], $0x2800  }
0x60: {  	[sflag:s1] =	ssyncset.done $0x0  }
0x61: {  	s5 =	simm.s32 $0x280;
	[sflag:s1] =	ssyncadd.s32 $0xFFFFD800  }
0x62: {  	[spmem:s2] =	stream.indirect.scatter.add.f32 [tilespmem:s30], [sflag:$0x3], $0x80, s5, s28, $0xb8;
	[tilespmem:$0x19400] =	vst v63  }
0x63: {  	_ =	swait.ge [sflag:s25], $0x2800  }
0x64: {  	[sflag:s25] =	ssyncset.done $0x0  }
0x65: {  	s5 =	simm.s32 $0x180;
	[sflag:s25] =	ssyncadd.s32 $0xFFFFD800  }
0x66: {  	[tilespmem:s30], [sflag:$0x2] =	stream.indirect.gather [hbm4b:s4+s28], $0x80, s5, s28, $0xb8;
	[tilespmem:$0x19400] =	vst v63  }
0x67: {  	_ =	swait.ge [sflag:s31], $0x2800  }
0x68: {  	[sflag:s31] =	ssyncset.done $0x0  }
0x69: {  	s5 =	simm.s32 $0x300;
	[sflag:s31] =	ssyncadd.s32 $0xFFFFD800  }
0x6a: {  	[spmem:s2] =	stream.indirect.scatter.add.f32 [tilespmem:s24], [sflag:$0x3], $0x80, s5, s28, $0xb8;
	[tilespmem:$0x19400] =	vst v63  }
0x6b: {  	_ =	swait.ge [sflag:s25], $0x2800  }
0x6c: {  	[sflag:s25] =	ssyncset.done $0x0  }
0x6d: {  	[sflag:s25] =	ssyncadd.s32 $0xFFFFD800  }
0x6e: {  	_ =	swait.ge [sflag:s1], $0x2800  }
0x6f: {  	[sflag:s1] =	ssyncset.done $0x0  }
0x70: {  	s5 =	simm.s32 $0x380;
	[sflag:s1] =	ssyncadd.s32 $0xFFFFD800  }
0x71: {  	[spmem:s2] =	stream.indirect.scatter.add.f32 [tilespmem:s30], [sflag:$0x3], $0x80, s5, s28, $0xb8;
	[tilespmem:$0x19400] =	vst v63  }
0x72: {  	_ =	swait.ge [sflag:s25], $0x2800  }
0x73: {  	[sflag:s25] =	ssyncset.done $0x0  }
0x74: {  	[sflag:s25] =	ssyncadd.s32 $0xFFFFD800  }
0x75: {  	[bflag:$0x0] =	sbarrier.arrive $0xFFFF  }
0x76: {  	[tilespmem:s24], [sflag:$0x3] =	stream.linear.gather [spmem:s7], $0x2800, $0x38;
	[tilespmem:$0x19400] =	vst v63  }
0x77: {  	_ =	swait.ge [sflag:s25], $0x2800  }
0x78: {  	[sflag:s25] =	ssyncset.done $0x0  }
0x79: {  	[sflag:s25] =	ssyncadd.s32 $0xFFFFD800  }
0x7a: {  	[hbm4b:s16+s3] =	stream.linear.scatter [tilespmem:s24], [sflag:$0x3], $0x2800, $0x38;
	[tilespmem:$0x19400] =	vst v63  }
0x7b: {  	_ =	swait.ge [sflag:s25], $0x2800  }
0x7c: {  	[sflag:s25] =	ssyncset.done $0x0  }
0x7d: {  	[sflag:s25] =	ssyncadd.s32 $0xFFFFD800  }
0x7e: {  	[tilespmem:s24], [sflag:$0x3] =	stream.linear.gather [spmem:s9], $0x2800, $0x38;
	[tilespmem:$0x19400] =	vst v63  }
0x7f: {  	_ =	swait.ge [sflag:s25], $0x2800  }
0x80: {  	[sflag:s25] =	ssyncset.done $0x0  }
0x81: {  	[sflag:s25] =	ssyncadd.s32 $0xFFFFD800  }
0x82: {  	[hbm4b:s17+s3] =	stream.linear.scatter [tilespmem:s24], [sflag:$0x3], $0x2800, $0x38;
	[tilespmem:$0x19400] =	vst v63  }
0x83: {  	_ =	swait.ge [sflag:s25], $0x2800  }
0x84: {  	[sflag:s25] =	ssyncset.done $0x0  }
0x85: {  	[sflag:s25] =	ssyncadd.s32 $0xFFFFD800  }
0x86: {  	[tilespmem:s24], [sflag:$0x3] =	stream.linear.gather [spmem:s10], $0x2800, $0x38;
	[tilespmem:$0x19400] =	vst v63  }
0x87: {  	_ =	swait.ge [sflag:s25], $0x2800  }
0x88: {  	[sflag:s25] =	ssyncset.done $0x0  }
0x89: {  	[sflag:s25] =	ssyncadd.s32 $0xFFFFD800  }
0x8a: {  	[hbm4b:s18+s3] =	stream.linear.scatter [tilespmem:s24], [sflag:$0x3], $0x2800, $0x38;
	[tilespmem:$0x19400] =	vst v63  }
0x8b: {  	_ =	swait.ge [sflag:s25], $0x2800  }
0x8c: {  	[sflag:s25] =	ssyncset.done $0x0  }
0x8d: {  	[sflag:s25] =	ssyncadd.s32 $0xFFFFD800  }
0x8e: {  	[tilespmem:s24], [sflag:$0x3] =	stream.linear.gather [spmem:s11], $0x2800, $0x38;
	[tilespmem:$0x19400] =	vst v63  }
0x8f: {  	_ =	swait.ge [sflag:s25], $0x2800  }
0x90: {  	[sflag:s25] =	ssyncset.done $0x0  }
0x91: {  	[sflag:s25] =	ssyncadd.s32 $0xFFFFD800  }
0x92: {  	[hbm4b:s19+s3] =	stream.linear.scatter [tilespmem:s24], [sflag:$0x3], $0x2800, $0x38;
	[tilespmem:$0x19400] =	vst v63  }
0x93: {  	_ =	swait.ge [sflag:s25], $0x2800  }
0x94: {  	[sflag:s25] =	ssyncset.done $0x0  }
0x95: {  	[sflag:s25] =	ssyncadd.s32 $0xFFFFD800  }
0x96: {  	[tilespmem:s24], [sflag:$0x3] =	stream.linear.gather [spmem:s12], $0x2800, $0x38;
	[tilespmem:$0x19400] =	vst v63  }
0x97: {  	_ =	swait.ge [sflag:s25], $0x2800  }
0x98: {  	[sflag:s25] =	ssyncset.done $0x0  }
0x99: {  	[sflag:s25] =	ssyncadd.s32 $0xFFFFD800  }
0x9a: {  	[hbm4b:s20+s3] =	stream.linear.scatter [tilespmem:s24], [sflag:$0x3], $0x2800, $0x38;
	[tilespmem:$0x19400] =	vst v63  }
0x9b: {  	_ =	swait.ge [sflag:s25], $0x2800  }
0x9c: {  	[sflag:s25] =	ssyncset.done $0x0  }
0x9d: {  	[sflag:s25] =	ssyncadd.s32 $0xFFFFD800  }
0x9e: {  	[tilespmem:s24], [sflag:$0x3] =	stream.linear.gather [spmem:s13], $0x2800, $0x38;
	[tilespmem:$0x19400] =	vst v63  }
0x9f: {  	_ =	swait.ge [sflag:s25], $0x2800  }
0xa0: {  	[sflag:s25] =	ssyncset.done $0x0  }
0xa1: {  	[sflag:s25] =	ssyncadd.s32 $0xFFFFD800  }
0xa2: {  	[hbm4b:s21+s3] =	stream.linear.scatter [tilespmem:s24], [sflag:$0x3], $0x2800, $0x38;
	[tilespmem:$0x19400] =	vst v63  }
0xa3: {  	_ =	swait.ge [sflag:s25], $0x2800  }
0xa4: {  	[sflag:s25] =	ssyncset.done $0x0  }
0xa5: {  	[sflag:s25] =	ssyncadd.s32 $0xFFFFD800  }
0xa6: {  	[tilespmem:s24], [sflag:$0x3] =	stream.linear.gather [spmem:s14], $0x2800, $0x38;
	[tilespmem:$0x19400] =	vst v63  }
0xa7: {  	_ =	swait.ge [sflag:s25], $0x2800  }
0xa8: {  	[sflag:s25] =	ssyncset.done $0x0  }
0xa9: {  	[sflag:s25] =	ssyncadd.s32 $0xFFFFD800  }
0xaa: {  	[hbm4b:s22+s3] =	stream.linear.scatter [tilespmem:s24], [sflag:$0x3], $0x2800, $0x38;
	[tilespmem:$0x19400] =	vst v63  }
0xab: {  	_ =	swait.ge [sflag:s25], $0x2800  }
0xac: {  	[sflag:s25] =	ssyncset.done $0x0  }
0xad: {  	[sflag:s25] =	ssyncadd.s32 $0xFFFFD800  }
0xae: {  	[tilespmem:s24], [sflag:$0x3] =	stream.linear.gather [spmem:s15], $0x2800, $0x38;
	[tilespmem:$0x19400] =	vst v63  }
0xaf: {  	s29 =	sadd.s32 $0x1, s29;
	_ =	swait.ge [sflag:s25], $0x2800  }
0xb0: {  	p0 =	sne.s32 s29, s8;
	[sflag:s25] =	ssyncset.done $0x0  }
.Ltmp1:
0xb1: {  	[sflag:s25] =	ssyncadd.s32 $0xFFFFD800;
	(pc) =	sbr.rel @p0 .LBB2_1-.Ltmp1, $4  }
0xb2: {  	[hbm4b:s23+s3] =	stream.linear.scatter [tilespmem:s24], [sflag:$0x3], $0x2800, $0x38;
	[tilespmem:$0x19400] =	vst v63  }
0xb3: {  	_ =	swait.ge [sflag:s25], $0x2800  }
0xb4: {  	[sflag:s25] =	ssyncset.done $0x0  }
0xb5: {  	[sflag:s25] =	ssyncadd.s32 $0xFFFFD800  }
0xb6: {  	_ =	sfence.sel $0x180000  }
0xb7: {  	[bflag:$0x0] =	sbarrier.arrive $0xFFFF  }
0xb8: {  	_ =	strace $0x9000004D  }
0xb9: {  	s0 =	stileid.u32;
	[bflag:$0x2] =	sbarrier.arrive $0xFFFF  }
0xba: {  	p0 =	sne.s32 s0, $0x0;
	s0 =	rddreg [dreg:$0x2]  }
0xbb: {  	s0 =	sadd.s32 @!p0 $0x100000, s0  }
0xbc: {  	[sflag:s0] =	ssyncadd.tile.s32 @!p0 $0x1;
	_ =	shalt  }
.Lfunc_end2:
_tile_overlayer_lowered:
.L_overlay_start_2:
0xbd: {  	(tag) =	ssettag $0x2  }
0xbe: {  	s0 =	rddreg [dreg:$0x0];
	s2 =	stileid.u32  }
0xbf: {  	s1 =	rddreg [dreg:$0x1];
	p0 =	sne.s32 s2, $0x0  }
0xc0: {  	s3 =	rddreg [dreg:$0x2];
	[bflag:$0x3] =	sbarrier.arrive $0xFFFF;
	s2 =	simm.s32 @!p0 $0x1C03  }
0xc1: {  	[timem:s3], [sflag:s2] =	dma.local @!p0 [hbm:s0], s1  }
0xc2: {  	s0 =	simm.s32 @!p0 $0x3  }
0xc3: {  	_ =	swait.ge @!p0 [sflag:s0], s1  }
0xc4: {  	s1 =	ssub.s32 @!p0 $0x0, s1;
	[sflag:s0] =	ssyncset.done @!p0 $0x0  }
0xc5: {  	[sflag:s0] =	ssyncadd.s32 @!p0 s1  }
0xc6: {  	[bflag:$0x3] =	sbarrier.arrive $0xFFFF  }
0xc7: {  	_ =	shalt  }

// kernel: kernel.19.cloned.1.call-start
scs
__scs_entry_jumppad:
0x0: {  	(pc) =	sbr.rel $0x88, $3  }
0x1: {  	(tag) =	ssettag $0x0;
	lr =	simm.s32 $0x1  }
0x2: {  	[smem:$0x3F90] =	sst lr;
	_ =	strace $0xD0000000  }
0x3: {  	_ = 	snop  }
0x4: {  	_ = 	snop  }
0x5: {  	_ = 	snop  }
0x6: {  	_ = 	snop  }
0x7: {  	_ = 	snop  }
__scs_overlays_trampoline_lowered:
0x8: {  	[smem:$0x3F9F] =	sst s0  }
0x9: {  	[smem:$0x3FA0] =	sst s1  }
0xa: {  	[smem:$0x3FA1] =	sst s2  }
0xb: {  	[smem:$0x3FA2] =	sst s3  }
0xc: {  	[smem:$0x3FA3] =	sst s4  }
0xd: {  	[smem:$0x3FA4] =	sst s5  }
0xe: {  	[smem:$0x3FA5] =	sst s6  }
0xf: {  	[smem:$0x3FA6] =	sst s7  }
0x10: {  	[smem:$0x3FA7] =	sst s8  }
0x11: {  	[smem:$0x3FA8] =	sst s9;
	s0 =	simm.s32 @!p0 $0x0  }
0x12: {  	s1 =	sld [smem:$0x3F8E];
	s0 =	simm.s32 @p0 $0x1  }
0x13: {  	[smem:$0x3FA9] =	sst s0;
	s0 =	simm.s32 @!p1 $0x0  }
0x14: {  	s2 =	sld [smem:$0x3F8D];
	s0 =	simm.s32 @p1 $0x1  }
0x15: {  	[smem:$0x3FAA] =	sst s0;
	s0 =	simm.s32 @!p2 $0x0  }
0x16: {  	s3 =	sld [smem:$0x3FDB];
	s0 =	simm.s32 @p2 $0x1  }
0x17: {  	s4 =	simm.s32 $0x1BF5;
	[smem:$0x3FAC] =	sst s0  }
0x18: {  	s0 =	sld [smem:$0x3F8F];
	_ =	swait.ge [sflag:s4], $0x0  }
0x19: {  	s7 =	sld [smem:$0x3F90]  }
0x1a: {  	s8 =	sadd.s32 $0xFFFFE003, lr  }
0x1b: {  	s9 =	sadd.s32 $0xFFFFFEF7, lr;
	s5 =	simm.s32 $0xFFFFFFFF;
	p2 =	slt.u32 s8, $0xFFFFF086  }
0x1c: {  	p1 =	slt.u32 s9, $0xF7A;
	s5 =	simm.s32 @!p2 $0x0  }
0x1d: {  	s5 =	simm.s32 @p1 $0x1;
	p0 =	seq.s32 s7, s2  }
0x1e: {  	s7 =	smul.u32 @!p0 $0xF7A, s2;
	p2 =	seq.s32 @!p0 s5, $0x0  }
0x1f: {  	s9 =	smul.u32 $0xF7A, s1;
	s8 =	simm.s32 @!p0 $0x1BF5;
	p2 =	por !p2, p0  }
0x20: {  	[sflag:s8] =	ssyncset.s32 @!p0 $0xFFFFF086;
	s6 =	sadd.s32 @!p0 s3, s7;
	s7 =	simm.s32 @!p0 $0x108  }
0x21: {  	s3 =	sadd.s32 s3, s9;
	s6 =	sadd.s32 @!p0 $0x88, s6;
	s7 =	simm.s32 @p2 $0x1082  }
0x22: {  	[simem:s7], [sflag:s8] =	dma.local @!p0 [hbm:s6], $0xF7A  }
0x23: {  	s9 =	sor.u32 $0xD0000000, s2;
	s6 =	simm.s32 $0x108;
	_ =	swait.ge @!p0 [sflag:s8], $0x0  }
0x24: {  	s3 =	sadd.s32 $0x88, s3;
	s6 =	simm.s32 @!p1 $0x1082;
	[sflag:s4] =	ssyncset.s32 $0xFFFFF086  }
0x25: {  	[simem:s6], [sflag:s4] =	dma.local [hbm:s3], $0xF7A  }
0x26: {  	[smem:$0x3F90] =	sst s1;
	(tag) =	ssettag s2;
	_ =	strace s9  }
0x27: {  	s1 =	sld [smem:$0x3FA0]  }
0x28: {  	s2 =	sld [smem:$0x3FA1]  }
0x29: {  	s4 =	sld [smem:$0x3FA3]  }
0x2a: {  	p0 =	seq.s32 s5, $0x0;
	s5 =	sld [smem:$0x3FA4]  }
0x2b: {  	s6 =	sld [smem:$0x3FA5]  }
0x2c: {  	s7 =	sld [smem:$0x3FA6]  }
0x2d: {  	s3 =	simm.s32 $0x108;
	s8 =	sld [smem:$0x3FA7]  }
0x2e: {  	s3 =	simm.s32 @!p0 $0x1082;
	s9 =	sld [smem:$0x3FA8]  }
0x2f: {  	lr =	sadd.s32 s0, s3;
	s0 =	sld [smem:$0x3F9F]  }
0x30: {  	s3 =	sld [smem:$0x3FA2]  }
0x31: {  	[smem:$0x3FAB] =	sst s10  }
0x32: {  	s10 =	sld [smem:$0x3FA9];
	_ =	sdelay $0x3  }
0x33: {  	p0 =	seq.s32 s10, $0x1;
	s10 =	sld [smem:$0x3FAB];
	_ =	sdelay $0x3  }
0x34: {  	[smem:$0x3FAB] =	sst s10  }
0x35: {  	s10 =	sld [smem:$0x3FAA];
	_ =	sdelay $0x3  }
0x36: {  	p1 =	seq.s32 s10, $0x1;
	s10 =	sld [smem:$0x3FAB];
	_ =	sdelay $0x3  }
0x37: {  	[smem:$0x3FAB] =	sst s10  }
0x38: {  	s10 =	sld [smem:$0x3FAC]  }
0x39: {  	_ = 	snop;
	(pc) =	sbr.ind lr, $3  }
0x3a: {  	_ = 	snop  }
0x3b: {  	_ = 	snop  }
0x3c: {  	p2 =	seq.s32 s10, $0x1;
	s10 =	sld [smem:$0x3FAB]  }
0x3d: {  	_ =	shalt  }
0x3e: {  	_ =	shalt  }
0x3f: {  	_ =	shalt  }
0x40: {  	_ =	shalt  }
0x41: {  	_ =	shalt  }
0x42: {  	_ =	shalt  }
0x43: {  	_ =	shalt  }
0x44: {  	_ =	shalt  }
0x45: {  	_ =	shalt  }
0x46: {  	_ =	shalt  }
0x47: {  	_ =	shalt  }
0x48: {  	_ =	shalt  }
0x49: {  	_ =	shalt  }
0x4a: {  	_ =	shalt  }
0x4b: {  	_ =	shalt  }
0x4c: {  	_ =	shalt  }
0x4d: {  	_ =	shalt  }
0x4e: {  	_ =	shalt  }
0x4f: {  	_ =	shalt  }
0x50: {  	_ =	shalt  }
0x51: {  	_ =	shalt  }
0x52: {  	_ =	shalt  }
0x53: {  	_ =	shalt  }
0x54: {  	_ =	shalt  }
0x55: {  	_ =	shalt  }
0x56: {  	_ =	shalt  }
0x57: {  	_ =	shalt  }
0x58: {  	_ =	shalt  }
0x59: {  	_ =	shalt  }
0x5a: {  	_ =	shalt  }
0x5b: {  	_ =	shalt  }
0x5c: {  	_ =	shalt  }
0x5d: {  	_ =	shalt  }
0x5e: {  	_ =	shalt  }
0x5f: {  	_ =	shalt  }
0x60: {  	_ =	shalt  }
0x61: {  	_ =	shalt  }
0x62: {  	_ =	shalt  }
0x63: {  	_ =	shalt  }
0x64: {  	_ =	shalt  }
0x65: {  	_ =	shalt  }
0x66: {  	_ =	shalt  }
0x67: {  	_ =	shalt  }
0x68: {  	_ =	shalt  }
0x69: {  	_ =	shalt  }
0x6a: {  	_ =	shalt  }
0x6b: {  	_ =	shalt  }
0x6c: {  	_ =	shalt  }
0x6d: {  	_ =	shalt  }
0x6e: {  	_ =	shalt  }
0x6f: {  	_ =	shalt  }
0x70: {  	_ =	shalt  }
0x71: {  	_ =	shalt  }
0x72: {  	_ =	shalt  }
0x73: {  	_ =	shalt  }
0x74: {  	_ =	shalt  }
0x75: {  	_ =	shalt  }
0x76: {  	_ =	shalt  }
0x77: {  	_ =	shalt  }
0x78: {  	_ =	shalt  }
0x79: {  	_ =	shalt  }
0x7a: {  	_ =	shalt  }
0x7b: {  	_ =	shalt  }
0x7c: {  	_ =	shalt  }
0x7d: {  	_ =	shalt  }
0x7e: {  	_ =	shalt  }
0x7f: {  	_ =	shalt  }
0x80: {  	_ =	shalt  }
0x81: {  	_ =	shalt  }
0x82: {  	_ =	shalt  }
0x83: {  	_ =	shalt  }
0x84: {  	_ =	shalt  }
0x85: {  	_ =	shalt  }
0x86: {  	_ =	shalt  }
0x87: {  	_ =	shalt  }
.Lfunc_end0:
.L_simem_size_0:
called_computation.3_lowered:
.L_overlay_start_0:
0x88: {  	s2 =	sld [smem:$0x3FD9]  }
0x89: {  	s3 =	sld [smem:$0x3FFE];
	_ =	sdelay $0x1  }
0x8a: {  	s1 =	srdreg.scid  }
0x8b: {  	s0 =	sand.u32 $0x1, s1  }
0x8c: {  	s17 =	sshll.u32 s0, $0xA;
	s2 =	sadd.s32 s3, s2  }
0x8d: {  	s2 =	sadd.s32 s2, s17  }
0x8e: {  	[smem:$0x3FB7] =	sst s2  }
0x8f: {  	_ = 	snop  }
0x90: {  	s2 =	sld [smem:$0x3FC7];
	(tm) =	ssettm $0x1  }
0x91: {  	s18 =	sld [smem:$0x3FFB];
	_ =	sdelay $0x3  }
0x92: {  	_ =	strace s18  }
0x93: {  	s3 =	sld [smem:$0x3FFC];
	_ =	sdelay $0x3  }
0x94: {  	_ =	strace s3  }
0x95: {  	s3 =	sld [smem:$0x3FFD];
	_ =	sdelay $0x3  }
0x96: {  	_ =	strace s3  }
0x97: {  	_ =	strace $0x8FFFFFFF  }
0x98: {  	s19 =	sld [smem:$0x3FDB];
	_ =	sdelay $0x1  }
0x99: {  	s4 =	simm.s32 $_scs_section_size  }
0x9a: {  	s5 =	simm.s32 $_size__tile_overlayer_lowered;
	s6 =	simm.s32 $_tile_overlayer_lowered  }
0x9b: {  	s22 =	simm.s32 $0x1BFF;
	s21 =	sshll.u32 s6, $0x1;
	s3 =	sadd.s32 s4, s19  }
0x9c: {  	s7 =	simm.s32 $0x0;
	s20 =	sshll.u32 s5, $0x1;
	s5 =	sadd.s32 s21, s3  }
0x9d: {  	[timem:s7], [sflag:s22] =	dma.local [hbm:s5], s20  }
0x9e: {  	_ =	swait.ge [sflag:s22], s20  }
0x9f: {  	s4 =	ssub.s32 $0x0, s20;
	[sflag:s22] =	ssyncset.done $0x0  }
0xa0: {  	[sflag:s22] =	ssyncadd.s32 s4;
	_ =	sdelay $0x1  }
0xa1: {  	s23 =	simm.s32 $0x1B8B  }
0xa2: {  	_ =	swait.ge [sflag:s23], $0x1  }
0xa3: {  	[sflag:s23] =	ssyncset.done $0x0  }
0xa4: {  	s25 =	simm.s32 $0x1B8E;
	s24 =	sld [smem:$0x3FFE];
	[sflag:s23] =	ssyncadd.s32 $0xFFFFFFFF  }
0xa5: {  	s26 =	simm.s32 $execute0_lowered;
	[smem:$0x3FD2] =	sst s25  }
0xa6: {  	s5 =	sshll.u32 s26, $0x1;
	_ =	strace $0x8000004F;
	[dreg:$0x1] =	wrdreg $0xFFFFFFFF  }
0xa7: {  	s28 =	simm.s32 $_size_execute0_lowered;
	s3 =	sadd.s32 s3, s5;
	[dreg:$0x0] =	wrdreg $0x0  }
0xa8: {  	s5 =	sshll.u32 s28, $0x1;
	[dreg:$0x2] =	wrdreg s3  }
0xa9: {  	[dreg:$0x3] =	wrdreg s5  }
0xaa: {  	[dreg:$0x4] =	wrdreg $0xC0  }
0xab: {  	_ =	task [dreg:s7], $0x5FFFF  }
0xac: {  	[dreg:$0x1] =	wrdreg $0xFFFFFFFF  }
0xad: {  	[dreg:$0x0] =	wrdreg $0x60  }
0xae: {  	[dreg:$0x2] =	wrdreg s24  }
0xaf: {  	[dreg:$0x3] =	wrdreg s2  }
0xb0: {  	[dreg:$0x4] =	wrdreg $0x38000  }
0xb1: {  	[dreg:$0x5] =	wrdreg $0x9  }
0xb2: {  	_ =	task.clear_ibuf [dreg:s7], $0x6FFFF;
	_ =	strace $0x9000004F  }
0xb3: {  	s29 =	simm.s32 $0x9;
	_ =	strace $0x80000051  }
0xb4: {  	_ =	swait.ge [sflag:s29], $0x1  }
0xb5: {  	[sflag:s29] =	ssyncadd.s32 $0xFFFFFFFF  }
0xb6: {  	_ =	strace $0x90000051  }
0xb7: {  	_ =	sfence  }
0xb8: {  	s30 =	sld [smem:$0x0];
	_ =	sdelay $0x2  }
0xb9: {  	s31 =	sshll.u32 s1, $0xD;
	s1 =	sshrl.u32 s1, $0x2  }
0xba: {  	s3 =	sand.u32 $0x4000, s31;
	s1 =	sadd.s32 s1, s30  }
0xbb: {  	s0 =	sor.u32 s3, s0;
	s1 =	sshll.u32 s1, $0x11  }
0xbc: {  	s0 =	sor.u32 s1, s0  }
0xbd: {  	s0 =	sadd.s32 $0x8F2B, s0  }
0xbe: {  	[sflag:s0] =	ssyncadd.remote.s32 $0x1  }
0xbf: {  	_ =	sfence.sel $0xFFFF  }
0xc0: {  	[dreg:$0x0] =	wrdreg $0xFFFFFFFF;
	(pc) =	sbr.abs _section_cstart, $3  }
0xc1: {  	[dreg:$0x1] =	wrdreg $0xFFFFFFFF  }
0xc2: {  	_ =	task.clear_ibuf [dreg:s7], $0x2FFFF;
	_ =	strace $0x9FFFFFFF  }
0xc3: {  	(tm) =	ssettm $0x7FFFFFFF  }
tec
execute0_lowered:
.L_overlay_start_1:
0x0: {  	(tag) =	ssettag $0x1  }
0x1: {  	s5 =	rddreg [dreg:$0x0]  }
0x2: {  	s1 =	srdreg.scid;
	s2 =	rddreg [dreg:$0x1]  }
0x3: {  	s0 =	stileid.u32;
	s3 =	rddreg [dreg:$0x2];
	s4 =	simm.s32 $0x0  }
0x4: {  	s15 =	simm.s32 $0x50;
	s16 =	simm.s32 $0x200;
	s17 =	simm.s32 $0x1  }
0x5: {  	s18 =	simm.s32 $0x80;
	s19 =	simm.s32 $0x280;
	s20 =	simm.s32 $0x100  }
0x6: {  	s21 =	simm.s32 $0x300;
	s22 =	simm.s32 $0x180;
	s23 =	simm.s32 $0x380  }
0x7: {  	s24 =	simm.s32 $0x400;
	s25 =	simm.s32 $0x0;
	s6 =	sand.u32 $0x1, s1  }
0x8: {  	s29 =	sshll.u32 s0, $0x1;
	s1 =	rddreg [dreg:$0x3];
	s9 =	smul.u32 $0xC00, s0  }
0x9: {  	[smem:$0x7FF] =	sst s4;
	s11 =	smul.u32 $0x3000, s0;
	s13 =	sor.u32 s6, s29  }
0xa: {  	s8 =	smul.u32 $0xC000, s6;
	_ =	strace $0x80000050;
	s6 =	ssub.s32 $0x2, s6  }
0xb: {  	s7 =	smul.u32 $0x1400, s13;
	s30 =	sshll.u32 s13, $0x6;
	s31 =	sshrl.u32 s6, $0x1  }
0xc: {  	s11 =	sshrl.u32 s11, $0x2;
	p0 =	seq.s32 s13, $0x1F;
	s8 =	sadd.s32 s9, s8  }
0xd: {  	s13 =	simm.s32 $0x2C00;
	s14 =	ssub.s32 s6, s31;
	s8 =	sshrl.u32 s8, $0x3  }
0xe: {  	s10 =	sadd.s32 s7, s5;
	s7 =	sadd.s32 s30, s5;
	s12 =	sadd.s32 s8, s5  }
0xf: {  	s5 =	sadd.s32 s11, s3;
	s6 =	sadd.s32 $0x79C00, s7;
	s7 =	sadd.s32 $0x4000, s10  }
0x10: {  	s8 =	sadd.s32 $0x4500, s10;
	s9 =	sadd.s32 $0x4A00, s10;
	s10 =	sadd.s32 $0x4F00, s10  }
0x11: {  	v0 =	vimm.f32 $0.0e+00;
	s11 =	sadd.s32 $0x2B200, s12;
	s12 =	smax.u32 s14, $0x1;
	s14 =	simm.s32 $0x2  }
.LBB2_1:
0x12: {  	s26 =	simm.s32 $0x70;
	s28 =	simm.s32 $0x3C0  }
.LBB2_2:
0x13: {  	p1 =	sne.s32 s28, $0x2FC0;
	[tilespmem:s26+$0x2C00] =	vst v0  }
0x14: {  	[tilespmem:s26+$0x2B90] =	vst v0  }
0x15: {  	[tilespmem:s26+$0x2BA0] =	vst v0  }
.Ltmp0:
0x16: {  	[tilespmem:s26+$0x2BB0] =	vst v0;
	(pc) =	sbr.rel @p1 .LBB2_2-.Ltmp0, $4  }
0x17: {  	[tilespmem:s26+$0x2BC0] =	vst v0  }
0x18: {  	[tilespmem:s26+$0x2BD0] =	vst v0  }
0x19: {  	[tilespmem:s26+$0x2BE0] =	vst v0  }
0x1a: {  	[tilespmem:s26+$0x2BF0] =	vst v0;
	s26 =	sshra.s32 s28, $0x2;
	s28 =	sadd.s32 $0x200, s28  }
0x1b: {  	[tilespmem:s26+$0x2C00] =	vst v0  }
0x1c: {  	[tilespmem:s26+$0x2B90] =	vst v0  }
0x1d: {  	[tilespmem:s26+$0x2BA0] =	vst v0  }
0x1e: {  	[tilespmem:s26+$0x2BB0] =	vst v0  }
0x1f: {  	[tilespmem:s26+$0x2BC0] =	vst v0  }
0x20: {  	[tilespmem:s26+$0x2BD0] =	vst v0  }
0x21: {  	[tilespmem:s26+$0x2BE0] =	vst v0  }
0x22: {  	[tilespmem:s26+$0x2BF0] =	vst v0  }
0x23: {  	[spmem:s5] =	stream.linear.scatter [tilespmem:s13], [sflag:$0x2], $0xC00, $0x38;
	[tilespmem:$0x4400] =	vst v63  }
0x24: {  	_ =	swait.ge [sflag:s14], $0xC00  }
0x25: {  	[sflag:s14] =	ssyncset.done $0x0  }
0x26: {  	[sflag:s14] =	ssyncadd.s32 $0xFFFFF400  }
0x27: {  	[tilespmem:s4], [sflag:$0x2] =	stream.linear.gather [hbm4b:s6+s4], $0x200, $0x38;
	[tilespmem:$0x4400] =	vst v63  }
0x28: {  	_ =	swait.ge [sflag:s14], $0x200  }
0x29: {  	[sflag:s14] =	ssyncset.done $0x0  }
0x2a: {  	[sflag:s14] =	ssyncadd.s32 $0xFFFFFE00  }
0x2b: {  	[tilespmem:s16], [sflag:$0x1] =	stream.indirect.gather [hbm4b:s2+s15], $0x1, s4, s15, $0xb8;
	[tilespmem:$0x4400] =	vst v63  }
0x2c: {  	_ =	swait.ge [sflag:s17], $0x50  }
0x2d: {  	[sflag:s17] =	ssyncset.done $0x0  }
0x2e: {  	[sflag:s17] =	ssyncadd.s32 $0xFFFFFFB0  }
0x2f: {  	[tilespmem:s19], [sflag:$0x1] =	stream.indirect.gather [hbm4b:s2+s15], $0x1, s18, s15, $0xb8;
	[tilespmem:$0x4400] =	vst v63  }
0x30: {  	_ =	swait.ge [sflag:s17], $0x50  }
0x31: {  	[sflag:s17] =	ssyncset.done $0x0  }
0x32: {  	[sflag:s17] =	ssyncadd.s32 $0xFFFFFFB0  }
0x33: {  	[tilespmem:s21], [sflag:$0x1] =	stream.indirect.gather [hbm4b:s2+s15], $0x1, s20, s15, $0xb8;
	[tilespmem:$0x4400] =	vst v63  }
0x34: {  	_ =	swait.ge [sflag:s17], $0x50  }
0x35: {  	[sflag:s17] =	ssyncset.done $0x0  }
0x36: {  	[sflag:s17] =	ssyncadd.s32 $0xFFFFFFB0  }
0x37: {  	[tilespmem:s23], [sflag:$0x1] =	stream.indirect.gather [hbm4b:s2+s15], $0x1, s22, s15, $0xb8;
	[tilespmem:$0x4400] =	vst v63  }
0x38: {  	_ =	swait.ge [sflag:s17], $0x50  }
0x39: {  	[sflag:s17] =	ssyncset.done $0x0  }
0x3a: {  	[sflag:s17] =	ssyncadd.s32 $0xFFFFFFB0  }
0x3b: {  	[bflag:$0x0] =	sbarrier.arrive $0xFFFF  }
0x3c: {  	[tilespmem:s24], [sflag:$0x2] =	stream.linear.gather [hbm4b:s7+s4], $0x2800, $0x38;
	[tilespmem:$0x4400] =	vst v63  }
0x3d: {  	_ =	swait.ge [sflag:s14], $0x2800  }
0x3e: {  	[sflag:s14] =	ssyncset.done $0x0  }
0x3f: {  	[sflag:s14] =	ssyncadd.s32 $0xFFFFD800  }
0x40: {  	[spmem:s3] =	stream.indirect.scatter.add.f32 [tilespmem:s24], [sflag:$0x2], $0x80, s16, s15, $0xb8;
	[tilespmem:$0x4400] =	vst v63  }
0x41: {  	_ =	swait.ge [sflag:s14], $0x2800  }
0x42: {  	s26 =	simm.s32 @!p0 $0x0;
	[sflag:s14] =	ssyncset.done $0x0  }
0x43: {  	s28 =	simm.s32 @!p0 $0x400;
	s29 =	simm.s32 @!p0 $0x2;
	[sflag:s14] =	ssyncadd.s32 $0xFFFFD800  }
0x44: {  	[tilespmem:s28], [sflag:$0x2] =	stream.linear.gather @!p0 [hbm4b:s8+s26], $0x2800, $0x38;
	[tilespmem:$0x4400] =	vst v63  }
0x45: {  	_ =	swait.ge @!p0 [sflag:s29], $0x2800  }
0x46: {  	[sflag:s29] =	ssyncset.done @!p0 $0x0  }
0x47: {  	s30 =	simm.s32 @!p0 $0x50;
	s31 =	simm.s32 @!p0 $0x280;
	[sflag:s29] =	ssyncadd.s32 @!p0 $0xFFFFD800  }
0x48: {  	[spmem:s3] =	stream.indirect.scatter.add.f32 @!p0 [tilespmem:s28], [sflag:$0x2], $0x80, s31, s30, $0xb8;
	[tilespmem:$0x4400] =	vst v63  }
0x49: {  	_ =	swait.ge @!p0 [sflag:s29], $0x2800  }
0x4a: {  	[sflag:s29] =	ssyncset.done @!p0 $0x0  }
0x4b: {  	[sflag:s29] =	ssyncadd.s32 @!p0 $0xFFFFD800  }
0x4c: {  	[tilespmem:s28], [sflag:$0x2] =	stream.linear.gather @!p0 [hbm4b:s9+s26], $0x2800, $0x38;
	[tilespmem:$0x4400] =	vst v63  }
0x4d: {  	_ =	swait.ge @!p0 [sflag:s29], $0x2800  }
0x4e: {  	[sflag:s29] =	ssyncset.done @!p0 $0x0  }
0x4f: {  	s31 =	simm.s32 @!p0 $0x300;
	[sflag:s29] =	ssyncadd.s32 @!p0 $0xFFFFD800  }
0x50: {  	[spmem:s3] =	stream.indirect.scatter.add.f32 @!p0 [tilespmem:s28], [sflag:$0x2], $0x80, s31, s30, $0xb8;
	[tilespmem:$0x4400] =	vst v63  }
0x51: {  	_ =	swait.ge @!p0 [sflag:s29], $0x2800  }
0x52: {  	[sflag:s29] =	ssyncset.done @!p0 $0x0  }
0x53: {  	[sflag:s29] =	ssyncadd.s32 @!p0 $0xFFFFD800  }
0x54: {  	[tilespmem:s28], [sflag:$0x2] =	stream.linear.gather @!p0 [hbm4b:s10+s26], $0x2800, $0x38;
	[tilespmem:$0x4400] =	vst v63  }
0x55: {  	_ =	swait.ge @!p0 [sflag:s29], $0x2800  }
0x56: {  	[sflag:s29] =	ssyncset.done @!p0 $0x0  }
0x57: {  	s26 =	simm.s32 @!p0 $0x380;
	[sflag:s29] =	ssyncadd.s32 @!p0 $0xFFFFD800  }
0x58: {  	[spmem:s3] =	stream.indirect.scatter.add.f32 @!p0 [tilespmem:s28], [sflag:$0x2], $0x80, s26, s30, $0xb8;
	[tilespmem:$0x4400] =	vst v63  }
0x59: {  	_ =	swait.ge @!p0 [sflag:s29], $0x2800  }
0x5a: {  	[sflag:s29] =	ssyncset.done @!p0 $0x0  }
0x5b: {  	[sflag:s29] =	ssyncadd.s32 @!p0 $0xFFFFD800  }
0x5c: {  	[bflag:$0x0] =	sbarrier.arrive $0xFFFF  }
0x5d: {  	[tilespmem:s13], [sflag:$0x2] =	stream.linear.gather [spmem:s5], $0xC00, $0x38;
	[tilespmem:$0x4400] =	vst v63  }
0x5e: {  	s25 =	sadd.s32 $0x1, s25;
	_ =	swait.ge [sflag:s14], $0xC00  }
0x5f: {  	p1 =	sne.s32 s25, s12;
	[sflag:s14] =	ssyncset.done $0x0  }
.Ltmp1:
0x60: {  	[sflag:s14] =	ssyncadd.s32 $0xFFFFF400;
	(pc) =	sbr.rel @p1 .LBB2_1-.Ltmp1, $4  }
0x61: {  	[hbm4b:s11+s4] =	stream.linear.scatter [tilespmem:s13], [sflag:$0x2], $0xC00, $0x38;
	[tilespmem:$0x4400] =	vst v63  }
0x62: {  	_ =	swait.ge [sflag:s14], $0xC00  }
0x63: {  	[sflag:s14] =	ssyncset.done $0x0  }
0x64: {  	[sflag:s14] =	ssyncadd.s32 $0xFFFFF400  }
0x65: {  	_ =	sfence.sel $0x180000  }
0x66: {  	[bflag:$0x0] =	sbarrier.arrive $0xFFFF  }
0x67: {  	p0 =	sne.s32 s0, $0x0;
	_ =	strace $0x90000050  }
0x68: {  	s0 =	sadd.s32 @!p0 $0x100000, s1;
	[bflag:$0x2] =	sbarrier.arrive $0xFFFF  }
0x69: {  	[sflag:s0] =	ssyncadd.tile.s32 @!p0 $0x1;
	_ =	shalt  }
.Lfunc_end2:
_tile_overlayer_lowered:
.L_overlay_start_2:
0x6a: {  	(tag) =	ssettag $0x2  }
0x6b: {  	s0 =	rddreg [dreg:$0x0];
	s2 =	stileid.u32  }
0x6c: {  	s1 =	rddreg [dreg:$0x1];
	p0 =	sne.s32 s2, $0x0  }
0x6d: {  	s3 =	rddreg [dreg:$0x2];
	[bflag:$0x3] =	sbarrier.arrive $0xFFFF;
	s2 =	simm.s32 @!p0 $0x1C02  }
0x6e: {  	[timem:s3], [sflag:s2] =	dma.local @!p0 [hbm:s0], s1  }
0x6f: {  	s0 =	simm.s32 @!p0 $0x2  }
0x70: {  	_ =	swait.ge @!p0 [sflag:s0], s1  }
0x71: {  	s1 =	ssub.s32 @!p0 $0x0, s1;
	[sflag:s0] =	ssyncset.done @!p0 $0x0  }
0x72: {  	[sflag:s0] =	ssyncadd.s32 @!p0 s1  }
0x73: {  	[bflag:$0x3] =	sbarrier.arrive $0xFFFF  }
0x74: {  	_ =	shalt  }

</sc_bundles>
